<compile_context>
chip_gen: v7x
topology: tpu7x:2x2x1
jax: 0.10.2.dev20260603
libtpu: 0.0.44.dev20260713+nightly
codegen_flags: <defaults>
</compile_context>

<pallas_src>
import functools

import jax
import jax.numpy as jnp
from jax import lax
from jax.experimental import pallas as pl
from jax.experimental.pallas import tpu as pltpu
from jax.experimental.pallas import tpu_sc as plsc

N = 10000
E = 320000
D = 128
B = 400
NP = 10240
R = 512
G = NP // R
NB = 8

NC, NS = 2, 16
NW = NC * NS
EPT = E // NW
CH = 80
NCH = EPT // CH
ZR = NP // NS


def _edge_agg_kernel(src_hbm, bnd_hbm, dst_hbm, t_hbm, out_hbm,
                     src_v, b_v, dst_v, idx_v, rows_v, acc_sh, sem):
    c = lax.axis_index("c")
    s = lax.axis_index("s")
    tid = s * NC + c

    def zrow(i, carry):
        for j in range(D // 16):
            rows_v[i, pl.ds(j * 16, 16)] = jnp.zeros((16,), jnp.float32)
        return carry
    lax.fori_loop(0, CH, zrow, 0)

    def zacc(k, carry):
        pltpu.sync_copy(rows_v, acc_sh.at[pl.ds(s * ZR + k * CH, CH)])
        return carry
    lax.fori_loop(0, ZR // CH, zacc, 0)
    plsc.subcore_barrier()

    base = tid * EPT

    def chunk(i, carry):
        off = base + i * CH
        pltpu.sync_copy(src_hbm.at[pl.ds(off, CH)], src_v)
        pltpu.sync_copy(bnd_hbm.at[pl.ds(off, CH)], b_v)
        pltpu.sync_copy(dst_hbm.at[pl.ds(off, CH)], dst_v)
        for j in range(CH // 16):
            sl = pl.ds(j * 16, 16)
            idx_v[sl] = b_v[sl] * NP + src_v[sl]
        pltpu.async_copy(t_hbm.at[idx_v], rows_v, sem).wait()
        pltpu.sync_copy(rows_v, acc_sh.at[dst_v], add=True)
        return carry
    lax.fori_loop(0, NCH, chunk, 0)
    plsc.subcore_barrier()

    def cpout(k, carry):
        r = s * ZR + k * CH
        pltpu.sync_copy(acc_sh.at[pl.ds(r, CH)], rows_v)
        pltpu.sync_copy(rows_v, out_hbm.at[pl.ds(c * NP + r, CH)])
        return carry
    lax.fori_loop(0, ZR // CH, cpout, 0)


_edge_agg = functools.partial(
    pl.kernel,
    mesh=plsc.VectorSubcoreMesh(core_axis_name="c", subcore_axis_name="s"),
    out_type=jax.ShapeDtypeStruct((NC * NP, D), jnp.float32),
    scratch_types=[
        pltpu.VMEM((CH,), jnp.int32),
        pltpu.VMEM((CH,), jnp.int32),
        pltpu.VMEM((CH,), jnp.int32),
        pltpu.VMEM((CH,), jnp.int32),
        pltpu.VMEM((CH, D), jnp.float32),
        pltpu.VMEM_SHARED((NP, D), jnp.float32),
        pltpu.SemaphoreType.DMA,
    ],
)(_edge_agg_kernel)


def _embed_body(x0_ref, ae_ref, bond_ref, h_ref, t_ref):
    xrow = x0_ref[0]
    iota = lax.broadcasted_iota(jnp.int32, (119, R), 0).astype(jnp.float32)
    onehot_t = (jnp.broadcast_to(xrow, (119, R)) == iota).astype(jnp.float32)
    h = lax.dot_general(onehot_t, ae_ref[...], (((0,), (0,)), ((), ())),
                        precision=lax.Precision.HIGHEST,
                        preferred_element_type=jnp.float32)
    h_ref[...] = h
    for b in range(NB):
        t_ref[b] = jnp.maximum(h + bond_ref[b:b + 1, :], 0.0)


_embed = pl.pallas_call(
    _embed_body,
    grid=(G,),
    in_specs=[
        pl.BlockSpec((1, 1, R), lambda i: (i, 0, 0)),
        pl.BlockSpec((119, D), lambda i: (0, 0)),
        pl.BlockSpec((NB, D), lambda i: (0, 0)),
    ],
    out_specs=[
        pl.BlockSpec((R, D), lambda i: (i, 0)),
        pl.BlockSpec((NB, R, D), lambda i: (0, i, 0)),
    ],
    out_shape=[
        jax.ShapeDtypeStruct((NP, D), jnp.float32),
        jax.ShapeDtypeStruct((NB, NP, D), jnp.float32),
    ],
)


def _mlp_body(h_ref, a0_ref, a1_ref, eps_ref, w1_ref, b1_ref, w2_ref, b2_ref,
              y_ref, st_ref):
    i = pl.program_id(0)
    u = eps_ref[...] * h_ref[...] + (a0_ref[...] + a1_ref[...])
    t = jnp.maximum(jnp.dot(u, w1_ref[...],
                            preferred_element_type=jnp.float32) + b1_ref[...],
                    0.0)
    y = jnp.dot(t, w2_ref[...],
                preferred_element_type=jnp.float32) + b2_ref[...]
    y_ref[...] = y

    @pl.when(i == 0)
    def _():
        st_ref[...] = jnp.zeros_like(st_ref)

    row = i * R + lax.broadcasted_iota(jnp.int32, (R, D), 0)
    ym = jnp.where(row < N, y, 0.0)
    s1 = jnp.sum(ym, axis=0, keepdims=True)
    st_ref[...] += jnp.concatenate([s1, jnp.zeros((7, D), jnp.float32)], 0)


_mlp = pl.pallas_call(
    _mlp_body,
    grid=(G,),
    in_specs=[
        pl.BlockSpec((R, D), lambda i: (i, 0)),
        pl.BlockSpec((R, D), lambda i: (i, 0)),
        pl.BlockSpec((R, D), lambda i: (i + G, 0)),
        pl.BlockSpec((1, D), lambda i: (0, 0)),
        pl.BlockSpec((D, 2 * D), lambda i: (0, 0)),
        pl.BlockSpec((1, 2 * D), lambda i: (0, 0)),
        pl.BlockSpec((2 * D, D), lambda i: (0, 0)),
        pl.BlockSpec((1, D), lambda i: (0, 0)),
    ],
    out_specs=[
        pl.BlockSpec((R, D), lambda i: (i, 0)),
        pl.BlockSpec((8, D), lambda i: (0, 0)),
    ],
    out_shape=[
        jax.ShapeDtypeStruct((NP, D), jnp.float32),
        jax.ShapeDtypeStruct((8, D), jnp.float32),
    ],
)


def _var_body(stm_ref, y_ref, stv_ref):
    i = pl.program_id(0)

    @pl.when(i == 0)
    def _():
        stv_ref[...] = jnp.zeros_like(stv_ref)

    mean = stm_ref[0:1, :] * (1.0 / N)
    row = i * R + lax.broadcasted_iota(jnp.int32, (R, D), 0)
    yc = jnp.where(row < N, y_ref[...] - mean, 0.0)
    s2 = jnp.sum(yc * yc, axis=0, keepdims=True)
    stv_ref[...] += jnp.concatenate([s2, jnp.zeros((7, D), jnp.float32)], 0)


_var = pl.pallas_call(
    _var_body,
    grid=(G,),
    in_specs=[
        pl.BlockSpec((8, D), lambda i: (0, 0)),
        pl.BlockSpec((R, D), lambda i: (i, 0)),
    ],
    out_specs=pl.BlockSpec((8, D), lambda i: (0, 0)),
    out_shape=jax.ShapeDtypeStruct((8, D), jnp.float32),
)


def _bn_core(stm_ref, stv_ref, y_ref, gamma_ref, beta_ref):
    mean = stm_ref[0:1, :] * (1.0 / N)
    var = stv_ref[0:1, :] * (1.0 / N)
    inv = gamma_ref[...] / jnp.sqrt(var + 1e-5)
    return (y_ref[...] - mean) * inv + beta_ref[...]


def _finalize_body(stm_ref, stv_ref, y_ref, gamma_ref, beta_ref, bond_ref,
                   h_ref, t_ref):
    h = jnp.maximum(_bn_core(stm_ref, stv_ref, y_ref, gamma_ref, beta_ref), 0.0)
    h_ref[...] = h
    for b in range(NB):
        t_ref[b] = jnp.maximum(h + bond_ref[b:b + 1, :], 0.0)


_finalize = pl.pallas_call(
    _finalize_body,
    grid=(G,),
    in_specs=[
        pl.BlockSpec((8, D), lambda i: (0, 0)),
        pl.BlockSpec((8, D), lambda i: (0, 0)),
        pl.BlockSpec((R, D), lambda i: (i, 0)),
        pl.BlockSpec((1, D), lambda i: (0, 0)),
        pl.BlockSpec((1, D), lambda i: (0, 0)),
        pl.BlockSpec((NB, D), lambda i: (0, 0)),
    ],
    out_specs=[
        pl.BlockSpec((R, D), lambda i: (i, 0)),
        pl.BlockSpec((NB, R, D), lambda i: (0, i, 0)),
    ],
    out_shape=[
        jax.ShapeDtypeStruct((NP, D), jnp.float32),
        jax.ShapeDtypeStruct((NB, NP, D), jnp.float32),
    ],
)


def _finalize_last_body(stm_ref, stv_ref, y_ref, gamma_ref, beta_ref, h_ref):
    h_ref[...] = _bn_core(stm_ref, stv_ref, y_ref, gamma_ref, beta_ref)


_finalize_last = pl.pallas_call(
    _finalize_last_body,
    grid=(G,),
    in_specs=[
        pl.BlockSpec((8, D), lambda i: (0, 0)),
        pl.BlockSpec((8, D), lambda i: (0, 0)),
        pl.BlockSpec((R, D), lambda i: (i, 0)),
        pl.BlockSpec((1, D), lambda i: (0, 0)),
        pl.BlockSpec((1, D), lambda i: (0, 0)),
    ],
    out_specs=pl.BlockSpec((R, D), lambda i: (i, 0)),
    out_shape=jax.ShapeDtypeStruct((NP, D), jnp.float32),
)


def _pool_body(bat_ref, h_ref, out_ref, sums, cnts):
    i = pl.program_id(0)

    @pl.when(i == 0)
    def _():
        sums[...] = jnp.zeros_like(sums)
        cnts[...] = jnp.zeros_like(cnts)

    brow = bat_ref[0]
    iota = lax.broadcasted_iota(jnp.int32, (B, R), 0).astype(jnp.float32)
    onehot_t = (jnp.broadcast_to(brow, (B, R)) == iota).astype(jnp.float32)
    sums[...] += lax.dot_general(onehot_t, h_ref[...], (((1,), (0,)), ((), ())),
                                 precision=lax.Precision.HIGHEST,
                                 preferred_element_type=jnp.float32)
    cnts[...] += lax.dot_general(onehot_t, jnp.ones((R, D), jnp.float32),
                                 (((1,), (0,)), ((), ())),
                                 precision=lax.Precision.HIGHEST,
                                 preferred_element_type=jnp.float32)

    @pl.when(i == G - 1)
    def _():
        out_ref[...] = sums[...] / jnp.maximum(cnts[...], 1.0)


_pool = pl.pallas_call(
    _pool_body,
    grid=(G,),
    in_specs=[
        pl.BlockSpec((1, 1, R), lambda i: (i, 0, 0)),
        pl.BlockSpec((R, D), lambda i: (i, 0)),
    ],
    out_specs=pl.BlockSpec((B, D), lambda i: (0, 0)),
    out_shape=jax.ShapeDtypeStruct((B, D), jnp.float32),
    scratch_shapes=[
        pltpu.VMEM((B, D), jnp.float32),
        pltpu.VMEM((B, D), jnp.float32),
    ],
)


def kernel(x, edge_index, edge_attr, batch, atom_embed, bond_embed,
           W1, b1, W2, b2, eps, gamma, beta):
    n_layers = W1.shape[0]
    x0f = jnp.concatenate(
        [x[:, 0].astype(jnp.float32), jnp.zeros((NP - N,), jnp.float32)]
    ).reshape(G, 1, R)
    batf = jnp.concatenate(
        [batch.astype(jnp.float32), jnp.full((NP - N,), -1.0, jnp.float32)]
    ).reshape(G, 1, R)
    src = edge_index[0].astype(jnp.int32)
    dst = edge_index[1].astype(jnp.int32)
    bnd = edge_attr[:, 0].astype(jnp.int32)

    h, t = _embed(x0f, atom_embed.astype(jnp.float32),
                  bond_embed.astype(jnp.float32))
    for l in range(n_layers):
        aggs = _edge_agg(src, bnd, dst, t.reshape(NB * NP, D))
        epsb = jnp.broadcast_to(1.0 + eps[l], (1, D))
        y, stm = _mlp(h, aggs, aggs, epsb, W1[l], b1[l].reshape(1, 2 * D),
                      W2[l], b2[l].reshape(1, D))
        stv = _var(stm, y)
        if l < n_layers - 1:
            h, t = _finalize(stm, stv, y, gamma[l].reshape(1, D),
                             beta[l].reshape(1, D),
                             bond_embed.astype(jnp.float32))
        else:
            h = _finalize_last(stm, stv, y, gamma[l].reshape(1, D),
                               beta[l].reshape(1, D))
    return _pool(batf, h)

# --- scband reference (transcript-rebuilt; emitter-appended) ---
"""Pipeline reference for scband-drug-2d-encoder-17205638988649 (READ-ONLY COPY).

The authoritative reference and input builder live on the scoring server;
editing this copy changes nothing except your own understanding.
"""

import jax, jax.numpy as jnp
import numpy as np

N, E, D, L, B = 10000, 320000, 128, 3, 400


def setup_inputs(seed: int = 0) -> dict:
    key = jax.random.key(seed)
    k = lambda i: jax.random.fold_in(key, i)
    x = jax.random.randint(k(0), (N, 9), 0, 119)
    edge_index = jax.random.randint(k(1), (2, E), 0, N)
    edge_attr = jax.random.randint(k(2), (E, 3), 0, 8)
    batch = jnp.sort(jax.random.randint(k(3), (N,), 0, B))
    atom_embed = jax.random.normal(k(4), (119, D), jnp.float32) * 0.1
    bond_embed = jax.random.normal(k(5), (8, D), jnp.float32) * 0.1
    W1 = jax.random.normal(k(6), (L, D, 2 * D), jnp.float32) * 0.05
    b1 = jnp.zeros((L, 2 * D), jnp.float32)
    W2 = jax.random.normal(k(7), (L, 2 * D, D), jnp.float32) * 0.05
    b2 = jnp.zeros((L, D), jnp.float32)
    eps = jnp.zeros((L,), jnp.float32)
    gamma = jnp.ones((L, D), jnp.float32)
    beta = jnp.zeros((L, D), jnp.float32)
    return {"x": x, "edge_index": edge_index, "edge_attr": edge_attr, "batch": batch,
            "atom_embed": atom_embed, "bond_embed": bond_embed, "W1": W1, "b1": b1,
            "W2": W2, "b2": b2, "eps": eps, "gamma": gamma, "beta": beta}


def reference(x, edge_index, edge_attr, batch, atom_embed, bond_embed, W1, b1, W2, b2, eps, gamma, beta):
    n = x.shape[0]
    n_layers = W1.shape[0]
    # atom / bond integer-feature embeddings (column 0 only, as in the torch code)
    h = atom_embed[x[:, 0]]
    ea = bond_embed[edge_attr[:, 0]]
    src, dst = edge_index[0], edge_index[1]
    for l in range(n_layers):
        # GIN(E) conv: message = relu(h_src + edge_attr); scatter-add to dst
        msg = jax.nn.relu(h[src] + ea)
        agg = jax.ops.segment_sum(msg, dst, num_segments=n)
        z = (1.0 + eps[l]) * h + agg
        # 2-layer MLP
        z = jax.nn.relu(z @ W1[l] + b1[l]) @ W2[l] + b2[l]
        # BatchNorm1d (training-style batch statistics, biased variance)
        mean = z.mean(axis=0)
        var = z.var(axis=0)
        z = gamma[l] * (z - mean) / jnp.sqrt(var + 1e-5) + beta[l]
        # dropout is identity in eval; relu on all but last layer
        if l < n_layers - 1:
            z = jax.nn.relu(z)
        h = z
    # global_mean_pool over graph ids
    sums = jax.ops.segment_sum(h, batch, num_segments=B)
    counts = jax.ops.segment_sum(jnp.ones((n,), h.dtype), batch, num_segments=B)
    return sums / jnp.maximum(counts, 1.0)[:, None]

if __name__ == "__main__":
    import jax
    _d = setup_inputs()
    print(jax.jit(kernel)(*tuple(_d.values())))

</pallas_src>

<mosaic_0001>
#map = affine_map<(d0, d1) -> (0)>
#map1 = affine_map<(d0, d1) -> (0, 0)>
module attributes {stable_mosaic.version = 14 : i64} {
  func.func @_edge_agg_kernel(%arg0: i32, %arg1: i32, %arg2: memref<320000xi32, #tpu.memory_space<hbm>>, %arg3: memref<320000xi32, #tpu.memory_space<hbm>>, %arg4: memref<320000xi32, #tpu.memory_space<hbm>>, %arg5: memref<81920x128xf32, #tpu.memory_space<hbm>>, %arg6: memref<20480x128xf32, #tpu.memory_space<hbm>>, %arg7: memref<80xi32, #tpu.memory_space<vmem>>, %arg8: memref<80xi32, #tpu.memory_space<vmem>>, %arg9: memref<80xi32, #tpu.memory_space<vmem>>, %arg10: memref<80xi32, #tpu.memory_space<vmem>>, %arg11: memref<80x128xf32, #tpu.memory_space<vmem>>, %arg12: memref<10240x128xf32, #tpu.memory_space<vmem_shared>>, %arg13: memref<!tpu.dma_semaphore, #tpu.memory_space<semaphore_mem>>) attributes {dimension_semantics = [#tpu.dimension_semantics<core_parallel>, #tpu.dimension_semantics<subcore_parallel>], iteration_bounds = array<i64: 2, 16>, scalar_prefetch = 0 : i64, scratch_operands = 7 : i64, tpu.core_type = #tpu.core_type<sc_vector_subcore>, window_params = [{transform_indices = #map}, {transform_indices = #map}, {transform_indices = #map}, {transform_indices = #map1}, {transform_indices = #map1}]} {
    %mul3A = arith.constant 2 : i32
    %mul3A_0 = arith.muli %arg1, %mul3A : i32
    %add3A = arith.addi %mul3A_0, %arg0 : i32
    %scan3A = arith.constant 0 : i32
    %scan3A_1 = arith.constant 0 : i32
    %scan3A_2 = arith.constant 80 : i32
    %scan3A_3 = arith.addi %scan3A_1, %scan3A_2 : i32
    %scan3A_4 = arith.constant 1 : i32
    scf.for %scan3A_27 = %scan3A_1 to %scan3A_3 step %scan3A_4  : i32 {
      %broadcast_in_dim3A = arith.constant 0.000000e+00 : f32
      %broadcast_in_dim3A_28 = vector.broadcast %broadcast_in_dim3A : f32 to vector<16xf32>
      %swap3A = arith.index_cast %scan3A_27 : i32 to index
      %swap3A_29 = arith.constant 0 : index
      %swap3A_30 = tpu.vector_load %arg11[%swap3A, %swap3A_29] {strides = array<i32>} : memref<80x128xf32, #tpu.memory_space<vmem>>, vector<1x16xf32>,
      %swap3A_31 = vector.shape_cast %swap3A_30 : vector<1x16xf32> to vector<16xf32>
      %swap3A_32 = vector.shape_cast %broadcast_in_dim3A_28 : vector<16xf32> to vector<1x16xf32>
      tpu.vector_store %arg11[%swap3A, %swap3A_29], %swap3A_32 {strides = array<i32>} : memref<80x128xf32, #tpu.memory_space<vmem>>, vector<1x16xf32>,
      %broadcast_in_dim3A_33 = arith.constant 0.000000e+00 : f32
      %broadcast_in_dim3A_34 = vector.broadcast %broadcast_in_dim3A_33 : f32 to vector<16xf32>
      %swap3A_35 = arith.index_cast %scan3A_27 : i32 to index
      %swap3A_36 = arith.constant 16 : index
      %swap3A_37 = tpu.vector_load %arg11[%swap3A_35, %swap3A_36] {strides = array<i32>} : memref<80x128xf32, #tpu.memory_space<vmem>>, vector<1x16xf32>,
      %swap3A_38 = vector.shape_cast %swap3A_37 : vector<1x16xf32> to vector<16xf32>
      %swap3A_39 = vector.shape_cast %broadcast_in_dim3A_34 : vector<16xf32> to vector<1x16xf32>
      tpu.vector_store %arg11[%swap3A_35, %swap3A_36], %swap3A_39 {strides = array<i32>} : memref<80x128xf32, #tpu.memory_space<vmem>>, vector<1x16xf32>,
      %broadcast_in_dim3A_40 = arith.constant 0.000000e+00 : f32
      %broadcast_in_dim3A_41 = vector.broadcast %broadcast_in_dim3A_40 : f32 to vector<16xf32>
      %swap3A_42 = arith.index_cast %scan3A_27 : i32 to index
      %swap3A_43 = arith.constant 32 : index
      %swap3A_44 = tpu.vector_load %arg11[%swap3A_42, %swap3A_43] {strides = array<i32>} : memref<80x128xf32, #tpu.memory_space<vmem>>, vector<1x16xf32>,
      %swap3A_45 = vector.shape_cast %swap3A_44 : vector<1x16xf32> to vector<16xf32>
      %swap3A_46 = vector.shape_cast %broadcast_in_dim3A_41 : vector<16xf32> to vector<1x16xf32>
      tpu.vector_store %arg11[%swap3A_42, %swap3A_43], %swap3A_46 {strides = array<i32>} : memref<80x128xf32, #tpu.memory_space<vmem>>, vector<1x16xf32>,
      %broadcast_in_dim3A_47 = arith.constant 0.000000e+00 : f32
      %broadcast_in_dim3A_48 = vector.broadcast %broadcast_in_dim3A_47 : f32 to vector<16xf32>
      %swap3A_49 = arith.index_cast %scan3A_27 : i32 to index
      %swap3A_50 = arith.constant 48 : index
      %swap3A_51 = tpu.vector_load %arg11[%swap3A_49, %swap3A_50] {strides = array<i32>} : memref<80x128xf32, #tpu.memory_space<vmem>>, vector<1x16xf32>,
      %swap3A_52 = vector.shape_cast %swap3A_51 : vector<1x16xf32> to vector<16xf32>
      %swap3A_53 = vector.shape_cast %broadcast_in_dim3A_48 : vector<16xf32> to vector<1x16xf32>
      tpu.vector_store %arg11[%swap3A_49, %swap3A_50], %swap3A_53 {strides = array<i32>} : memref<80x128xf32, #tpu.memory_space<vmem>>, vector<1x16xf32>,
      %broadcast_in_dim3A_54 = arith.constant 0.000000e+00 : f32
      %broadcast_in_dim3A_55 = vector.broadcast %broadcast_in_dim3A_54 : f32 to vector<16xf32>
      %swap3A_56 = arith.index_cast %scan3A_27 : i32 to index
      %swap3A_57 = arith.constant 64 : index
      %swap3A_58 = tpu.vector_load %arg11[%swap3A_56, %swap3A_57] {strides = array<i32>} : memref<80x128xf32, #tpu.memory_space<vmem>>, vector<1x16xf32>,
      %swap3A_59 = vector.shape_cast %swap3A_58 : vector<1x16xf32> to vector<16xf32>
      %swap3A_60 = vector.shape_cast %broadcast_in_dim3A_55 : vector<16xf32> to vector<1x16xf32>
      tpu.vector_store %arg11[%swap3A_56, %swap3A_57], %swap3A_60 {strides = array<i32>} : memref<80x128xf32, #tpu.memory_space<vmem>>, vector<1x16xf32>,
      %broadcast_in_dim3A_61 = arith.constant 0.000000e+00 : f32
      %broadcast_in_dim3A_62 = vector.broadcast %broadcast_in_dim3A_61 : f32 to vector<16xf32>
      %swap3A_63 = arith.index_cast %scan3A_27 : i32 to index
      %swap3A_64 = arith.constant 80 : index
      %swap3A_65 = tpu.vector_load %arg11[%swap3A_63, %swap3A_64] {strides = array<i32>} : memref<80x128xf32, #tpu.memory_space<vmem>>, vector<1x16xf32>,
      %swap3A_66 = vector.shape_cast %swap3A_65 : vector<1x16xf32> to vector<16xf32>
      %swap3A_67 = vector.shape_cast %broadcast_in_dim3A_62 : vector<16xf32> to vector<1x16xf32>
      tpu.vector_store %arg11[%swap3A_63, %swap3A_64], %swap3A_67 {strides = array<i32>} : memref<80x128xf32, #tpu.memory_space<vmem>>, vector<1x16xf32>,
      %broadcast_in_dim3A_68 = arith.constant 0.000000e+00 : f32
      %broadcast_in_dim3A_69 = vector.broadcast %broadcast_in_dim3A_68 : f32 to vector<16xf32>
      %swap3A_70 = arith.index_cast %scan3A_27 : i32 to index
      %swap3A_71 = arith.constant 96 : index
      %swap3A_72 = tpu.vector_load %arg11[%swap3A_70, %swap3A_71] {strides = array<i32>} : memref<80x128xf32, #tpu.memory_space<vmem>>, vector<1x16xf32>,
      %swap3A_73 = vector.shape_cast %swap3A_72 : vector<1x16xf32> to vector<16xf32>
      %swap3A_74 = vector.shape_cast %broadcast_in_dim3A_69 : vector<16xf32> to vector<1x16xf32>
      tpu.vector_store %arg11[%swap3A_70, %swap3A_71], %swap3A_74 {strides = array<i32>} : memref<80x128xf32, #tpu.memory_space<vmem>>, vector<1x16xf32>,
      %broadcast_in_dim3A_75 = arith.constant 0.000000e+00 : f32
      %broadcast_in_dim3A_76 = vector.broadcast %broadcast_in_dim3A_75 : f32 to vector<16xf32>
      %swap3A_77 = arith.index_cast %scan3A_27 : i32 to index
      %swap3A_78 = arith.constant 112 : index
      %swap3A_79 = tpu.vector_load %arg11[%swap3A_77, %swap3A_78] {strides = array<i32>} : memref<80x128xf32, #tpu.memory_space<vmem>>, vector<1x16xf32>,
      %swap3A_80 = vector.shape_cast %swap3A_79 : vector<1x16xf32> to vector<16xf32>
      %swap3A_81 = vector.shape_cast %broadcast_in_dim3A_76 : vector<16xf32> to vector<1x16xf32>
      tpu.vector_store %arg11[%swap3A_77, %swap3A_78], %swap3A_81 {strides = array<i32>} : memref<80x128xf32, #tpu.memory_space<vmem>>, vector<1x16xf32>,
    }
    %scan3A_5 = arith.constant 80 : i32
    %scan3A_6 = arith.constant 0 : i32
    %scan3A_7 = arith.constant 0 : i32
    %scan3A_8 = arith.constant 8 : i32
    %scan3A_9 = arith.addi %scan3A_7, %scan3A_8 : i32
    %scan3A_10 = arith.constant 1 : i32
    scf.for %scan3A_27 = %scan3A_7 to %scan3A_9 step %scan3A_10  : i32 {
      %mul3A_28 = arith.constant 640 : i32
      %mul3A_29 = arith.muli %arg1, %mul3A_28 : i32
      %mul3A_30 = arith.constant 80 : i32
      %mul3A_31 = arith.muli %scan3A_27, %mul3A_30 : i32
      %add3A_32 = arith.addi %mul3A_29, %mul3A_31 : i32
      "tpu.region"() ({
        %run_scoped3A = tpu.sem_alloc : memref<!tpu.dma_semaphore, #tpu.memory_space<semaphore_mem>>
        %dma_start3A = arith.constant 0 : i32
        %dma_start3A_33 = tpu.memref_slice %arg12[%add3A_32, %dma_start3A] : memref<10240x128xf32, #tpu.memory_space<vmem_shared>> -> memref<80x128xf32, #tpu.memory_space<vmem_shared>>
        %dma_start3A_34 = arith.constant 0 : i32
        %dma_start3A_35 = tpu.memref_slice %arg12[%add3A_32, %dma_start3A_34] : memref<10240x128xf32, #tpu.memory_space<vmem_shared>> -> memref<80x128xf32, #tpu.memory_space<vmem_shared>>
        tpu.enqueue_dma source(%arg11 : memref<80x128xf32, #tpu.memory_space<vmem>>) target(%dma_start3A_35 : memref<80x128xf32, #tpu.memory_space<vmem_shared>>) target_semaphore(%run_scoped3A : memref<!tpu.dma_semaphore, #tpu.memory_space<semaphore_mem>>)
        %dma_wait3A = arith.constant 0 : i32
        %dma_wait3A_36 = tpu.memref_slice %arg12[%add3A_32, %dma_wait3A] : memref<10240x128xf32, #tpu.memory_space<vmem_shared>> -> memref<80x128xf32, #tpu.memory_space<vmem_shared>>
        %dma_wait3A_37 = arith.constant 0 : i32
        %dma_wait3A_38 = tpu.memref_slice %arg12[%add3A_32, %dma_wait3A_37] : memref<10240x128xf32, #tpu.memory_space<vmem_shared>> -> memref<80x128xf32, #tpu.memory_space<vmem_shared>>
        tpu.wait_dma2 semaphore(%run_scoped3A : memref<!tpu.dma_semaphore, #tpu.memory_space<semaphore_mem>>) src(%arg11 : memref<80x128xf32, #tpu.memory_space<vmem>>) dst(%dma_wait3A_38 : memref<80x128xf32, #tpu.memory_space<vmem_shared>>)
        tpu.yield
      }) : () -> ()
    }
    %scan3A_11 = arith.constant 8 : i32
    %barrier3A = arith.constant 0 : index
    tpu.barrier barrier_id(%barrier3A)
    %mul3A_12 = arith.constant 10000 : i32
    %mul3A_13 = arith.muli %add3A, %mul3A_12 : i32
    %scan3A_14 = arith.constant 0 : i32
    %scan3A_15 = arith.constant 0 : i32
    %scan3A_16 = arith.constant 125 : i32
    %scan3A_17 = arith.addi %scan3A_15, %scan3A_16 : i32
    %scan3A_18 = arith.constant 1 : i32
    scf.for %scan3A_27 = %scan3A_15 to %scan3A_17 step %scan3A_18  : i32 {
      %mul3A_28 = arith.constant 80 : i32
      %mul3A_29 = arith.muli %scan3A_27, %mul3A_28 : i32
      %add3A_30 = arith.addi %mul3A_13, %mul3A_29 : i32
      "tpu.region"() ({
        %run_scoped3A = tpu.sem_alloc : memref<!tpu.dma_semaphore, #tpu.memory_space<semaphore_mem>>
        %dma_start3A_103 = tpu.memref_slice %arg2[%add3A_30] : memref<320000xi32, #tpu.memory_space<hbm>> -> memref<80xi32, #tpu.memory_space<hbm>>
        %dma_start3A_104 = tpu.memref_slice %arg2[%add3A_30] : memref<320000xi32, #tpu.memory_space<hbm>> -> memref<80xi32, #tpu.memory_space<hbm>>
        tpu.enqueue_dma source(%dma_start3A_104 : memref<80xi32, #tpu.memory_space<hbm>>) target(%arg7 : memref<80xi32, #tpu.memory_space<vmem>>) target_semaphore(%run_scoped3A : memref<!tpu.dma_semaphore, #tpu.memory_space<semaphore_mem>>)
        %dma_wait3A_105 = tpu.memref_slice %arg2[%add3A_30] : memref<320000xi32, #tpu.memory_space<hbm>> -> memref<80xi32, #tpu.memory_space<hbm>>
        %dma_wait3A_106 = tpu.memref_slice %arg2[%add3A_30] : memref<320000xi32, #tpu.memory_space<hbm>> -> memref<80xi32, #tpu.memory_space<hbm>>
        tpu.wait_dma2 semaphore(%run_scoped3A : memref<!tpu.dma_semaphore, #tpu.memory_space<semaphore_mem>>) src(%dma_wait3A_106 : memref<80xi32, #tpu.memory_space<hbm>>) dst(%arg7 : memref<80xi32, #tpu.memory_space<vmem>>)
        tpu.yield
      }) : () -> ()
      "tpu.region"() ({
        %run_scoped3A = tpu.sem_alloc : memref<!tpu.dma_semaphore, #tpu.memory_space<semaphore_mem>>
        %dma_start3A_103 = tpu.memref_slice %arg3[%add3A_30] : memref<320000xi32, #tpu.memory_space<hbm>> -> memref<80xi32, #tpu.memory_space<hbm>>
        %dma_start3A_104 = tpu.memref_slice %arg3[%add3A_30] : memref<320000xi32, #tpu.memory_space<hbm>> -> memref<80xi32, #tpu.memory_space<hbm>>
        tpu.enqueue_dma source(%dma_start3A_104 : memref<80xi32, #tpu.memory_space<hbm>>) target(%arg8 : memref<80xi32, #tpu.memory_space<vmem>>) target_semaphore(%run_scoped3A : memref<!tpu.dma_semaphore, #tpu.memory_space<semaphore_mem>>)
        %dma_wait3A_105 = tpu.memref_slice %arg3[%add3A_30] : memref<320000xi32, #tpu.memory_space<hbm>> -> memref<80xi32, #tpu.memory_space<hbm>>
        %dma_wait3A_106 = tpu.memref_slice %arg3[%add3A_30] : memref<320000xi32, #tpu.memory_space<hbm>> -> memref<80xi32, #tpu.memory_space<hbm>>
        tpu.wait_dma2 semaphore(%run_scoped3A : memref<!tpu.dma_semaphore, #tpu.memory_space<semaphore_mem>>) src(%dma_wait3A_106 : memref<80xi32, #tpu.memory_space<hbm>>) dst(%arg8 : memref<80xi32, #tpu.memory_space<vmem>>)
        tpu.yield
      }) : () -> ()
      "tpu.region"() ({
        %run_scoped3A = tpu.sem_alloc : memref<!tpu.dma_semaphore, #tpu.memory_space<semaphore_mem>>
        %dma_start3A_103 = tpu.memref_slice %arg4[%add3A_30] : memref<320000xi32, #tpu.memory_space<hbm>> -> memref<80xi32, #tpu.memory_space<hbm>>
        %dma_start3A_104 = tpu.memref_slice %arg4[%add3A_30] : memref<320000xi32, #tpu.memory_space<hbm>> -> memref<80xi32, #tpu.memory_space<hbm>>
        tpu.enqueue_dma source(%dma_start3A_104 : memref<80xi32, #tpu.memory_space<hbm>>) target(%arg9 : memref<80xi32, #tpu.memory_space<vmem>>) target_semaphore(%run_scoped3A : memref<!tpu.dma_semaphore, #tpu.memory_space<semaphore_mem>>)
        %dma_wait3A_105 = tpu.memref_slice %arg4[%add3A_30] : memref<320000xi32, #tpu.memory_space<hbm>> -> memref<80xi32, #tpu.memory_space<hbm>>
        %dma_wait3A_106 = tpu.memref_slice %arg4[%add3A_30] : memref<320000xi32, #tpu.memory_space<hbm>> -> memref<80xi32, #tpu.memory_space<hbm>>
        tpu.wait_dma2 semaphore(%run_scoped3A : memref<!tpu.dma_semaphore, #tpu.memory_space<semaphore_mem>>) src(%dma_wait3A_106 : memref<80xi32, #tpu.memory_space<hbm>>) dst(%arg9 : memref<80xi32, #tpu.memory_space<vmem>>)
        tpu.yield
      }) : () -> ()
      %get3A = arith.constant 0 : index
      %get3A_31 = tpu.vector_load %arg8[%get3A] {strides = array<i32>} : memref<80xi32, #tpu.memory_space<vmem>>, vector<16xi32>,
      %get3A_32 = vector.shape_cast %get3A_31 : vector<16xi32> to vector<16xi32>
      %mul3A_33 = arith.constant 10240 : i32
      %mul3A_34 = vector.broadcast %mul3A_33 : i32 to vector<16xi32>
      %mul3A_35 = arith.muli %get3A_32, %mul3A_34 : vector<16xi32>
      %get3A_36 = arith.constant 0 : index
      %get3A_37 = tpu.vector_load %arg7[%get3A_36] {strides = array<i32>} : memref<80xi32, #tpu.memory_space<vmem>>, vector<16xi32>,
      %get3A_38 = vector.shape_cast %get3A_37 : vector<16xi32> to vector<16xi32>
      %add3A_39 = arith.addi %mul3A_35, %get3A_38 : vector<16xi32>
      %swap3A = arith.constant 0 : index
      %swap3A_40 = tpu.vector_load %arg10[%swap3A] {strides = array<i32>} : memref<80xi32, #tpu.memory_space<vmem>>, vector<16xi32>,
      %swap3A_41 = vector.shape_cast %swap3A_40 : vector<16xi32> to vector<16xi32>
      %swap3A_42 = vector.shape_cast %add3A_39 : vector<16xi32> to vector<16xi32>
      tpu.vector_store %arg10[%swap3A], %swap3A_42 {strides = array<i32>} : memref<80xi32, #tpu.memory_space<vmem>>, vector<16xi32>,
      %get3A_43 = arith.constant 16 : index
      %get3A_44 = tpu.vector_load %arg8[%get3A_43] {strides = array<i32>} : memref<80xi32, #tpu.memory_space<vmem>>, vector<16xi32>,
      %get3A_45 = vector.shape_cast %get3A_44 : vector<16xi32> to vector<16xi32>
      %mul3A_46 = arith.constant 10240 : i32
      %mul3A_47 = vector.broadcast %mul3A_46 : i32 to vector<16xi32>
      %mul3A_48 = arith.muli %get3A_45, %mul3A_47 : vector<16xi32>
      %get3A_49 = arith.constant 16 : index
      %get3A_50 = tpu.vector_load %arg7[%get3A_49] {strides = array<i32>} : memref<80xi32, #tpu.memory_space<vmem>>, vector<16xi32>,
      %get3A_51 = vector.shape_cast %get3A_50 : vector<16xi32> to vector<16xi32>
      %add3A_52 = arith.addi %mul3A_48, %get3A_51 : vector<16xi32>
      %swap3A_53 = arith.constant 16 : index
      %swap3A_54 = tpu.vector_load %arg10[%swap3A_53] {strides = array<i32>} : memref<80xi32, #tpu.memory_space<vmem>>, vector<16xi32>,
      %swap3A_55 = vector.shape_cast %swap3A_54 : vector<16xi32> to vector<16xi32>
      %swap3A_56 = vector.shape_cast %add3A_52 : vector<16xi32> to vector<16xi32>
      tpu.vector_store %arg10[%swap3A_53], %swap3A_56 {strides = array<i32>} : memref<80xi32, #tpu.memory_space<vmem>>, vector<16xi32>,
      %get3A_57 = arith.constant 32 : index
      %get3A_58 = tpu.vector_load %arg8[%get3A_57] {strides = array<i32>} : memref<80xi32, #tpu.memory_space<vmem>>, vector<16xi32>,
      %get3A_59 = vector.shape_cast %get3A_58 : vector<16xi32> to vector<16xi32>
      %mul3A_60 = arith.constant 10240 : i32
      %mul3A_61 = vector.broadcast %mul3A_60 : i32 to vector<16xi32>
      %mul3A_62 = arith.muli %get3A_59, %mul3A_61 : vector<16xi32>
      %get3A_63 = arith.constant 32 : index
      %get3A_64 = tpu.vector_load %arg7[%get3A_63] {strides = array<i32>} : memref<80xi32, #tpu.memory_space<vmem>>, vector<16xi32>,
      %get3A_65 = vector.shape_cast %get3A_64 : vector<16xi32> to vector<16xi32>
      %add3A_66 = arith.addi %mul3A_62, %get3A_65 : vector<16xi32>
      %swap3A_67 = arith.constant 32 : index
      %swap3A_68 = tpu.vector_load %arg10[%swap3A_67] {strides = array<i32>} : memref<80xi32, #tpu.memory_space<vmem>>, vector<16xi32>,
      %swap3A_69 = vector.shape_cast %swap3A_68 : vector<16xi32> to vector<16xi32>
      %swap3A_70 = vector.shape_cast %add3A_66 : vector<16xi32> to vector<16xi32>
      tpu.vector_store %arg10[%swap3A_67], %swap3A_70 {strides = array<i32>} : memref<80xi32, #tpu.memory_space<vmem>>, vector<16xi32>,
      %get3A_71 = arith.constant 48 : index
      %get3A_72 = tpu.vector_load %arg8[%get3A_71] {strides = array<i32>} : memref<80xi32, #tpu.memory_space<vmem>>, vector<16xi32>,
      %get3A_73 = vector.shape_cast %get3A_72 : vector<16xi32> to vector<16xi32>
      %mul3A_74 = arith.constant 10240 : i32
      %mul3A_75 = vector.broadcast %mul3A_74 : i32 to vector<16xi32>
      %mul3A_76 = arith.muli %get3A_73, %mul3A_75 : vector<16xi32>
      %get3A_77 = arith.constant 48 : index
      %get3A_78 = tpu.vector_load %arg7[%get3A_77] {strides = array<i32>} : memref<80xi32, #tpu.memory_space<vmem>>, vector<16xi32>,
      %get3A_79 = vector.shape_cast %get3A_78 : vector<16xi32> to vector<16xi32>
      %add3A_80 = arith.addi %mul3A_76, %get3A_79 : vector<16xi32>
      %swap3A_81 = arith.constant 48 : index
      %swap3A_82 = tpu.vector_load %arg10[%swap3A_81] {strides = array<i32>} : memref<80xi32, #tpu.memory_space<vmem>>, vector<16xi32>,
      %swap3A_83 = vector.shape_cast %swap3A_82 : vector<16xi32> to vector<16xi32>
      %swap3A_84 = vector.shape_cast %add3A_80 : vector<16xi32> to vector<16xi32>
      tpu.vector_store %arg10[%swap3A_81], %swap3A_84 {strides = array<i32>} : memref<80xi32, #tpu.memory_space<vmem>>, vector<16xi32>,
      %get3A_85 = arith.constant 64 : index
      %get3A_86 = tpu.vector_load %arg8[%get3A_85] {strides = array<i32>} : memref<80xi32, #tpu.memory_space<vmem>>, vector<16xi32>,
      %get3A_87 = vector.shape_cast %get3A_86 : vector<16xi32> to vector<16xi32>
      %mul3A_88 = arith.constant 10240 : i32
      %mul3A_89 = vector.broadcast %mul3A_88 : i32 to vector<16xi32>
      %mul3A_90 = arith.muli %get3A_87, %mul3A_89 : vector<16xi32>
      %get3A_91 = arith.constant 64 : index
      %get3A_92 = tpu.vector_load %arg7[%get3A_91] {strides = array<i32>} : memref<80xi32, #tpu.memory_space<vmem>>, vector<16xi32>,
      %get3A_93 = vector.shape_cast %get3A_92 : vector<16xi32> to vector<16xi32>
      %add3A_94 = arith.addi %mul3A_90, %get3A_93 : vector<16xi32>
      %swap3A_95 = arith.constant 64 : index
      %swap3A_96 = tpu.vector_load %arg10[%swap3A_95] {strides = array<i32>} : memref<80xi32, #tpu.memory_space<vmem>>, vector<16xi32>,
      %swap3A_97 = vector.shape_cast %swap3A_96 : vector<16xi32> to vector<16xi32>
      %swap3A_98 = vector.shape_cast %add3A_94 : vector<16xi32> to vector<16xi32>
      tpu.vector_store %arg10[%swap3A_95], %swap3A_98 {strides = array<i32>} : memref<80xi32, #tpu.memory_space<vmem>>, vector<16xi32>,
      %dma_start3A = arith.constant 0 : i32
      %dma_start3A_99 = arith.constant 0 : i32
      %dma_start3A_100 = tpu.memref_slice %arg5[%dma_start3A, %dma_start3A_99] : memref<81920x128xf32, #tpu.memory_space<hbm>> -> memref<81920x128xf32, #tpu.memory_space<hbm>>
      tpu.enqueue_indirect_dma source(%dma_start3A_100 : memref<81920x128xf32, #tpu.memory_space<hbm>>) target(%arg11 : memref<80x128xf32, #tpu.memory_space<vmem>>) offsets(%arg10 : memref<80xi32, #tpu.memory_space<vmem>>) semaphore(%arg13 : memref<!tpu.dma_semaphore, #tpu.memory_space<semaphore_mem>>)
      %dma_wait3A = arith.constant 0 : i32
      %dma_wait3A_101 = arith.constant 0 : i32
      %dma_wait3A_102 = tpu.memref_slice %arg5[%dma_wait3A, %dma_wait3A_101] : memref<81920x128xf32, #tpu.memory_space<hbm>> -> memref<81920x128xf32, #tpu.memory_space<hbm>>
      tpu.wait_indirect_dma semaphore(%arg13 : memref<!tpu.dma_semaphore, #tpu.memory_space<semaphore_mem>>) src(%dma_wait3A_102 : memref<81920x128xf32, #tpu.memory_space<hbm>>) dst(%arg11 : memref<80x128xf32, #tpu.memory_space<vmem>>)
      "tpu.region"() ({
        %run_scoped3A = tpu.sem_alloc : memref<!tpu.dma_semaphore, #tpu.memory_space<semaphore_mem>>
        %dma_start3A_103 = arith.constant 0 : i32
        %dma_start3A_104 = arith.constant 0 : i32
        %dma_start3A_105 = tpu.memref_slice %arg12[%dma_start3A_103, %dma_start3A_104] : memref<10240x128xf32, #tpu.memory_space<vmem_shared>> -> memref<10240x128xf32, #tpu.memory_space<vmem_shared>>
        tpu.enqueue_indirect_dma source(%arg11 : memref<80x128xf32, #tpu.memory_space<vmem>>) target(%dma_start3A_105 : memref<10240x128xf32, #tpu.memory_space<vmem_shared>>) offsets(%arg9 : memref<80xi32, #tpu.memory_space<vmem>>) semaphore(%run_scoped3A : memref<!tpu.dma_semaphore, #tpu.memory_space<semaphore_mem>>) {add = true}
        %dma_wait3A_106 = arith.constant 0 : i32
        %dma_wait3A_107 = arith.constant 0 : i32
        %dma_wait3A_108 = tpu.memref_slice %arg12[%dma_wait3A_106, %dma_wait3A_107] : memref<10240x128xf32, #tpu.memory_space<vmem_shared>> -> memref<10240x128xf32, #tpu.memory_space<vmem_shared>>
        tpu.wait_indirect_dma semaphore(%run_scoped3A : memref<!tpu.dma_semaphore, #tpu.memory_space<semaphore_mem>>) src(%arg11 : memref<80x128xf32, #tpu.memory_space<vmem>>) dst(%dma_wait3A_108 : memref<10240x128xf32, #tpu.memory_space<vmem_shared>>)
        tpu.yield
      }) : () -> ()
    }
    %scan3A_19 = arith.constant 125 : i32
    %barrier3A_20 = arith.constant 0 : index
    tpu.barrier barrier_id(%barrier3A_20)
    %scan3A_21 = arith.constant 0 : i32
    %scan3A_22 = arith.constant 0 : i32
    %scan3A_23 = arith.constant 8 : i32
    %scan3A_24 = arith.addi %scan3A_22, %scan3A_23 : i32
    %scan3A_25 = arith.constant 1 : i32
    scf.for %scan3A_27 = %scan3A_22 to %scan3A_24 step %scan3A_25  : i32 {
      %mul3A_28 = arith.constant 640 : i32
      %mul3A_29 = arith.muli %arg1, %mul3A_28 : i32
      %mul3A_30 = arith.constant 80 : i32
      %mul3A_31 = arith.muli %scan3A_27, %mul3A_30 : i32
      %add3A_32 = arith.addi %mul3A_29, %mul3A_31 : i32
      "tpu.region"() ({
        %run_scoped3A = tpu.sem_alloc : memref<!tpu.dma_semaphore, #tpu.memory_space<semaphore_mem>>
        %dma_start3A = arith.constant 0 : i32
        %dma_start3A_36 = tpu.memref_slice %arg12[%add3A_32, %dma_start3A] : memref<10240x128xf32, #tpu.memory_space<vmem_shared>> -> memref<80x128xf32, #tpu.memory_space<vmem_shared>>
        %dma_start3A_37 = arith.constant 0 : i32
        %dma_start3A_38 = tpu.memref_slice %arg12[%add3A_32, %dma_start3A_37] : memref<10240x128xf32, #tpu.memory_space<vmem_shared>> -> memref<80x128xf32, #tpu.memory_space<vmem_shared>>
        tpu.enqueue_dma source(%dma_start3A_38 : memref<80x128xf32, #tpu.memory_space<vmem_shared>>) target(%arg11 : memref<80x128xf32, #tpu.memory_space<vmem>>) target_semaphore(%run_scoped3A : memref<!tpu.dma_semaphore, #tpu.memory_space<semaphore_mem>>)
        %dma_wait3A = arith.constant 0 : i32
        %dma_wait3A_39 = tpu.memref_slice %arg12[%add3A_32, %dma_wait3A] : memref<10240x128xf32, #tpu.memory_space<vmem_shared>> -> memref<80x128xf32, #tpu.memory_space<vmem_shared>>
        %dma_wait3A_40 = arith.constant 0 : i32
        %dma_wait3A_41 = tpu.memref_slice %arg12[%add3A_32, %dma_wait3A_40] : memref<10240x128xf32, #tpu.memory_space<vmem_shared>> -> memref<80x128xf32, #tpu.memory_space<vmem_shared>>
        tpu.wait_dma2 semaphore(%run_scoped3A : memref<!tpu.dma_semaphore, #tpu.memory_space<semaphore_mem>>) src(%dma_wait3A_41 : memref<80x128xf32, #tpu.memory_space<vmem_shared>>) dst(%arg11 : memref<80x128xf32, #tpu.memory_space<vmem>>)
        tpu.yield
      }) : () -> ()
      %mul3A_33 = arith.constant 10240 : i32
      %mul3A_34 = arith.muli %arg0, %mul3A_33 : i32
      %add3A_35 = arith.addi %mul3A_34, %add3A_32 : i32
      "tpu.region"() ({
        %run_scoped3A = tpu.sem_alloc : memref<!tpu.dma_semaphore, #tpu.memory_space<semaphore_mem>>
        %dma_start3A = arith.constant 0 : i32
        %dma_start3A_36 = tpu.memref_slice %arg6[%add3A_35, %dma_start3A] : memref<20480x128xf32, #tpu.memory_space<hbm>> -> memref<80x128xf32, #tpu.memory_space<hbm>>
        %dma_start3A_37 = arith.constant 0 : i32
        %dma_start3A_38 = tpu.memref_slice %arg6[%add3A_35, %dma_start3A_37] : memref<20480x128xf32, #tpu.memory_space<hbm>> -> memref<80x128xf32, #tpu.memory_space<hbm>>
        tpu.enqueue_dma source(%arg11 : memref<80x128xf32, #tpu.memory_space<vmem>>) target(%dma_start3A_38 : memref<80x128xf32, #tpu.memory_space<hbm>>) target_semaphore(%run_scoped3A : memref<!tpu.dma_semaphore, #tpu.memory_space<semaphore_mem>>)
        %dma_wait3A = arith.constant 0 : i32
        %dma_wait3A_39 = tpu.memref_slice %arg6[%add3A_35, %dma_wait3A] : memref<20480x128xf32, #tpu.memory_space<hbm>> -> memref<80x128xf32, #tpu.memory_space<hbm>>
        %dma_wait3A_40 = arith.constant 0 : i32
        %dma_wait3A_41 = tpu.memref_slice %arg6[%add3A_35, %dma_wait3A_40] : memref<20480x128xf32, #tpu.memory_space<hbm>> -> memref<80x128xf32, #tpu.memory_space<hbm>>
        tpu.wait_dma2 semaphore(%run_scoped3A : memref<!tpu.dma_semaphore, #tpu.memory_space<semaphore_mem>>) src(%arg11 : memref<80x128xf32, #tpu.memory_space<vmem>>) dst(%dma_wait3A_41 : memref<80x128xf32, #tpu.memory_space<hbm>>)
        tpu.yield
      }) : () -> ()
    }
    %scan3A_26 = arith.constant 8 : i32
    return
  }
}

#map = affine_map<(d0, d1) -> (0)>
#map1 = affine_map<(d0, d1) -> (0, 0)>
module attributes {stable_mosaic.version = 14 : i64} {
  func.func @_edge_agg_kernel(%arg0: i32, %arg1: i32, %arg2: memref<320000xi32, #tpu.memory_space<hbm>>, %arg3: memref<320000xi32, #tpu.memory_space<hbm>>, %arg4: memref<320000xi32, #tpu.memory_space<hbm>>, %arg5: memref<81920x128xf32, #tpu.memory_space<hbm>>, %arg6: memref<20480x128xf32, #tpu.memory_space<hbm>>, %arg7: memref<80xi32, #tpu.memory_space<vmem>>, %arg8: memref<80xi32, #tpu.memory_space<vmem>>, %arg9: memref<80xi32, #tpu.memory_space<vmem>>, %arg10: memref<80xi32, #tpu.memory_space<vmem>>, %arg11: memref<80x128xf32, #tpu.memory_space<vmem>>, %arg12: memref<10240x128xf32, #tpu.memory_space<vmem_shared>>, %arg13: memref<!tpu.dma_semaphore, #tpu.memory_space<semaphore_mem>>) attributes {dimension_semantics = [#tpu.dimension_semantics<core_parallel>, #tpu.dimension_semantics<subcore_parallel>], iteration_bounds = array<i64: 2, 16>, scalar_prefetch = 0 : i64, scratch_operands = 7 : i64, tpu.core_type = #tpu.core_type<sc_vector_subcore>, window_params = [{transform_indices = #map}, {transform_indices = #map}, {transform_indices = #map}, {transform_indices = #map1}, {transform_indices = #map1}]} {
    %mul3A = arith.constant 2 : i32
    %mul3A_0 = arith.muli %arg1, %mul3A : i32
    %add3A = arith.addi %mul3A_0, %arg0 : i32
    %scan3A = arith.constant 0 : i32
    %scan3A_1 = arith.constant 0 : i32
    %scan3A_2 = arith.constant 80 : i32
    %scan3A_3 = arith.addi %scan3A_1, %scan3A_2 : i32
    %scan3A_4 = arith.constant 1 : i32
    scf.for %scan3A_27 = %scan3A_1 to %scan3A_3 step %scan3A_4  : i32 {
      %broadcast_in_dim3A = arith.constant 0.000000e+00 : f32
      %broadcast_in_dim3A_28 = vector.broadcast %broadcast_in_dim3A : f32 to vector<16xf32>
      %swap3A = arith.index_cast %scan3A_27 : i32 to index
      %swap3A_29 = arith.constant 0 : index
      %swap3A_30 = tpu.vector_load %arg11[%swap3A, %swap3A_29] {strides = array<i32>} : memref<80x128xf32, #tpu.memory_space<vmem>>, vector<1x16xf32>,
      %swap3A_31 = vector.shape_cast %swap3A_30 : vector<1x16xf32> to vector<16xf32>
      %swap3A_32 = vector.shape_cast %broadcast_in_dim3A_28 : vector<16xf32> to vector<1x16xf32>
      tpu.vector_store %arg11[%swap3A, %swap3A_29], %swap3A_32 {strides = array<i32>} : memref<80x128xf32, #tpu.memory_space<vmem>>, vector<1x16xf32>,
      %broadcast_in_dim3A_33 = arith.constant 0.000000e+00 : f32
      %broadcast_in_dim3A_34 = vector.broadcast %broadcast_in_dim3A_33 : f32 to vector<16xf32>
      %swap3A_35 = arith.index_cast %scan3A_27 : i32 to index
      %swap3A_36 = arith.constant 16 : index
      %swap3A_37 = tpu.vector_load %arg11[%swap3A_35, %swap3A_36] {strides = array<i32>} : memref<80x128xf32, #tpu.memory_space<vmem>>, vector<1x16xf32>,
      %swap3A_38 = vector.shape_cast %swap3A_37 : vector<1x16xf32> to vector<16xf32>
      %swap3A_39 = vector.shape_cast %broadcast_in_dim3A_34 : vector<16xf32> to vector<1x16xf32>
      tpu.vector_store %arg11[%swap3A_35, %swap3A_36], %swap3A_39 {strides = array<i32>} : memref<80x128xf32, #tpu.memory_space<vmem>>, vector<1x16xf32>,
      %broadcast_in_dim3A_40 = arith.constant 0.000000e+00 : f32
      %broadcast_in_dim3A_41 = vector.broadcast %broadcast_in_dim3A_40 : f32 to vector<16xf32>
      %swap3A_42 = arith.index_cast %scan3A_27 : i32 to index
      %swap3A_43 = arith.constant 32 : index
      %swap3A_44 = tpu.vector_load %arg11[%swap3A_42, %swap3A_43] {strides = array<i32>} : memref<80x128xf32, #tpu.memory_space<vmem>>, vector<1x16xf32>,
      %swap3A_45 = vector.shape_cast %swap3A_44 : vector<1x16xf32> to vector<16xf32>
      %swap3A_46 = vector.shape_cast %broadcast_in_dim3A_41 : vector<16xf32> to vector<1x16xf32>
      tpu.vector_store %arg11[%swap3A_42, %swap3A_43], %swap3A_46 {strides = array<i32>} : memref<80x128xf32, #tpu.memory_space<vmem>>, vector<1x16xf32>,
      %broadcast_in_dim3A_47 = arith.constant 0.000000e+00 : f32
      %broadcast_in_dim3A_48 = vector.broadcast %broadcast_in_dim3A_47 : f32 to vector<16xf32>
      %swap3A_49 = arith.index_cast %scan3A_27 : i32 to index
      %swap3A_50 = arith.constant 48 : index
      %swap3A_51 = tpu.vector_load %arg11[%swap3A_49, %swap3A_50] {strides = array<i32>} : memref<80x128xf32, #tpu.memory_space<vmem>>, vector<1x16xf32>,
      %swap3A_52 = vector.shape_cast %swap3A_51 : vector<1x16xf32> to vector<16xf32>
      %swap3A_53 = vector.shape_cast %broadcast_in_dim3A_48 : vector<16xf32> to vector<1x16xf32>
      tpu.vector_store %arg11[%swap3A_49, %swap3A_50], %swap3A_53 {strides = array<i32>} : memref<80x128xf32, #tpu.memory_space<vmem>>, vector<1x16xf32>,
      %broadcast_in_dim3A_54 = arith.constant 0.000000e+00 : f32
      %broadcast_in_dim3A_55 = vector.broadcast %broadcast_in_dim3A_54 : f32 to vector<16xf32>
      %swap3A_56 = arith.index_cast %scan3A_27 : i32 to index
      %swap3A_57 = arith.constant 64 : index
      %swap3A_58 = tpu.vector_load %arg11[%swap3A_56, %swap3A_57] {strides = array<i32>} : memref<80x128xf32, #tpu.memory_space<vmem>>, vector<1x16xf32>,
      %swap3A_59 = vector.shape_cast %swap3A_58 : vector<1x16xf32> to vector<16xf32>
      %swap3A_60 = vector.shape_cast %broadcast_in_dim3A_55 : vector<16xf32> to vector<1x16xf32>
      tpu.vector_store %arg11[%swap3A_56, %swap3A_57], %swap3A_60 {strides = array<i32>} : memref<80x128xf32, #tpu.memory_space<vmem>>, vector<1x16xf32>,
      %broadcast_in_dim3A_61 = arith.constant 0.000000e+00 : f32
      %broadcast_in_dim3A_62 = vector.broadcast %broadcast_in_dim3A_61 : f32 to vector<16xf32>
      %swap3A_63 = arith.index_cast %scan3A_27 : i32 to index
      %swap3A_64 = arith.constant 80 : index
      %swap3A_65 = tpu.vector_load %arg11[%swap3A_63, %swap3A_64] {strides = array<i32>} : memref<80x128xf32, #tpu.memory_space<vmem>>, vector<1x16xf32>,
      %swap3A_66 = vector.shape_cast %swap3A_65 : vector<1x16xf32> to vector<16xf32>
      %swap3A_67 = vector.shape_cast %broadcast_in_dim3A_62 : vector<16xf32> to vector<1x16xf32>
      tpu.vector_store %arg11[%swap3A_63, %swap3A_64], %swap3A_67 {strides = array<i32>} : memref<80x128xf32, #tpu.memory_space<vmem>>, vector<1x16xf32>,
      %broadcast_in_dim3A_68 = arith.constant 0.000000e+00 : f32
      %broadcast_in_dim3A_69 = vector.broadcast %broadcast_in_dim3A_68 : f32 to vector<16xf32>
      %swap3A_70 = arith.index_cast %scan3A_27 : i32 to index
      %swap3A_71 = arith.constant 96 : index
      %swap3A_72 = tpu.vector_load %arg11[%swap3A_70, %swap3A_71] {strides = array<i32>} : memref<80x128xf32, #tpu.memory_space<vmem>>, vector<1x16xf32>,
      %swap3A_73 = vector.shape_cast %swap3A_72 : vector<1x16xf32> to vector<16xf32>
      %swap3A_74 = vector.shape_cast %broadcast_in_dim3A_69 : vector<16xf32> to vector<1x16xf32>
      tpu.vector_store %arg11[%swap3A_70, %swap3A_71], %swap3A_74 {strides = array<i32>} : memref<80x128xf32, #tpu.memory_space<vmem>>, vector<1x16xf32>,
      %broadcast_in_dim3A_75 = arith.constant 0.000000e+00 : f32
      %broadcast_in_dim3A_76 = vector.broadcast %broadcast_in_dim3A_75 : f32 to vector<16xf32>
      %swap3A_77 = arith.index_cast %scan3A_27 : i32 to index
      %swap3A_78 = arith.constant 112 : index
      %swap3A_79 = tpu.vector_load %arg11[%swap3A_77, %swap3A_78] {strides = array<i32>} : memref<80x128xf32, #tpu.memory_space<vmem>>, vector<1x16xf32>,
      %swap3A_80 = vector.shape_cast %swap3A_79 : vector<1x16xf32> to vector<16xf32>
      %swap3A_81 = vector.shape_cast %broadcast_in_dim3A_76 : vector<16xf32> to vector<1x16xf32>
      tpu.vector_store %arg11[%swap3A_77, %swap3A_78], %swap3A_81 {strides = array<i32>} : memref<80x128xf32, #tpu.memory_space<vmem>>, vector<1x16xf32>,
    }
    %scan3A_5 = arith.constant 80 : i32
    %scan3A_6 = arith.constant 0 : i32
    %scan3A_7 = arith.constant 0 : i32
    %scan3A_8 = arith.constant 8 : i32
    %scan3A_9 = arith.addi %scan3A_7, %scan3A_8 : i32
    %scan3A_10 = arith.constant 1 : i32
    scf.for %scan3A_27 = %scan3A_7 to %scan3A_9 step %scan3A_10  : i32 {
      %mul3A_28 = arith.constant 640 : i32
      %mul3A_29 = arith.muli %arg1, %mul3A_28 : i32
      %mul3A_30 = arith.constant 80 : i32
      %mul3A_31 = arith.muli %scan3A_27, %mul3A_30 : i32
      %add3A_32 = arith.addi %mul3A_29, %mul3A_31 : i32
      "tpu.region"() ({
        %run_scoped3A = tpu.sem_alloc : memref<!tpu.dma_semaphore, #tpu.memory_space<semaphore_mem>>
        %dma_start3A = arith.constant 0 : i32
        %dma_start3A_33 = tpu.memref_slice %arg12[%add3A_32, %dma_start3A] : memref<10240x128xf32, #tpu.memory_space<vmem_shared>> -> memref<80x128xf32, #tpu.memory_space<vmem_shared>>
        %dma_start3A_34 = arith.constant 0 : i32
        %dma_start3A_35 = tpu.memref_slice %arg12[%add3A_32, %dma_start3A_34] : memref<10240x128xf32, #tpu.memory_space<vmem_shared>> -> memref<80x128xf32, #tpu.memory_space<vmem_shared>>
        tpu.enqueue_dma source(%arg11 : memref<80x128xf32, #tpu.memory_space<vmem>>) target(%dma_start3A_35 : memref<80x128xf32, #tpu.memory_space<vmem_shared>>) target_semaphore(%run_scoped3A : memref<!tpu.dma_semaphore, #tpu.memory_space<semaphore_mem>>)
        %dma_wait3A = arith.constant 0 : i32
        %dma_wait3A_36 = tpu.memref_slice %arg12[%add3A_32, %dma_wait3A] : memref<10240x128xf32, #tpu.memory_space<vmem_shared>> -> memref<80x128xf32, #tpu.memory_space<vmem_shared>>
        %dma_wait3A_37 = arith.constant 0 : i32
        %dma_wait3A_38 = tpu.memref_slice %arg12[%add3A_32, %dma_wait3A_37] : memref<10240x128xf32, #tpu.memory_space<vmem_shared>> -> memref<80x128xf32, #tpu.memory_space<vmem_shared>>
        tpu.wait_dma2 semaphore(%run_scoped3A : memref<!tpu.dma_semaphore, #tpu.memory_space<semaphore_mem>>) src(%arg11 : memref<80x128xf32, #tpu.memory_space<vmem>>) dst(%dma_wait3A_38 : memref<80x128xf32, #tpu.memory_space<vmem_shared>>)
        tpu.yield
      }) : () -> ()
    }
    %scan3A_11 = arith.constant 8 : i32
    %barrier3A = arith.constant 0 : index
    tpu.barrier barrier_id(%barrier3A)
    %mul3A_12 = arith.constant 10000 : i32
    %mul3A_13 = arith.muli %add3A, %mul3A_12 : i32
    %scan3A_14 = arith.constant 0 : i32
    %scan3A_15 = arith.constant 0 : i32
    %scan3A_16 = arith.constant 125 : i32
    %scan3A_17 = arith.addi %scan3A_15, %scan3A_16 : i32
    %scan3A_18 = arith.constant 1 : i32
    scf.for %scan3A_27 = %scan3A_15 to %scan3A_17 step %scan3A_18  : i32 {
      %mul3A_28 = arith.constant 80 : i32
      %mul3A_29 = arith.muli %scan3A_27, %mul3A_28 : i32
      %add3A_30 = arith.addi %mul3A_13, %mul3A_29 : i32
      "tpu.region"() ({
        %run_scoped3A = tpu.sem_alloc : memref<!tpu.dma_semaphore, #tpu.memory_space<semaphore_mem>>
        %dma_start3A_103 = tpu.memref_slice %arg2[%add3A_30] : memref<320000xi32, #tpu.memory_space<hbm>> -> memref<80xi32, #tpu.memory_space<hbm>>
        %dma_start3A_104 = tpu.memref_slice %arg2[%add3A_30] : memref<320000xi32, #tpu.memory_space<hbm>> -> memref<80xi32, #tpu.memory_space<hbm>>
        tpu.enqueue_dma source(%dma_start3A_104 : memref<80xi32, #tpu.memory_space<hbm>>) target(%arg7 : memref<80xi32, #tpu.memory_space<vmem>>) target_semaphore(%run_scoped3A : memref<!tpu.dma_semaphore, #tpu.memory_space<semaphore_mem>>)
        %dma_wait3A_105 = tpu.memref_slice %arg2[%add3A_30] : memref<320000xi32, #tpu.memory_space<hbm>> -> memref<80xi32, #tpu.memory_space<hbm>>
        %dma_wait3A_106 = tpu.memref_slice %arg2[%add3A_30] : memref<320000xi32, #tpu.memory_space<hbm>> -> memref<80xi32, #tpu.memory_space<hbm>>
        tpu.wait_dma2 semaphore(%run_scoped3A : memref<!tpu.dma_semaphore, #tpu.memory_space<semaphore_mem>>) src(%dma_wait3A_106 : memref<80xi32, #tpu.memory_space<hbm>>) dst(%arg7 : memref<80xi32, #tpu.memory_space<vmem>>)
        tpu.yield
      }) : () -> ()
      "tpu.region"() ({
        %run_scoped3A = tpu.sem_alloc : memref<!tpu.dma_semaphore, #tpu.memory_space<semaphore_mem>>
        %dma_start3A_103 = tpu.memref_slice %arg3[%add3A_30] : memref<320000xi32, #tpu.memory_space<hbm>> -> memref<80xi32, #tpu.memory_space<hbm>>
        %dma_start3A_104 = tpu.memref_slice %arg3[%add3A_30] : memref<320000xi32, #tpu.memory_space<hbm>> -> memref<80xi32, #tpu.memory_space<hbm>>
        tpu.enqueue_dma source(%dma_start3A_104 : memref<80xi32, #tpu.memory_space<hbm>>) target(%arg8 : memref<80xi32, #tpu.memory_space<vmem>>) target_semaphore(%run_scoped3A : memref<!tpu.dma_semaphore, #tpu.memory_space<semaphore_mem>>)
        %dma_wait3A_105 = tpu.memref_slice %arg3[%add3A_30] : memref<320000xi32, #tpu.memory_space<hbm>> -> memref<80xi32, #tpu.memory_space<hbm>>
        %dma_wait3A_106 = tpu.memref_slice %arg3[%add3A_30] : memref<320000xi32, #tpu.memory_space<hbm>> -> memref<80xi32, #tpu.memory_space<hbm>>
        tpu.wait_dma2 semaphore(%run_scoped3A : memref<!tpu.dma_semaphore, #tpu.memory_space<semaphore_mem>>) src(%dma_wait3A_106 : memref<80xi32, #tpu.memory_space<hbm>>) dst(%arg8 : memref<80xi32, #tpu.memory_space<vmem>>)
        tpu.yield
      }) : () -> ()
      "tpu.region"() ({
        %run_scoped3A = tpu.sem_alloc : memref<!tpu.dma_semaphore, #tpu.memory_space<semaphore_mem>>
        %dma_start3A_103 = tpu.memref_slice %arg4[%add3A_30] : memref<320000xi32, #tpu.memory_space<hbm>> -> memref<80xi32, #tpu.memory_space<hbm>>
        %dma_start3A_104 = tpu.memref_slice %arg4[%add3A_30] : memref<320000xi32, #tpu.memory_space<hbm>> -> memref<80xi32, #tpu.memory_space<hbm>>
        tpu.enqueue_dma source(%dma_start3A_104 : memref<80xi32, #tpu.memory_space<hbm>>) target(%arg9 : memref<80xi32, #tpu.memory_space<vmem>>) target_semaphore(%run_scoped3A : memref<!tpu.dma_semaphore, #tpu.memory_space<semaphore_mem>>)
        %dma_wait3A_105 = tpu.memref_slice %arg4[%add3A_30] : memref<320000xi32, #tpu.memory_space<hbm>> -> memref<80xi32, #tpu.memory_space<hbm>>
        %dma_wait3A_106 = tpu.memref_slice %arg4[%add3A_30] : memref<320000xi32, #tpu.memory_space<hbm>> -> memref<80xi32, #tpu.memory_space<hbm>>
        tpu.wait_dma2 semaphore(%run_scoped3A : memref<!tpu.dma_semaphore, #tpu.memory_space<semaphore_mem>>) src(%dma_wait3A_106 : memref<80xi32, #tpu.memory_space<hbm>>) dst(%arg9 : memref<80xi32, #tpu.memory_space<vmem>>)
        tpu.yield
      }) : () -> ()
      %get3A = arith.constant 0 : index
      %get3A_31 = tpu.vector_load %arg8[%get3A] {strides = array<i32>} : memref<80xi32, #tpu.memory_space<vmem>>, vector<16xi32>,
      %get3A_32 = vector.shape_cast %get3A_31 : vector<16xi32> to vector<16xi32>
      %mul3A_33 = arith.constant 10240 : i32
      %mul3A_34 = vector.broadcast %mul3A_33 : i32 to vector<16xi32>
      %mul3A_35 = arith.muli %get3A_32, %mul3A_34 : vector<16xi32>
      %get3A_36 = arith.constant 0 : index
      %get3A_37 = tpu.vector_load %arg7[%get3A_36] {strides = array<i32>} : memref<80xi32, #tpu.memory_space<vmem>>, vector<16xi32>,
      %get3A_38 = vector.shape_cast %get3A_37 : vector<16xi32> to vector<16xi32>
      %add3A_39 = arith.addi %mul3A_35, %get3A_38 : vector<16xi32>
      %swap3A = arith.constant 0 : index
      %swap3A_40 = tpu.vector_load %arg10[%swap3A] {strides = array<i32>} : memref<80xi32, #tpu.memory_space<vmem>>, vector<16xi32>,
      %swap3A_41 = vector.shape_cast %swap3A_40 : vector<16xi32> to vector<16xi32>
      %swap3A_42 = vector.shape_cast %add3A_39 : vector<16xi32> to vector<16xi32>
      tpu.vector_store %arg10[%swap3A], %swap3A_42 {strides = array<i32>} : memref<80xi32, #tpu.memory_space<vmem>>, vector<16xi32>,
      %get3A_43 = arith.constant 16 : index
      %get3A_44 = tpu.vector_load %arg8[%get3A_43] {strides = array<i32>} : memref<80xi32, #tpu.memory_space<vmem>>, vector<16xi32>,
      %get3A_45 = vector.shape_cast %get3A_44 : vector<16xi32> to vector<16xi32>
      %mul3A_46 = arith.constant 10240 : i32
      %mul3A_47 = vector.broadcast %mul3A_46 : i32 to vector<16xi32>
      %mul3A_48 = arith.muli %get3A_45, %mul3A_47 : vector<16xi32>
      %get3A_49 = arith.constant 16 : index
      %get3A_50 = tpu.vector_load %arg7[%get3A_49] {strides = array<i32>} : memref<80xi32, #tpu.memory_space<vmem>>, vector<16xi32>,
      %get3A_51 = vector.shape_cast %get3A_50 : vector<16xi32> to vector<16xi32>
      %add3A_52 = arith.addi %mul3A_48, %get3A_51 : vector<16xi32>
      %swap3A_53 = arith.constant 16 : index
      %swap3A_54 = tpu.vector_load %arg10[%swap3A_53] {strides = array<i32>} : memref<80xi32, #tpu.memory_space<vmem>>, vector<16xi32>,
      %swap3A_55 = vector.shape_cast %swap3A_54 : vector<16xi32> to vector<16xi32>
      %swap3A_56 = vector.shape_cast %add3A_52 : vector<16xi32> to vector<16xi32>
      tpu.vector_store %arg10[%swap3A_53], %swap3A_56 {strides = array<i32>} : memref<80xi32, #tpu.memory_space<vmem>>, vector<16xi32>,
      %get3A_57 = arith.constant 32 : index
      %get3A_58 = tpu.vector_load %arg8[%get3A_57] {strides = array<i32>} : memref<80xi32, #tpu.memory_space<vmem>>, vector<16xi32>,
      %get3A_59 = vector.shape_cast %get3A_58 : vector<16xi32> to vector<16xi32>
      %mul3A_60 = arith.constant 10240 : i32
      %mul3A_61 = vector.broadcast %mul3A_60 : i32 to vector<16xi32>
      %mul3A_62 = arith.muli %get3A_59, %mul3A_61 : vector<16xi32>
      %get3A_63 = arith.constant 32 : index
      %get3A_64 = tpu.vector_load %arg7[%get3A_63] {strides = array<i32>} : memref<80xi32, #tpu.memory_space<vmem>>, vector<16xi32>,
      %get3A_65 = vector.shape_cast %get3A_64 : vector<16xi32> to vector<16xi32>
      %add3A_66 = arith.addi %mul3A_62, %get3A_65 : vector<16xi32>
      %swap3A_67 = arith.constant 32 : index
      %swap3A_68 = tpu.vector_load %arg10[%swap3A_67] {strides = array<i32>} : memref<80xi32, #tpu.memory_space<vmem>>, vector<16xi32>,
      %swap3A_69 = vector.shape_cast %swap3A_68 : vector<16xi32> to vector<16xi32>
      %swap3A_70 = vector.shape_cast %add3A_66 : vector<16xi32> to vector<16xi32>
      tpu.vector_store %arg10[%swap3A_67], %swap3A_70 {strides = array<i32>} : memref<80xi32, #tpu.memory_space<vmem>>, vector<16xi32>,
      %get3A_71 = arith.constant 48 : index
      %get3A_72 = tpu.vector_load %arg8[%get3A_71] {strides = array<i32>} : memref<80xi32, #tpu.memory_space<vmem>>, vector<16xi32>,
      %get3A_73 = vector.shape_cast %get3A_72 : vector<16xi32> to vector<16xi32>
      %mul3A_74 = arith.constant 10240 : i32
      %mul3A_75 = vector.broadcast %mul3A_74 : i32 to vector<16xi32>
      %mul3A_76 = arith.muli %get3A_73, %mul3A_75 : vector<16xi32>
      %get3A_77 = arith.constant 48 : index
      %get3A_78 = tpu.vector_load %arg7[%get3A_77] {strides = array<i32>} : memref<80xi32, #tpu.memory_space<vmem>>, vector<16xi32>,
      %get3A_79 = vector.shape_cast %get3A_78 : vector<16xi32> to vector<16xi32>
      %add3A_80 = arith.addi %mul3A_76, %get3A_79 : vector<16xi32>
      %swap3A_81 = arith.constant 48 : index
      %swap3A_82 = tpu.vector_load %arg10[%swap3A_81] {strides = array<i32>} : memref<80xi32, #tpu.memory_space<vmem>>, vector<16xi32>,
      %swap3A_83 = vector.shape_cast %swap3A_82 : vector<16xi32> to vector<16xi32>
      %swap3A_84 = vector.shape_cast %add3A_80 : vector<16xi32> to vector<16xi32>
      tpu.vector_store %arg10[%swap3A_81], %swap3A_84 {strides = array<i32>} : memref<80xi32, #tpu.memory_space<vmem>>, vector<16xi32>,
      %get3A_85 = arith.constant 64 : index
      %get3A_86 = tpu.vector_load %arg8[%get3A_85] {strides = array<i32>} : memref<80xi32, #tpu.memory_space<vmem>>, vector<16xi32>,
      %get3A_87 = vector.shape_cast %get3A_86 : vector<16xi32> to vector<16xi32>
      %mul3A_88 = arith.constant 10240 : i32
      %mul3A_89 = vector.broadcast %mul3A_88 : i32 to vector<16xi32>
      %mul3A_90 = arith.muli %get3A_87, %mul3A_89 : vector<16xi32>
      %get3A_91 = arith.constant 64 : index
      %get3A_92 = tpu.vector_load %arg7[%get3A_91] {strides = array<i32>} : memref<80xi32, #tpu.memory_space<vmem>>, vector<16xi32>,
      %get3A_93 = vector.shape_cast %get3A_92 : vector<16xi32> to vector<16xi32>
      %add3A_94 = arith.addi %mul3A_90, %get3A_93 : vector<16xi32>
      %swap3A_95 = arith.constant 64 : index
      %swap3A_96 = tpu.vector_load %arg10[%swap3A_95] {strides = array<i32>} : memref<80xi32, #tpu.memory_space<vmem>>, vector<16xi32>,
      %swap3A_97 = vector.shape_cast %swap3A_96 : vector<16xi32> to vector<16xi32>
      %swap3A_98 = vector.shape_cast %add3A_94 : vector<16xi32> to vector<16xi32>
      tpu.vector_store %arg10[%swap3A_95], %swap3A_98 {strides = array<i32>} : memref<80xi32, #tpu.memory_space<vmem>>, vector<16xi32>,
      %dma_start3A = arith.constant 0 : i32
      %dma_start3A_99 = arith.constant 0 : i32
      %dma_start3A_100 = tpu.memref_slice %arg5[%dma_start3A, %dma_start3A_99] : memref<81920x128xf32, #tpu.memory_space<hbm>> -> memref<81920x128xf32, #tpu.memory_space<hbm>>
      tpu.enqueue_indirect_dma source(%dma_start3A_100 : memref<81920x128xf32, #tpu.memory_space<hbm>>) target(%arg11 : memref<80x128xf32, #tpu.memory_space<vmem>>) offsets(%arg10 : memref<80xi32, #tpu.memory_space<vmem>>) semaphore(%arg13 : memref<!tpu.dma_semaphore, #tpu.memory_space<semaphore_mem>>)
      %dma_wait3A = arith.constant 0 : i32
      %dma_wait3A_101 = arith.constant 0 : i32
      %dma_wait3A_102 = tpu.memref_slice %arg5[%dma_wait3A, %dma_wait3A_101] : memref<81920x128xf32, #tpu.memory_space<hbm>> -> memref<81920x128xf32, #tpu.memory_space<hbm>>
      tpu.wait_indirect_dma semaphore(%arg13 : memref<!tpu.dma_semaphore, #tpu.memory_space<semaphore_mem>>) src(%dma_wait3A_102 : memref<81920x128xf32, #tpu.memory_space<hbm>>) dst(%arg11 : memref<80x128xf32, #tpu.memory_space<vmem>>)
      "tpu.region"() ({
        %run_scoped3A = tpu.sem_alloc : memref<!tpu.dma_semaphore, #tpu.memory_space<semaphore_mem>>
        %dma_start3A_103 = arith.constant 0 : i32
        %dma_start3A_104 = arith.constant 0 : i32
        %dma_start3A_105 = tpu.memref_slice %arg12[%dma_start3A_103, %dma_start3A_104] : memref<10240x128xf32, #tpu.memory_space<vmem_shared>> -> memref<10240x128xf32, #tpu.memory_space<vmem_shared>>
        tpu.enqueue_indirect_dma source(%arg11 : memref<80x128xf32, #tpu.memory_space<vmem>>) target(%dma_start3A_105 : memref<10240x128xf32, #tpu.memory_space<vmem_shared>>) offsets(%arg9 : memref<80xi32, #tpu.memory_space<vmem>>) semaphore(%run_scoped3A : memref<!tpu.dma_semaphore, #tpu.memory_space<semaphore_mem>>) {add = true}
        %dma_wait3A_106 = arith.constant 0 : i32
        %dma_wait3A_107 = arith.constant 0 : i32
        %dma_wait3A_108 = tpu.memref_slice %arg12[%dma_wait3A_106, %dma_wait3A_107] : memref<10240x128xf32, #tpu.memory_space<vmem_shared>> -> memref<10240x128xf32, #tpu.memory_space<vmem_shared>>
        tpu.wait_indirect_dma semaphore(%run_scoped3A : memref<!tpu.dma_semaphore, #tpu.memory_space<semaphore_mem>>) src(%arg11 : memref<80x128xf32, #tpu.memory_space<vmem>>) dst(%dma_wait3A_108 : memref<10240x128xf32, #tpu.memory_space<vmem_shared>>)
        tpu.yield
      }) : () -> ()
    }
    %scan3A_19 = arith.constant 125 : i32
    %barrier3A_20 = arith.constant 0 : index
    tpu.barrier barrier_id(%barrier3A_20)
    %scan3A_21 = arith.constant 0 : i32
    %scan3A_22 = arith.constant 0 : i32
    %scan3A_23 = arith.constant 8 : i32
    %scan3A_24 = arith.addi %scan3A_22, %scan3A_23 : i32
    %scan3A_25 = arith.constant 1 : i32
    scf.for %scan3A_27 = %scan3A_22 to %scan3A_24 step %scan3A_25  : i32 {
      %mul3A_28 = arith.constant 640 : i32
      %mul3A_29 = arith.muli %arg1, %mul3A_28 : i32
      %mul3A_30 = arith.constant 80 : i32
      %mul3A_31 = arith.muli %scan3A_27, %mul3A_30 : i32
      %add3A_32 = arith.addi %mul3A_29, %mul3A_31 : i32
      "tpu.region"() ({
        %run_scoped3A = tpu.sem_alloc : memref<!tpu.dma_semaphore, #tpu.memory_space<semaphore_mem>>
        %dma_start3A = arith.constant 0 : i32
        %dma_start3A_36 = tpu.memref_slice %arg12[%add3A_32, %dma_start3A] : memref<10240x128xf32, #tpu.memory_space<vmem_shared>> -> memref<80x128xf32, #tpu.memory_space<vmem_shared>>
        %dma_start3A_37 = arith.constant 0 : i32
        %dma_start3A_38 = tpu.memref_slice %arg12[%add3A_32, %dma_start3A_37] : memref<10240x128xf32, #tpu.memory_space<vmem_shared>> -> memref<80x128xf32, #tpu.memory_space<vmem_shared>>
        tpu.enqueue_dma source(%dma_start3A_38 : memref<80x128xf32, #tpu.memory_space<vmem_shared>>) target(%arg11 : memref<80x128xf32, #tpu.memory_space<vmem>>) target_semaphore(%run_scoped3A : memref<!tpu.dma_semaphore, #tpu.memory_space<semaphore_mem>>)
        %dma_wait3A = arith.constant 0 : i32
        %dma_wait3A_39 = tpu.memref_slice %arg12[%add3A_32, %dma_wait3A] : memref<10240x128xf32, #tpu.memory_space<vmem_shared>> -> memref<80x128xf32, #tpu.memory_space<vmem_shared>>
        %dma_wait3A_40 = arith.constant 0 : i32
        %dma_wait3A_41 = tpu.memref_slice %arg12[%add3A_32, %dma_wait3A_40] : memref<10240x128xf32, #tpu.memory_space<vmem_shared>> -> memref<80x128xf32, #tpu.memory_space<vmem_shared>>
        tpu.wait_dma2 semaphore(%run_scoped3A : memref<!tpu.dma_semaphore, #tpu.memory_space<semaphore_mem>>) src(%dma_wait3A_41 : memref<80x128xf32, #tpu.memory_space<vmem_shared>>) dst(%arg11 : memref<80x128xf32, #tpu.memory_space<vmem>>)
        tpu.yield
      }) : () -> ()
      %mul3A_33 = arith.constant 10240 : i32
      %mul3A_34 = arith.muli %arg0, %mul3A_33 : i32
      %add3A_35 = arith.addi %mul3A_34, %add3A_32 : i32
      "tpu.region"() ({
        %run_scoped3A = tpu.sem_alloc : memref<!tpu.dma_semaphore, #tpu.memory_space<semaphore_mem>>
        %dma_start3A = arith.constant 0 : i32
        %dma_start3A_36 = tpu.memref_slice %arg6[%add3A_35, %dma_start3A] : memref<20480x128xf32, #tpu.memory_space<hbm>> -> memref<80x128xf32, #tpu.memory_space<hbm>>
        %dma_start3A_37 = arith.constant 0 : i32
        %dma_start3A_38 = tpu.memref_slice %arg6[%add3A_35, %dma_start3A_37] : memref<20480x128xf32, #tpu.memory_space<hbm>> -> memref<80x128xf32, #tpu.memory_space<hbm>>
        tpu.enqueue_dma source(%arg11 : memref<80x128xf32, #tpu.memory_space<vmem>>) target(%dma_start3A_38 : memref<80x128xf32, #tpu.memory_space<hbm>>) target_semaphore(%run_scoped3A : memref<!tpu.dma_semaphore, #tpu.memory_space<semaphore_mem>>)
        %dma_wait3A = arith.constant 0 : i32
        %dma_wait3A_39 = tpu.memref_slice %arg6[%add3A_35, %dma_wait3A] : memref<20480x128xf32, #tpu.memory_space<hbm>> -> memref<80x128xf32, #tpu.memory_space<hbm>>
        %dma_wait3A_40 = arith.constant 0 : i32
        %dma_wait3A_41 = tpu.memref_slice %arg6[%add3A_35, %dma_wait3A_40] : memref<20480x128xf32, #tpu.memory_space<hbm>> -> memref<80x128xf32, #tpu.memory_space<hbm>>
        tpu.wait_dma2 semaphore(%run_scoped3A : memref<!tpu.dma_semaphore, #tpu.memory_space<semaphore_mem>>) src(%arg11 : memref<80x128xf32, #tpu.memory_space<vmem>>) dst(%dma_wait3A_41 : memref<80x128xf32, #tpu.memory_space<hbm>>)
        tpu.yield
      }) : () -> ()
    }
    %scan3A_26 = arith.constant 8 : i32
    return
  }
}

#map = affine_map<(d0, d1) -> (0)>
#map1 = affine_map<(d0, d1) -> (0, 0)>
module attributes {stable_mosaic.version = 14 : i64} {
  func.func @_edge_agg_kernel(%arg0: i32, %arg1: i32, %arg2: memref<320000xi32, #tpu.memory_space<hbm>>, %arg3: memref<320000xi32, #tpu.memory_space<hbm>>, %arg4: memref<320000xi32, #tpu.memory_space<hbm>>, %arg5: memref<81920x128xf32, #tpu.memory_space<hbm>>, %arg6: memref<20480x128xf32, #tpu.memory_space<hbm>>, %arg7: memref<80xi32, #tpu.memory_space<vmem>>, %arg8: memref<80xi32, #tpu.memory_space<vmem>>, %arg9: memref<80xi32, #tpu.memory_space<vmem>>, %arg10: memref<80xi32, #tpu.memory_space<vmem>>, %arg11: memref<80x128xf32, #tpu.memory_space<vmem>>, %arg12: memref<10240x128xf32, #tpu.memory_space<vmem_shared>>, %arg13: memref<!tpu.dma_semaphore, #tpu.memory_space<semaphore_mem>>) attributes {dimension_semantics = [#tpu.dimension_semantics<core_parallel>, #tpu.dimension_semantics<subcore_parallel>], iteration_bounds = array<i64: 2, 16>, scalar_prefetch = 0 : i64, scratch_operands = 7 : i64, tpu.core_type = #tpu.core_type<sc_vector_subcore>, window_params = [{transform_indices = #map}, {transform_indices = #map}, {transform_indices = #map}, {transform_indices = #map1}, {transform_indices = #map1}]} {
    %mul3A = arith.constant 2 : i32
    %mul3A_0 = arith.muli %arg1, %mul3A : i32
    %add3A = arith.addi %mul3A_0, %arg0 : i32
    %scan3A = arith.constant 0 : i32
    %scan3A_1 = arith.constant 0 : i32
    %scan3A_2 = arith.constant 80 : i32
    %scan3A_3 = arith.addi %scan3A_1, %scan3A_2 : i32
    %scan3A_4 = arith.constant 1 : i32
    scf.for %scan3A_27 = %scan3A_1 to %scan3A_3 step %scan3A_4  : i32 {
      %broadcast_in_dim3A = arith.constant 0.000000e+00 : f32
      %broadcast_in_dim3A_28 = vector.broadcast %broadcast_in_dim3A : f32 to vector<16xf32>
      %swap3A = arith.index_cast %scan3A_27 : i32 to index
      %swap3A_29 = arith.constant 0 : index
      %swap3A_30 = tpu.vector_load %arg11[%swap3A, %swap3A_29] {strides = array<i32>} : memref<80x128xf32, #tpu.memory_space<vmem>>, vector<1x16xf32>,
      %swap3A_31 = vector.shape_cast %swap3A_30 : vector<1x16xf32> to vector<16xf32>
      %swap3A_32 = vector.shape_cast %broadcast_in_dim3A_28 : vector<16xf32> to vector<1x16xf32>
      tpu.vector_store %arg11[%swap3A, %swap3A_29], %swap3A_32 {strides = array<i32>} : memref<80x128xf32, #tpu.memory_space<vmem>>, vector<1x16xf32>,
      %broadcast_in_dim3A_33 = arith.constant 0.000000e+00 : f32
      %broadcast_in_dim3A_34 = vector.broadcast %broadcast_in_dim3A_33 : f32 to vector<16xf32>
      %swap3A_35 = arith.index_cast %scan3A_27 : i32 to index
      %swap3A_36 = arith.constant 16 : index
      %swap3A_37 = tpu.vector_load %arg11[%swap3A_35, %swap3A_36] {strides = array<i32>} : memref<80x128xf32, #tpu.memory_space<vmem>>, vector<1x16xf32>,
      %swap3A_38 = vector.shape_cast %swap3A_37 : vector<1x16xf32> to vector<16xf32>
      %swap3A_39 = vector.shape_cast %broadcast_in_dim3A_34 : vector<16xf32> to vector<1x16xf32>
      tpu.vector_store %arg11[%swap3A_35, %swap3A_36], %swap3A_39 {strides = array<i32>} : memref<80x128xf32, #tpu.memory_space<vmem>>, vector<1x16xf32>,
      %broadcast_in_dim3A_40 = arith.constant 0.000000e+00 : f32
      %broadcast_in_dim3A_41 = vector.broadcast %broadcast_in_dim3A_40 : f32 to vector<16xf32>
      %swap3A_42 = arith.index_cast %scan3A_27 : i32 to index
      %swap3A_43 = arith.constant 32 : index
      %swap3A_44 = tpu.vector_load %arg11[%swap3A_42, %swap3A_43] {strides = array<i32>} : memref<80x128xf32, #tpu.memory_space<vmem>>, vector<1x16xf32>,
      %swap3A_45 = vector.shape_cast %swap3A_44 : vector<1x16xf32> to vector<16xf32>
      %swap3A_46 = vector.shape_cast %broadcast_in_dim3A_41 : vector<16xf32> to vector<1x16xf32>
      tpu.vector_store %arg11[%swap3A_42, %swap3A_43], %swap3A_46 {strides = array<i32>} : memref<80x128xf32, #tpu.memory_space<vmem>>, vector<1x16xf32>,
      %broadcast_in_dim3A_47 = arith.constant 0.000000e+00 : f32
      %broadcast_in_dim3A_48 = vector.broadcast %broadcast_in_dim3A_47 : f32 to vector<16xf32>
      %swap3A_49 = arith.index_cast %scan3A_27 : i32 to index
      %swap3A_50 = arith.constant 48 : index
      %swap3A_51 = tpu.vector_load %arg11[%swap3A_49, %swap3A_50] {strides = array<i32>} : memref<80x128xf32, #tpu.memory_space<vmem>>, vector<1x16xf32>,
      %swap3A_52 = vector.shape_cast %swap3A_51 : vector<1x16xf32> to vector<16xf32>
      %swap3A_53 = vector.shape_cast %broadcast_in_dim3A_48 : vector<16xf32> to vector<1x16xf32>
      tpu.vector_store %arg11[%swap3A_49, %swap3A_50], %swap3A_53 {strides = array<i32>} : memref<80x128xf32, #tpu.memory_space<vmem>>, vector<1x16xf32>,
      %broadcast_in_dim3A_54 = arith.constant 0.000000e+00 : f32
      %broadcast_in_dim3A_55 = vector.broadcast %broadcast_in_dim3A_54 : f32 to vector<16xf32>
      %swap3A_56 = arith.index_cast %scan3A_27 : i32 to index
      %swap3A_57 = arith.constant 64 : index
      %swap3A_58 = tpu.vector_load %arg11[%swap3A_56, %swap3A_57] {strides = array<i32>} : memref<80x128xf32, #tpu.memory_space<vmem>>, vector<1x16xf32>,
      %swap3A_59 = vector.shape_cast %swap3A_58 : vector<1x16xf32> to vector<16xf32>
      %swap3A_60 = vector.shape_cast %broadcast_in_dim3A_55 : vector<16xf32> to vector<1x16xf32>
      tpu.vector_store %arg11[%swap3A_56, %swap3A_57], %swap3A_60 {strides = array<i32>} : memref<80x128xf32, #tpu.memory_space<vmem>>, vector<1x16xf32>,
      %broadcast_in_dim3A_61 = arith.constant 0.000000e+00 : f32
      %broadcast_in_dim3A_62 = vector.broadcast %broadcast_in_dim3A_61 : f32 to vector<16xf32>
      %swap3A_63 = arith.index_cast %scan3A_27 : i32 to index
      %swap3A_64 = arith.constant 80 : index
      %swap3A_65 = tpu.vector_load %arg11[%swap3A_63, %swap3A_64] {strides = array<i32>} : memref<80x128xf32, #tpu.memory_space<vmem>>, vector<1x16xf32>,
      %swap3A_66 = vector.shape_cast %swap3A_65 : vector<1x16xf32> to vector<16xf32>
      %swap3A_67 = vector.shape_cast %broadcast_in_dim3A_62 : vector<16xf32> to vector<1x16xf32>
      tpu.vector_store %arg11[%swap3A_63, %swap3A_64], %swap3A_67 {strides = array<i32>} : memref<80x128xf32, #tpu.memory_space<vmem>>, vector<1x16xf32>,
      %broadcast_in_dim3A_68 = arith.constant 0.000000e+00 : f32
      %broadcast_in_dim3A_69 = vector.broadcast %broadcast_in_dim3A_68 : f32 to vector<16xf32>
      %swap3A_70 = arith.index_cast %scan3A_27 : i32 to index
      %swap3A_71 = arith.constant 96 : index
      %swap3A_72 = tpu.vector_load %arg11[%swap3A_70, %swap3A_71] {strides = array<i32>} : memref<80x128xf32, #tpu.memory_space<vmem>>, vector<1x16xf32>,
      %swap3A_73 = vector.shape_cast %swap3A_72 : vector<1x16xf32> to vector<16xf32>
      %swap3A_74 = vector.shape_cast %broadcast_in_dim3A_69 : vector<16xf32> to vector<1x16xf32>
      tpu.vector_store %arg11[%swap3A_70, %swap3A_71], %swap3A_74 {strides = array<i32>} : memref<80x128xf32, #tpu.memory_space<vmem>>, vector<1x16xf32>,
      %broadcast_in_dim3A_75 = arith.constant 0.000000e+00 : f32
      %broadcast_in_dim3A_76 = vector.broadcast %broadcast_in_dim3A_75 : f32 to vector<16xf32>
      %swap3A_77 = arith.index_cast %scan3A_27 : i32 to index
      %swap3A_78 = arith.constant 112 : index
      %swap3A_79 = tpu.vector_load %arg11[%swap3A_77, %swap3A_78] {strides = array<i32>} : memref<80x128xf32, #tpu.memory_space<vmem>>, vector<1x16xf32>,
      %swap3A_80 = vector.shape_cast %swap3A_79 : vector<1x16xf32> to vector<16xf32>
      %swap3A_81 = vector.shape_cast %broadcast_in_dim3A_76 : vector<16xf32> to vector<1x16xf32>
      tpu.vector_store %arg11[%swap3A_77, %swap3A_78], %swap3A_81 {strides = array<i32>} : memref<80x128xf32, #tpu.memory_space<vmem>>, vector<1x16xf32>,
    }
    %scan3A_5 = arith.constant 80 : i32
    %scan3A_6 = arith.constant 0 : i32
    %scan3A_7 = arith.constant 0 : i32
    %scan3A_8 = arith.constant 8 : i32
    %scan3A_9 = arith.addi %scan3A_7, %scan3A_8 : i32
    %scan3A_10 = arith.constant 1 : i32
    scf.for %scan3A_27 = %scan3A_7 to %scan3A_9 step %scan3A_10  : i32 {
      %mul3A_28 = arith.constant 640 : i32
      %mul3A_29 = arith.muli %arg1, %mul3A_28 : i32
      %mul3A_30 = arith.constant 80 : i32
      %mul3A_31 = arith.muli %scan3A_27, %mul3A_30 : i32
      %add3A_32 = arith.addi %mul3A_29, %mul3A_31 : i32
      "tpu.region"() ({
        %run_scoped3A = tpu.sem_alloc : memref<!tpu.dma_semaphore, #tpu.memory_space<semaphore_mem>>
        %dma_start3A = arith.constant 0 : i32
        %dma_start3A_33 = tpu.memref_slice %arg12[%add3A_32, %dma_start3A] : memref<10240x128xf32, #tpu.memory_space<vmem_shared>> -> memref<80x128xf32, #tpu.memory_space<vmem_shared>>
        %dma_start3A_34 = arith.constant 0 : i32
        %dma_start3A_35 = tpu.memref_slice %arg12[%add3A_32, %dma_start3A_34] : memref<10240x128xf32, #tpu.memory_space<vmem_shared>> -> memref<80x128xf32, #tpu.memory_space<vmem_shared>>
        tpu.enqueue_dma source(%arg11 : memref<80x128xf32, #tpu.memory_space<vmem>>) target(%dma_start3A_35 : memref<80x128xf32, #tpu.memory_space<vmem_shared>>) target_semaphore(%run_scoped3A : memref<!tpu.dma_semaphore, #tpu.memory_space<semaphore_mem>>)
        %dma_wait3A = arith.constant 0 : i32
        %dma_wait3A_36 = tpu.memref_slice %arg12[%add3A_32, %dma_wait3A] : memref<10240x128xf32, #tpu.memory_space<vmem_shared>> -> memref<80x128xf32, #tpu.memory_space<vmem_shared>>
        %dma_wait3A_37 = arith.constant 0 : i32
        %dma_wait3A_38 = tpu.memref_slice %arg12[%add3A_32, %dma_wait3A_37] : memref<10240x128xf32, #tpu.memory_space<vmem_shared>> -> memref<80x128xf32, #tpu.memory_space<vmem_shared>>
        tpu.wait_dma2 semaphore(%run_scoped3A : memref<!tpu.dma_semaphore, #tpu.memory_space<semaphore_mem>>) src(%arg11 : memref<80x128xf32, #tpu.memory_space<vmem>>) dst(%dma_wait3A_38 : memref<80x128xf32, #tpu.memory_space<vmem_shared>>)
        tpu.yield
      }) : () -> ()
    }
    %scan3A_11 = arith.constant 8 : i32
    %barrier3A = arith.constant 0 : index
    tpu.barrier barrier_id(%barrier3A)
    %mul3A_12 = arith.constant 10000 : i32
    %mul3A_13 = arith.muli %add3A, %mul3A_12 : i32
    %scan3A_14 = arith.constant 0 : i32
    %scan3A_15 = arith.constant 0 : i32
    %scan3A_16 = arith.constant 125 : i32
    %scan3A_17 = arith.addi %scan3A_15, %scan3A_16 : i32
    %scan3A_18 = arith.constant 1 : i32
    scf.for %scan3A_27 = %scan3A_15 to %scan3A_17 step %scan3A_18  : i32 {
      %mul3A_28 = arith.constant 80 : i32
      %mul3A_29 = arith.muli %scan3A_27, %mul3A_28 : i32
      %add3A_30 = arith.addi %mul3A_13, %mul3A_29 : i32
      "tpu.region"() ({
        %run_scoped3A = tpu.sem_alloc : memref<!tpu.dma_semaphore, #tpu.memory_space<semaphore_mem>>
        %dma_start3A_103 = tpu.memref_slice %arg2[%add3A_30] : memref<320000xi32, #tpu.memory_space<hbm>> -> memref<80xi32, #tpu.memory_space<hbm>>
        %dma_start3A_104 = tpu.memref_slice %arg2[%add3A_30] : memref<320000xi32, #tpu.memory_space<hbm>> -> memref<80xi32, #tpu.memory_space<hbm>>
        tpu.enqueue_dma source(%dma_start3A_104 : memref<80xi32, #tpu.memory_space<hbm>>) target(%arg7 : memref<80xi32, #tpu.memory_space<vmem>>) target_semaphore(%run_scoped3A : memref<!tpu.dma_semaphore, #tpu.memory_space<semaphore_mem>>)
        %dma_wait3A_105 = tpu.memref_slice %arg2[%add3A_30] : memref<320000xi32, #tpu.memory_space<hbm>> -> memref<80xi32, #tpu.memory_space<hbm>>
        %dma_wait3A_106 = tpu.memref_slice %arg2[%add3A_30] : memref<320000xi32, #tpu.memory_space<hbm>> -> memref<80xi32, #tpu.memory_space<hbm>>
        tpu.wait_dma2 semaphore(%run_scoped3A : memref<!tpu.dma_semaphore, #tpu.memory_space<semaphore_mem>>) src(%dma_wait3A_106 : memref<80xi32, #tpu.memory_space<hbm>>) dst(%arg7 : memref<80xi32, #tpu.memory_space<vmem>>)
        tpu.yield
      }) : () -> ()
      "tpu.region"() ({
        %run_scoped3A = tpu.sem_alloc : memref<!tpu.dma_semaphore, #tpu.memory_space<semaphore_mem>>
        %dma_start3A_103 = tpu.memref_slice %arg3[%add3A_30] : memref<320000xi32, #tpu.memory_space<hbm>> -> memref<80xi32, #tpu.memory_space<hbm>>
        %dma_start3A_104 = tpu.memref_slice %arg3[%add3A_30] : memref<320000xi32, #tpu.memory_space<hbm>> -> memref<80xi32, #tpu.memory_space<hbm>>
        tpu.enqueue_dma source(%dma_start3A_104 : memref<80xi32, #tpu.memory_space<hbm>>) target(%arg8 : memref<80xi32, #tpu.memory_space<vmem>>) target_semaphore(%run_scoped3A : memref<!tpu.dma_semaphore, #tpu.memory_space<semaphore_mem>>)
        %dma_wait3A_105 = tpu.memref_slice %arg3[%add3A_30] : memref<320000xi32, #tpu.memory_space<hbm>> -> memref<80xi32, #tpu.memory_space<hbm>>
        %dma_wait3A_106 = tpu.memref_slice %arg3[%add3A_30] : memref<320000xi32, #tpu.memory_space<hbm>> -> memref<80xi32, #tpu.memory_space<hbm>>
        tpu.wait_dma2 semaphore(%run_scoped3A : memref<!tpu.dma_semaphore, #tpu.memory_space<semaphore_mem>>) src(%dma_wait3A_106 : memref<80xi32, #tpu.memory_space<hbm>>) dst(%arg8 : memref<80xi32, #tpu.memory_space<vmem>>)
        tpu.yield
      }) : () -> ()
      "tpu.region"() ({
        %run_scoped3A = tpu.sem_alloc : memref<!tpu.dma_semaphore, #tpu.memory_space<semaphore_mem>>
        %dma_start3A_103 = tpu.memref_slice %arg4[%add3A_30] : memref<320000xi32, #tpu.memory_space<hbm>> -> memref<80xi32, #tpu.memory_space<hbm>>
        %dma_start3A_104 = tpu.memref_slice %arg4[%add3A_30] : memref<320000xi32, #tpu.memory_space<hbm>> -> memref<80xi32, #tpu.memory_space<hbm>>
        tpu.enqueue_dma source(%dma_start3A_104 : memref<80xi32, #tpu.memory_space<hbm>>) target(%arg9 : memref<80xi32, #tpu.memory_space<vmem>>) target_semaphore(%run_scoped3A : memref<!tpu.dma_semaphore, #tpu.memory_space<semaphore_mem>>)
        %dma_wait3A_105 = tpu.memref_slice %arg4[%add3A_30] : memref<320000xi32, #tpu.memory_space<hbm>> -> memref<80xi32, #tpu.memory_space<hbm>>
        %dma_wait3A_106 = tpu.memref_slice %arg4[%add3A_30] : memref<320000xi32, #tpu.memory_space<hbm>> -> memref<80xi32, #tpu.memory_space<hbm>>
        tpu.wait_dma2 semaphore(%run_scoped3A : memref<!tpu.dma_semaphore, #tpu.memory_space<semaphore_mem>>) src(%dma_wait3A_106 : memref<80xi32, #tpu.memory_space<hbm>>) dst(%arg9 : memref<80xi32, #tpu.memory_space<vmem>>)
        tpu.yield
      }) : () -> ()
      %get3A = arith.constant 0 : index
      %get3A_31 = tpu.vector_load %arg8[%get3A] {strides = array<i32>} : memref<80xi32, #tpu.memory_space<vmem>>, vector<16xi32>,
      %get3A_32 = vector.shape_cast %get3A_31 : vector<16xi32> to vector<16xi32>
      %mul3A_33 = arith.constant 10240 : i32
      %mul3A_34 = vector.broadcast %mul3A_33 : i32 to vector<16xi32>
      %mul3A_35 = arith.muli %get3A_32, %mul3A_34 : vector<16xi32>
      %get3A_36 = arith.constant 0 : index
      %get3A_37 = tpu.vector_load %arg7[%get3A_36] {strides = array<i32>} : memref<80xi32, #tpu.memory_space<vmem>>, vector<16xi32>,
      %get3A_38 = vector.shape_cast %get3A_37 : vector<16xi32> to vector<16xi32>
      %add3A_39 = arith.addi %mul3A_35, %get3A_38 : vector<16xi32>
      %swap3A = arith.constant 0 : index
      %swap3A_40 = tpu.vector_load %arg10[%swap3A] {strides = array<i32>} : memref<80xi32, #tpu.memory_space<vmem>>, vector<16xi32>,
      %swap3A_41 = vector.shape_cast %swap3A_40 : vector<16xi32> to vector<16xi32>
      %swap3A_42 = vector.shape_cast %add3A_39 : vector<16xi32> to vector<16xi32>
      tpu.vector_store %arg10[%swap3A], %swap3A_42 {strides = array<i32>} : memref<80xi32, #tpu.memory_space<vmem>>, vector<16xi32>,
      %get3A_43 = arith.constant 16 : index
      %get3A_44 = tpu.vector_load %arg8[%get3A_43] {strides = array<i32>} : memref<80xi32, #tpu.memory_space<vmem>>, vector<16xi32>,
      %get3A_45 = vector.shape_cast %get3A_44 : vector<16xi32> to vector<16xi32>
      %mul3A_46 = arith.constant 10240 : i32
      %mul3A_47 = vector.broadcast %mul3A_46 : i32 to vector<16xi32>
      %mul3A_48 = arith.muli %get3A_45, %mul3A_47 : vector<16xi32>
      %get3A_49 = arith.constant 16 : index
      %get3A_50 = tpu.vector_load %arg7[%get3A_49] {strides = array<i32>} : memref<80xi32, #tpu.memory_space<vmem>>, vector<16xi32>,
      %get3A_51 = vector.shape_cast %get3A_50 : vector<16xi32> to vector<16xi32>
      %add3A_52 = arith.addi %mul3A_48, %get3A_51 : vector<16xi32>
      %swap3A_53 = arith.constant 16 : index
      %swap3A_54 = tpu.vector_load %arg10[%swap3A_53] {strides = array<i32>} : memref<80xi32, #tpu.memory_space<vmem>>, vector<16xi32>,
      %swap3A_55 = vector.shape_cast %swap3A_54 : vector<16xi32> to vector<16xi32>
      %swap3A_56 = vector.shape_cast %add3A_52 : vector<16xi32> to vector<16xi32>
      tpu.vector_store %arg10[%swap3A_53], %swap3A_56 {strides = array<i32>} : memref<80xi32, #tpu.memory_space<vmem>>, vector<16xi32>,
      %get3A_57 = arith.constant 32 : index
      %get3A_58 = tpu.vector_load %arg8[%get3A_57] {strides = array<i32>} : memref<80xi32, #tpu.memory_space<vmem>>, vector<16xi32>,
      %get3A_59 = vector.shape_cast %get3A_58 : vector<16xi32> to vector<16xi32>
      %mul3A_60 = arith.constant 10240 : i32
      %mul3A_61 = vector.broadcast %mul3A_60 : i32 to vector<16xi32>
      %mul3A_62 = arith.muli %get3A_59, %mul3A_61 : vector<16xi32>
      %get3A_63 = arith.constant 32 : index
      %get3A_64 = tpu.vector_load %arg7[%get3A_63] {strides = array<i32>} : memref<80xi32, #tpu.memory_space<vmem>>, vector<16xi32>,
      %get3A_65 = vector.shape_cast %get3A_64 : vector<16xi32> to vector<16xi32>
      %add3A_66 = arith.addi %mul3A_62, %get3A_65 : vector<16xi32>
      %swap3A_67 = arith.constant 32 : index
      %swap3A_68 = tpu.vector_load %arg10[%swap3A_67] {strides = array<i32>} : memref<80xi32, #tpu.memory_space<vmem>>, vector<16xi32>,
      %swap3A_69 = vector.shape_cast %swap3A_68 : vector<16xi32> to vector<16xi32>
      %swap3A_70 = vector.shape_cast %add3A_66 : vector<16xi32> to vector<16xi32>
      tpu.vector_store %arg10[%swap3A_67], %swap3A_70 {strides = array<i32>} : memref<80xi32, #tpu.memory_space<vmem>>, vector<16xi32>,
      %get3A_71 = arith.constant 48 : index
      %get3A_72 = tpu.vector_load %arg8[%get3A_71] {strides = array<i32>} : memref<80xi32, #tpu.memory_space<vmem>>, vector<16xi32>,
      %get3A_73 = vector.shape_cast %get3A_72 : vector<16xi32> to vector<16xi32>
      %mul3A_74 = arith.constant 10240 : i32
      %mul3A_75 = vector.broadcast %mul3A_74 : i32 to vector<16xi32>
      %mul3A_76 = arith.muli %get3A_73, %mul3A_75 : vector<16xi32>
      %get3A_77 = arith.constant 48 : index
      %get3A_78 = tpu.vector_load %arg7[%get3A_77] {strides = array<i32>} : memref<80xi32, #tpu.memory_space<vmem>>, vector<16xi32>,
      %get3A_79 = vector.shape_cast %get3A_78 : vector<16xi32> to vector<16xi32>
      %add3A_80 = arith.addi %mul3A_76, %get3A_79 : vector<16xi32>
      %swap3A_81 = arith.constant 48 : index
      %swap3A_82 = tpu.vector_load %arg10[%swap3A_81] {strides = array<i32>} : memref<80xi32, #tpu.memory_space<vmem>>, vector<16xi32>,
      %swap3A_83 = vector.shape_cast %swap3A_82 : vector<16xi32> to vector<16xi32>
      %swap3A_84 = vector.shape_cast %add3A_80 : vector<16xi32> to vector<16xi32>
      tpu.vector_store %arg10[%swap3A_81], %swap3A_84 {strides = array<i32>} : memref<80xi32, #tpu.memory_space<vmem>>, vector<16xi32>,
      %get3A_85 = arith.constant 64 : index
      %get3A_86 = tpu.vector_load %arg8[%get3A_85] {strides = array<i32>} : memref<80xi32, #tpu.memory_space<vmem>>, vector<16xi32>,
      %get3A_87 = vector.shape_cast %get3A_86 : vector<16xi32> to vector<16xi32>
      %mul3A_88 = arith.constant 10240 : i32
      %mul3A_89 = vector.broadcast %mul3A_88 : i32 to vector<16xi32>
      %mul3A_90 = arith.muli %get3A_87, %mul3A_89 : vector<16xi32>
      %get3A_91 = arith.constant 64 : index
      %get3A_92 = tpu.vector_load %arg7[%get3A_91] {strides = array<i32>} : memref<80xi32, #tpu.memory_space<vmem>>, vector<16xi32>,
      %get3A_93 = vector.shape_cast %get3A_92 : vector<16xi32> to vector<16xi32>
      %add3A_94 = arith.addi %mul3A_90, %get3A_93 : vector<16xi32>
      %swap3A_95 = arith.constant 64 : index
      %swap3A_96 = tpu.vector_load %arg10[%swap3A_95] {strides = array<i32>} : memref<80xi32, #tpu.memory_space<vmem>>, vector<16xi32>,
      %swap3A_97 = vector.shape_cast %swap3A_96 : vector<16xi32> to vector<16xi32>
      %swap3A_98 = vector.shape_cast %add3A_94 : vector<16xi32> to vector<16xi32>
      tpu.vector_store %arg10[%swap3A_95], %swap3A_98 {strides = array<i32>} : memref<80xi32, #tpu.memory_space<vmem>>, vector<16xi32>,
      %dma_start3A = arith.constant 0 : i32
      %dma_start3A_99 = arith.constant 0 : i32
      %dma_start3A_100 = tpu.memref_slice %arg5[%dma_start3A, %dma_start3A_99] : memref<81920x128xf32, #tpu.memory_space<hbm>> -> memref<81920x128xf32, #tpu.memory_space<hbm>>
      tpu.enqueue_indirect_dma source(%dma_start3A_100 : memref<81920x128xf32, #tpu.memory_space<hbm>>) target(%arg11 : memref<80x128xf32, #tpu.memory_space<vmem>>) offsets(%arg10 : memref<80xi32, #tpu.memory_space<vmem>>) semaphore(%arg13 : memref<!tpu.dma_semaphore, #tpu.memory_space<semaphore_mem>>)
      %dma_wait3A = arith.constant 0 : i32
      %dma_wait3A_101 = arith.constant 0 : i32
      %dma_wait3A_102 = tpu.memref_slice %arg5[%dma_wait3A, %dma_wait3A_101] : memref<81920x128xf32, #tpu.memory_space<hbm>> -> memref<81920x128xf32, #tpu.memory_space<hbm>>
      tpu.wait_indirect_dma semaphore(%arg13 : memref<!tpu.dma_semaphore, #tpu.memory_space<semaphore_mem>>) src(%dma_wait3A_102 : memref<81920x128xf32, #tpu.memory_space<hbm>>) dst(%arg11 : memref<80x128xf32, #tpu.memory_space<vmem>>)
      "tpu.region"() ({
        %run_scoped3A = tpu.sem_alloc : memref<!tpu.dma_semaphore, #tpu.memory_space<semaphore_mem>>
        %dma_start3A_103 = arith.constant 0 : i32
        %dma_start3A_104 = arith.constant 0 : i32
        %dma_start3A_105 = tpu.memref_slice %arg12[%dma_start3A_103, %dma_start3A_104] : memref<10240x128xf32, #tpu.memory_space<vmem_shared>> -> memref<10240x128xf32, #tpu.memory_space<vmem_shared>>
        tpu.enqueue_indirect_dma source(%arg11 : memref<80x128xf32, #tpu.memory_space<vmem>>) target(%dma_start3A_105 : memref<10240x128xf32, #tpu.memory_space<vmem_shared>>) offsets(%arg9 : memref<80xi32, #tpu.memory_space<vmem>>) semaphore(%run_scoped3A : memref<!tpu.dma_semaphore, #tpu.memory_space<semaphore_mem>>) {add = true}
        %dma_wait3A_106 = arith.constant 0 : i32
        %dma_wait3A_107 = arith.constant 0 : i32
        %dma_wait3A_108 = tpu.memref_slice %arg12[%dma_wait3A_106, %dma_wait3A_107] : memref<10240x128xf32, #tpu.memory_space<vmem_shared>> -> memref<10240x128xf32, #tpu.memory_space<vmem_shared>>
        tpu.wait_indirect_dma semaphore(%run_scoped3A : memref<!tpu.dma_semaphore, #tpu.memory_space<semaphore_mem>>) src(%arg11 : memref<80x128xf32, #tpu.memory_space<vmem>>) dst(%dma_wait3A_108 : memref<10240x128xf32, #tpu.memory_space<vmem_shared>>)
        tpu.yield
      }) : () -> ()
    }
    %scan3A_19 = arith.constant 125 : i32
    %barrier3A_20 = arith.constant 0 : index
    tpu.barrier barrier_id(%barrier3A_20)
    %scan3A_21 = arith.constant 0 : i32
    %scan3A_22 = arith.constant 0 : i32
    %scan3A_23 = arith.constant 8 : i32
    %scan3A_24 = arith.addi %scan3A_22, %scan3A_23 : i32
    %scan3A_25 = arith.constant 1 : i32
    scf.for %scan3A_27 = %scan3A_22 to %scan3A_24 step %scan3A_25  : i32 {
      %mul3A_28 = arith.constant 640 : i32
      %mul3A_29 = arith.muli %arg1, %mul3A_28 : i32
      %mul3A_30 = arith.constant 80 : i32
      %mul3A_31 = arith.muli %scan3A_27, %mul3A_30 : i32
      %add3A_32 = arith.addi %mul3A_29, %mul3A_31 : i32
      "tpu.region"() ({
        %run_scoped3A = tpu.sem_alloc : memref<!tpu.dma_semaphore, #tpu.memory_space<semaphore_mem>>
        %dma_start3A = arith.constant 0 : i32
        %dma_start3A_36 = tpu.memref_slice %arg12[%add3A_32, %dma_start3A] : memref<10240x128xf32, #tpu.memory_space<vmem_shared>> -> memref<80x128xf32, #tpu.memory_space<vmem_shared>>
        %dma_start3A_37 = arith.constant 0 : i32
        %dma_start3A_38 = tpu.memref_slice %arg12[%add3A_32, %dma_start3A_37] : memref<10240x128xf32, #tpu.memory_space<vmem_shared>> -> memref<80x128xf32, #tpu.memory_space<vmem_shared>>
        tpu.enqueue_dma source(%dma_start3A_38 : memref<80x128xf32, #tpu.memory_space<vmem_shared>>) target(%arg11 : memref<80x128xf32, #tpu.memory_space<vmem>>) target_semaphore(%run_scoped3A : memref<!tpu.dma_semaphore, #tpu.memory_space<semaphore_mem>>)
        %dma_wait3A = arith.constant 0 : i32
        %dma_wait3A_39 = tpu.memref_slice %arg12[%add3A_32, %dma_wait3A] : memref<10240x128xf32, #tpu.memory_space<vmem_shared>> -> memref<80x128xf32, #tpu.memory_space<vmem_shared>>
        %dma_wait3A_40 = arith.constant 0 : i32
        %dma_wait3A_41 = tpu.memref_slice %arg12[%add3A_32, %dma_wait3A_40] : memref<10240x128xf32, #tpu.memory_space<vmem_shared>> -> memref<80x128xf32, #tpu.memory_space<vmem_shared>>
        tpu.wait_dma2 semaphore(%run_scoped3A : memref<!tpu.dma_semaphore, #tpu.memory_space<semaphore_mem>>) src(%dma_wait3A_41 : memref<80x128xf32, #tpu.memory_space<vmem_shared>>) dst(%arg11 : memref<80x128xf32, #tpu.memory_space<vmem>>)
        tpu.yield
      }) : () -> ()
      %mul3A_33 = arith.constant 10240 : i32
      %mul3A_34 = arith.muli %arg0, %mul3A_33 : i32
      %add3A_35 = arith.addi %mul3A_34, %add3A_32 : i32
      "tpu.region"() ({
        %run_scoped3A = tpu.sem_alloc : memref<!tpu.dma_semaphore, #tpu.memory_space<semaphore_mem>>
        %dma_start3A = arith.constant 0 : i32
        %dma_start3A_36 = tpu.memref_slice %arg6[%add3A_35, %dma_start3A] : memref<20480x128xf32, #tpu.memory_space<hbm>> -> memref<80x128xf32, #tpu.memory_space<hbm>>
        %dma_start3A_37 = arith.constant 0 : i32
        %dma_start3A_38 = tpu.memref_slice %arg6[%add3A_35, %dma_start3A_37] : memref<20480x128xf32, #tpu.memory_space<hbm>> -> memref<80x128xf32, #tpu.memory_space<hbm>>
        tpu.enqueue_dma source(%arg11 : memref<80x128xf32, #tpu.memory_space<vmem>>) target(%dma_start3A_38 : memref<80x128xf32, #tpu.memory_space<hbm>>) target_semaphore(%run_scoped3A : memref<!tpu.dma_semaphore, #tpu.memory_space<semaphore_mem>>)
        %dma_wait3A = arith.constant 0 : i32
        %dma_wait3A_39 = tpu.memref_slice %arg6[%add3A_35, %dma_wait3A] : memref<20480x128xf32, #tpu.memory_space<hbm>> -> memref<80x128xf32, #tpu.memory_space<hbm>>
        %dma_wait3A_40 = arith.constant 0 : i32
        %dma_wait3A_41 = tpu.memref_slice %arg6[%add3A_35, %dma_wait3A_40] : memref<20480x128xf32, #tpu.memory_space<hbm>> -> memref<80x128xf32, #tpu.memory_space<hbm>>
        tpu.wait_dma2 semaphore(%run_scoped3A : memref<!tpu.dma_semaphore, #tpu.memory_space<semaphore_mem>>) src(%arg11 : memref<80x128xf32, #tpu.memory_space<vmem>>) dst(%dma_wait3A_41 : memref<80x128xf32, #tpu.memory_space<hbm>>)
        tpu.yield
      }) : () -> ()
    }
    %scan3A_26 = arith.constant 8 : i32
    return
  }
}

module attributes {stable_mosaic.version = 14 : i64} {
  func.func @_embed_body(%arg0: i32, %arg1: memref<1x1x512xf32, #tpu.memory_space<vmem>>, %arg2: memref<119x128xf32, #tpu.memory_space<vmem>>, %arg3: memref<8x128xf32, #tpu.memory_space<vmem>>, %arg4: memref<512x128xf32, #tpu.memory_space<vmem>>, %arg5: memref<8x512x128xf32, #tpu.memory_space<vmem>>) attributes {dimension_semantics = [#tpu.dimension_semantics<arbitrary>], iteration_bounds = array<i64: 20>, scalar_prefetch = 0 : i64, scratch_operands = 0 : i64, tpu.core_type = #tpu.core_type<tc>, window_params = [{transform_indices = @transform_0, window_bounds = array<i64: 1, 1, 512>}, {pipeline_mode = #tpu.pipeline_mode<synchronous>, transform_indices = @transform_1, window_bounds = array<i64: 119, 128>}, {pipeline_mode = #tpu.pipeline_mode<synchronous>, transform_indices = @transform_2, window_bounds = array<i64: 8, 128>}, {transform_indices = @transform_3, window_bounds = array<i64: 512, 128>}, {transform_indices = @transform_4, window_bounds = array<i64: 8, 512, 128>}]} {
    %get3A = arith.constant 0 : index
    %get3A_0 = arith.constant 0 : index
    %get3A_1 = arith.constant 0 : index
    %get3A_2 = vector.load %arg1[%get3A, %get3A_0, %get3A_1] : memref<1x1x512xf32, #tpu.memory_space<vmem>>, vector<1x1x512xf32>
    %get3A_3 = vector.shape_cast %get3A_2 : vector<1x1x512xf32> to vector<1x512xf32>
    %iota3A = tpu.iota {dimensions = array<i32: 0>} : vector<119x512xi32>
    %convert_element_type3A = arith.sitofp %iota3A : vector<119x512xi32> to vector<119x512xf32>
    %broadcast_in_dim3A = vector.shape_cast %get3A_3 : vector<1x512xf32> to vector<1x512xf32>
    %broadcast_in_dim3A_4 = vector.broadcast %broadcast_in_dim3A : vector<1x512xf32> to vector<119x512xf32>
    %eq3A = arith.cmpf oeq, %broadcast_in_dim3A_4, %convert_element_type3A : vector<119x512xf32>
    %convert_element_type3A_5 = arith.extui %eq3A : vector<119x512xi1> to vector<119x512xi32>
    %convert_element_type3A_6 = arith.sitofp %convert_element_type3A_5 : vector<119x512xi32> to vector<119x512xf32>
    %get3A_7 = arith.constant 0 : index
    %get3A_8 = arith.constant 0 : index
    %get3A_9 = vector.load %arg2[%get3A_7, %get3A_8] : memref<119x128xf32, #tpu.memory_space<vmem>>, vector<119x128xf32>
    %dot_general3A = arith.constant dense<0.000000e+00> : vector<512x128xf32>
    %dot_general3A_10 = tpu.matmul %convert_element_type3A_6, %get3A_9, %dot_general3A {dimension_numbers = #tpu.dot_dimension_numbers<[0], [0], [1], [1], [0, 1, 1, 1], [], []>, precision = #tpu.contract_precision<fp32>, transpose_lhs_hint = false} : vector<119x512xf32>, vector<119x128xf32>, vector<512x128xf32> -> vector<512x128xf32>
    %swap3A = arith.constant 0 : index
    %swap3A_11 = arith.constant 0 : index
    %swap3A_12 = vector.load %arg4[%swap3A, %swap3A_11] : memref<512x128xf32, #tpu.memory_space<vmem>>, vector<512x128xf32>
    tpu.vector_store %arg4[%swap3A, %swap3A_11], %dot_general3A_10 {strides = array<i32>} : memref<512x128xf32, #tpu.memory_space<vmem>>, vector<512x128xf32>,
    %get3A_13 = arith.constant 0 : index
    %get3A_14 = arith.constant 0 : index
    %get3A_15 = vector.load %arg3[%get3A_13, %get3A_14] : memref<8x128xf32, #tpu.memory_space<vmem>>, vector<1x128xf32>
    %add3A = vector.broadcast %get3A_15 : vector<1x128xf32> to vector<512x128xf32>
    %add3A_16 = arith.addf %dot_general3A_10, %add3A : vector<512x128xf32>
    %max3A = arith.constant 0.000000e+00 : f32
    %max3A_17 = vector.broadcast %max3A : f32 to vector<512x128xf32>
    %max3A_18 = arith.maximumf %add3A_16, %max3A_17 : vector<512x128xf32>
    %swap3A_19 = arith.constant 0 : index
    %swap3A_20 = arith.constant 0 : index
    %swap3A_21 = arith.constant 0 : index
    %swap3A_22 = vector.load %arg5[%swap3A_19, %swap3A_20, %swap3A_21] : memref<8x512x128xf32, #tpu.memory_space<vmem>>, vector<1x512x128xf32>
    %swap3A_23 = vector.shape_cast %swap3A_22 : vector<1x512x128xf32> to vector<512x128xf32>
    %swap3A_24 = vector.shape_cast %max3A_18 : vector<512x128xf32> to vector<1x512x128xf32>
    tpu.vector_store %arg5[%swap3A_19, %swap3A_20, %swap3A_21], %swap3A_24 {strides = array<i32>} : memref<8x512x128xf32, #tpu.memory_space<vmem>>, vector<1x512x128xf32>,
    %get3A_25 = arith.constant 1 : index
    %get3A_26 = arith.constant 0 : index
    %get3A_27 = vector.load %arg3[%get3A_25, %get3A_26] : memref<8x128xf32, #tpu.memory_space<vmem>>, vector<1x128xf32>
    %add3A_28 = vector.broadcast %get3A_27 : vector<1x128xf32> to vector<512x128xf32>
    %add3A_29 = arith.addf %dot_general3A_10, %add3A_28 : vector<512x128xf32>
    %max3A_30 = arith.constant 0.000000e+00 : f32
    %max3A_31 = vector.broadcast %max3A_30 : f32 to vector<512x128xf32>
    %max3A_32 = arith.maximumf %add3A_29, %max3A_31 : vector<512x128xf32>
    %swap3A_33 = arith.constant 1 : index
    %swap3A_34 = arith.constant 0 : index
    %swap3A_35 = arith.constant 0 : index
    %swap3A_36 = vector.load %arg5[%swap3A_33, %swap3A_34, %swap3A_35] : memref<8x512x128xf32, #tpu.memory_space<vmem>>, vector<1x512x128xf32>
    %swap3A_37 = vector.shape_cast %swap3A_36 : vector<1x512x128xf32> to vector<512x128xf32>
    %swap3A_38 = vector.shape_cast %max3A_32 : vector<512x128xf32> to vector<1x512x128xf32>
    tpu.vector_store %arg5[%swap3A_33, %swap3A_34, %swap3A_35], %swap3A_38 {strides = array<i32>} : memref<8x512x128xf32, #tpu.memory_space<vmem>>, vector<1x512x128xf32>,
    %get3A_39 = arith.constant 2 : index
    %get3A_40 = arith.constant 0 : index
    %get3A_41 = vector.load %arg3[%get3A_39, %get3A_40] : memref<8x128xf32, #tpu.memory_space<vmem>>, vector<1x128xf32>
    %add3A_42 = vector.broadcast %get3A_41 : vector<1x128xf32> to vector<512x128xf32>
    %add3A_43 = arith.addf %dot_general3A_10, %add3A_42 : vector<512x128xf32>
    %max3A_44 = arith.constant 0.000000e+00 : f32
    %max3A_45 = vector.broadcast %max3A_44 : f32 to vector<512x128xf32>
    %max3A_46 = arith.maximumf %add3A_43, %max3A_45 : vector<512x128xf32>
    %swap3A_47 = arith.constant 2 : index
    %swap3A_48 = arith.constant 0 : index
    %swap3A_49 = arith.constant 0 : index
    %swap3A_50 = vector.load %arg5[%swap3A_47, %swap3A_48, %swap3A_49] : memref<8x512x128xf32, #tpu.memory_space<vmem>>, vector<1x512x128xf32>
    %swap3A_51 = vector.shape_cast %swap3A_50 : vector<1x512x128xf32> to vector<512x128xf32>
    %swap3A_52 = vector.shape_cast %max3A_46 : vector<512x128xf32> to vector<1x512x128xf32>
    tpu.vector_store %arg5[%swap3A_47, %swap3A_48, %swap3A_49], %swap3A_52 {strides = array<i32>} : memref<8x512x128xf32, #tpu.memory_space<vmem>>, vector<1x512x128xf32>,
    %get3A_53 = arith.constant 3 : index
    %get3A_54 = arith.constant 0 : index
    %get3A_55 = vector.load %arg3[%get3A_53, %get3A_54] : memref<8x128xf32, #tpu.memory_space<vmem>>, vector<1x128xf32>
    %add3A_56 = vector.broadcast %get3A_55 : vector<1x128xf32> to vector<512x128xf32>
    %add3A_57 = arith.addf %dot_general3A_10, %add3A_56 : vector<512x128xf32>
    %max3A_58 = arith.constant 0.000000e+00 : f32
    %max3A_59 = vector.broadcast %max3A_58 : f32 to vector<512x128xf32>
    %max3A_60 = arith.maximumf %add3A_57, %max3A_59 : vector<512x128xf32>
    %swap3A_61 = arith.constant 3 : index
    %swap3A_62 = arith.constant 0 : index
    %swap3A_63 = arith.constant 0 : index
    %swap3A_64 = vector.load %arg5[%swap3A_61, %swap3A_62, %swap3A_63] : memref<8x512x128xf32, #tpu.memory_space<vmem>>, vector<1x512x128xf32>
    %swap3A_65 = vector.shape_cast %swap3A_64 : vector<1x512x128xf32> to vector<512x128xf32>
    %swap3A_66 = vector.shape_cast %max3A_60 : vector<512x128xf32> to vector<1x512x128xf32>
    tpu.vector_store %arg5[%swap3A_61, %swap3A_62, %swap3A_63], %swap3A_66 {strides = array<i32>} : memref<8x512x128xf32, #tpu.memory_space<vmem>>, vector<1x512x128xf32>,
    %get3A_67 = arith.constant 4 : index
    %get3A_68 = arith.constant 0 : index
    %get3A_69 = vector.load %arg3[%get3A_67, %get3A_68] : memref<8x128xf32, #tpu.memory_space<vmem>>, vector<1x128xf32>
    %add3A_70 = vector.broadcast %get3A_69 : vector<1x128xf32> to vector<512x128xf32>
    %add3A_71 = arith.addf %dot_general3A_10, %add3A_70 : vector<512x128xf32>
    %max3A_72 = arith.constant 0.000000e+00 : f32
    %max3A_73 = vector.broadcast %max3A_72 : f32 to vector<512x128xf32>
    %max3A_74 = arith.maximumf %add3A_71, %max3A_73 : vector<512x128xf32>
    %swap3A_75 = arith.constant 4 : index
    %swap3A_76 = arith.constant 0 : index
    %swap3A_77 = arith.constant 0 : index
    %swap3A_78 = vector.load %arg5[%swap3A_75, %swap3A_76, %swap3A_77] : memref<8x512x128xf32, #tpu.memory_space<vmem>>, vector<1x512x128xf32>
    %swap3A_79 = vector.shape_cast %swap3A_78 : vector<1x512x128xf32> to vector<512x128xf32>
    %swap3A_80 = vector.shape_cast %max3A_74 : vector<512x128xf32> to vector<1x512x128xf32>
    tpu.vector_store %arg5[%swap3A_75, %swap3A_76, %swap3A_77], %swap3A_80 {strides = array<i32>} : memref<8x512x128xf32, #tpu.memory_space<vmem>>, vector<1x512x128xf32>,
    %get3A_81 = arith.constant 5 : index
    %get3A_82 = arith.constant 0 : index
    %get3A_83 = vector.load %arg3[%get3A_81, %get3A_82] : memref<8x128xf32, #tpu.memory_space<vmem>>, vector<1x128xf32>
    %add3A_84 = vector.broadcast %get3A_83 : vector<1x128xf32> to vector<512x128xf32>
    %add3A_85 = arith.addf %dot_general3A_10, %add3A_84 : vector<512x128xf32>
    %max3A_86 = arith.constant 0.000000e+00 : f32
    %max3A_87 = vector.broadcast %max3A_86 : f32 to vector<512x128xf32>
    %max3A_88 = arith.maximumf %add3A_85, %max3A_87 : vector<512x128xf32>
    %swap3A_89 = arith.constant 5 : index
    %swap3A_90 = arith.constant 0 : index
    %swap3A_91 = arith.constant 0 : index
    %swap3A_92 = vector.load %arg5[%swap3A_89, %swap3A_90, %swap3A_91] : memref<8x512x128xf32, #tpu.memory_space<vmem>>, vector<1x512x128xf32>
    %swap3A_93 = vector.shape_cast %swap3A_92 : vector<1x512x128xf32> to vector<512x128xf32>
    %swap3A_94 = vector.shape_cast %max3A_88 : vector<512x128xf32> to vector<1x512x128xf32>
    tpu.vector_store %arg5[%swap3A_89, %swap3A_90, %swap3A_91], %swap3A_94 {strides = array<i32>} : memref<8x512x128xf32, #tpu.memory_space<vmem>>, vector<1x512x128xf32>,
    %get3A_95 = arith.constant 6 : index
    %get3A_96 = arith.constant 0 : index
    %get3A_97 = vector.load %arg3[%get3A_95, %get3A_96] : memref<8x128xf32, #tpu.memory_space<vmem>>, vector<1x128xf32>
    %add3A_98 = vector.broadcast %get3A_97 : vector<1x128xf32> to vector<512x128xf32>
    %add3A_99 = arith.addf %dot_general3A_10, %add3A_98 : vector<512x128xf32>
    %max3A_100 = arith.constant 0.000000e+00 : f32
    %max3A_101 = vector.broadcast %max3A_100 : f32 to vector<512x128xf32>
    %max3A_102 = arith.maximumf %add3A_99, %max3A_101 : vector<512x128xf32>
    %swap3A_103 = arith.constant 6 : index
    %swap3A_104 = arith.constant 0 : index
    %swap3A_105 = arith.constant 0 : index
    %swap3A_106 = vector.load %arg5[%swap3A_103, %swap3A_104, %swap3A_105] : memref<8x512x128xf32, #tpu.memory_space<vmem>>, vector<1x512x128xf32>
    %swap3A_107 = vector.shape_cast %swap3A_106 : vector<1x512x128xf32> to vector<512x128xf32>
    %swap3A_108 = vector.shape_cast %max3A_102 : vector<512x128xf32> to vector<1x512x128xf32>
    tpu.vector_store %arg5[%swap3A_103, %swap3A_104, %swap3A_105], %swap3A_108 {strides = array<i32>} : memref<8x512x128xf32, #tpu.memory_space<vmem>>, vector<1x512x128xf32>,
    %get3A_109 = arith.constant 7 : index
    %get3A_110 = arith.constant 0 : index
    %get3A_111 = vector.load %arg3[%get3A_109, %get3A_110] : memref<8x128xf32, #tpu.memory_space<vmem>>, vector<1x128xf32>
    %add3A_112 = vector.broadcast %get3A_111 : vector<1x128xf32> to vector<512x128xf32>
    %add3A_113 = arith.addf %dot_general3A_10, %add3A_112 : vector<512x128xf32>
    %max3A_114 = arith.constant 0.000000e+00 : f32
    %max3A_115 = vector.broadcast %max3A_114 : f32 to vector<512x128xf32>
    %max3A_116 = arith.maximumf %add3A_113, %max3A_115 : vector<512x128xf32>
    %swap3A_117 = arith.constant 7 : index
    %swap3A_118 = arith.constant 0 : index
    %swap3A_119 = arith.constant 0 : index
    %swap3A_120 = vector.load %arg5[%swap3A_117, %swap3A_118, %swap3A_119] : memref<8x512x128xf32, #tpu.memory_space<vmem>>, vector<1x512x128xf32>
    %swap3A_121 = vector.shape_cast %swap3A_120 : vector<1x512x128xf32> to vector<512x128xf32>
    %swap3A_122 = vector.shape_cast %max3A_116 : vector<512x128xf32> to vector<1x512x128xf32>
    tpu.vector_store %arg5[%swap3A_117, %swap3A_118, %swap3A_119], %swap3A_122 {strides = array<i32>} : memref<8x512x128xf32, #tpu.memory_space<vmem>>, vector<1x512x128xf32>,
    return
  }
  func.func @transform_0(%arg0: i32) -> (i32, i32, i32) {
    %c0_i32 = arith.constant 0 : i32
    %c0_i32_0 = arith.constant 0 : i32
    %c0_i32_1 = arith.constant 0 : i32
    return %arg0, %c0_i32, %c0_i32_0 : i32, i32, i32
  }
  func.func @transform_1(%arg0: i32) -> (i32, i32) {
    %c0_i32 = arith.constant 0 : i32
    %c0_i32_0 = arith.constant 0 : i32
    %c0_i32_1 = arith.constant 0 : i32
    return %c0_i32, %c0_i32_0 : i32, i32
  }
  func.func @transform_2(%arg0: i32) -> (i32, i32) {
    %c0_i32 = arith.constant 0 : i32
    %c0_i32_0 = arith.constant 0 : i32
    %c0_i32_1 = arith.constant 0 : i32
    return %c0_i32, %c0_i32_0 : i32, i32
  }
  func.func @transform_3(%arg0: i32) -> (i32, i32) {
    %c0_i32 = arith.constant 0 : i32
    %c0_i32_0 = arith.constant 0 : i32
    return %arg0, %c0_i32 : i32, i32
  }
  func.func @transform_4(%arg0: i32) -> (i32, i32, i32) {
    %c0_i32 = arith.constant 0 : i32
    %c0_i32_0 = arith.constant 0 : i32
    %c0_i32_1 = arith.constant 0 : i32
    return %c0_i32, %arg0, %c0_i32_0 : i32, i32, i32
  }
}

module attributes {stable_mosaic.version = 14 : i64} {
  func.func @_mlp_body(%arg0: i32, %arg1: memref<512x128xf32, #tpu.memory_space<vmem>>, %arg2: memref<512x128xf32, #tpu.memory_space<vmem>>, %arg3: memref<512x128xf32, #tpu.memory_space<vmem>>, %arg4: memref<1x128xf32, #tpu.memory_space<vmem>>, %arg5: memref<128x256xf32, #tpu.memory_space<vmem>>, %arg6: memref<1x256xf32, #tpu.memory_space<vmem>>, %arg7: memref<256x128xf32, #tpu.memory_space<vmem>>, %arg8: memref<1x128xf32, #tpu.memory_space<vmem>>, %arg9: memref<512x128xf32, #tpu.memory_space<vmem>>, %arg10: memref<8x128xf32, #tpu.memory_space<vmem>>) attributes {dimension_semantics = [#tpu.dimension_semantics<arbitrary>], iteration_bounds = array<i64: 20>, scalar_prefetch = 0 : i64, scratch_operands = 0 : i64, tpu.core_type = #tpu.core_type<tc>, window_params = [{transform_indices = @transform_0, window_bounds = array<i64: 512, 128>}, {transform_indices = @transform_1, window_bounds = array<i64: 512, 128>}, {transform_indices = @transform_2, window_bounds = array<i64: 512, 128>}, {pipeline_mode = #tpu.pipeline_mode<synchronous>, transform_indices = @transform_3, window_bounds = array<i64: 1, 128>}, {pipeline_mode = #tpu.pipeline_mode<synchronous>, transform_indices = @transform_4, window_bounds = array<i64: 128, 256>}, {pipeline_mode = #tpu.pipeline_mode<synchronous>, transform_indices = @transform_5, window_bounds = array<i64: 1, 256>}, {pipeline_mode = #tpu.pipeline_mode<synchronous>, transform_indices = @transform_6, window_bounds = array<i64: 256, 128>}, {pipeline_mode = #tpu.pipeline_mode<synchronous>, transform_indices = @transform_7, window_bounds = array<i64: 1, 128>}, {transform_indices = @transform_8, window_bounds = array<i64: 512, 128>}, {pipeline_mode = #tpu.pipeline_mode<synchronous>, transform_indices = @transform_9, window_bounds = array<i64: 8, 128>}]} {
    %get3A = arith.constant 0 : index
    %get3A_0 = arith.constant 0 : index
    %get3A_1 = vector.load %arg4[%get3A, %get3A_0] : memref<1x128xf32, #tpu.memory_space<vmem>>, vector<1x128xf32>
    %get3A_2 = arith.constant 0 : index
    %get3A_3 = arith.constant 0 : index
    %get3A_4 = vector.load %arg1[%get3A_2, %get3A_3] : memref<512x128xf32, #tpu.memory_space<vmem>>, vector<512x128xf32>
    %mul3A = vector.broadcast %get3A_1 : vector<1x128xf32> to vector<512x128xf32>
    %mul3A_5 = arith.mulf %mul3A, %get3A_4 : vector<512x128xf32>
    %get3A_6 = arith.constant 0 : index
    %get3A_7 = arith.constant 0 : index
    %get3A_8 = vector.load %arg2[%get3A_6, %get3A_7] : memref<512x128xf32, #tpu.memory_space<vmem>>, vector<512x128xf32>
    %get3A_9 = arith.constant 0 : index
    %get3A_10 = arith.constant 0 : index
    %get3A_11 = vector.load %arg3[%get3A_9, %get3A_10] : memref<512x128xf32, #tpu.memory_space<vmem>>, vector<512x128xf32>
    %add3A = arith.addf %get3A_8, %get3A_11 : vector<512x128xf32>
    %add3A_12 = arith.addf %mul3A_5, %add3A : vector<512x128xf32>
    %get3A_13 = arith.constant 0 : index
    %get3A_14 = arith.constant 0 : index
    %get3A_15 = vector.load %arg5[%get3A_13, %get3A_14] : memref<128x256xf32, #tpu.memory_space<vmem>>, vector<128x256xf32>
    %dot_general3A = arith.constant dense<0.000000e+00> : vector<512x256xf32>
    %dot_general3A_16 = tpu.matmul %add3A_12, %get3A_15, %dot_general3A {dimension_numbers = #tpu.dot_dimension_numbers<[1], [0], [0], [1], [0, 0, 1, 1], [], []>, transpose_lhs_hint = false} : vector<512x128xf32>, vector<128x256xf32>, vector<512x256xf32> -> vector<512x256xf32>
    %get3A_17 = arith.constant 0 : index
    %get3A_18 = arith.constant 0 : index
    %get3A_19 = vector.load %arg6[%get3A_17, %get3A_18] : memref<1x256xf32, #tpu.memory_space<vmem>>, vector<1x256xf32>
    %add3A_20 = vector.broadcast %get3A_19 : vector<1x256xf32> to vector<512x256xf32>
    %add3A_21 = arith.addf %dot_general3A_16, %add3A_20 : vector<512x256xf32>
    %max3A = arith.constant 0.000000e+00 : f32
    %max3A_22 = vector.broadcast %max3A : f32 to vector<512x256xf32>
    %max3A_23 = arith.maximumf %add3A_21, %max3A_22 : vector<512x256xf32>
    %get3A_24 = arith.constant 0 : index
    %get3A_25 = arith.constant 0 : index
    %get3A_26 = vector.load %arg7[%get3A_24, %get3A_25] : memref<256x128xf32, #tpu.memory_space<vmem>>, vector<256x128xf32>
    %dot_general3A_27 = arith.constant dense<0.000000e+00> : vector<512x128xf32>
    %dot_general3A_28 = tpu.matmul %max3A_23, %get3A_26, %dot_general3A_27 {dimension_numbers = #tpu.dot_dimension_numbers<[1], [0], [0], [1], [0, 0, 1, 1], [], []>, transpose_lhs_hint = false} : vector<512x256xf32>, vector<256x128xf32>, vector<512x128xf32> -> vector<512x128xf32>
    %get3A_29 = arith.constant 0 : index
    %get3A_30 = arith.constant 0 : index
    %get3A_31 = vector.load %arg8[%get3A_29, %get3A_30] : memref<1x128xf32, #tpu.memory_space<vmem>>, vector<1x128xf32>
    %add3A_32 = vector.broadcast %get3A_31 : vector<1x128xf32> to vector<512x128xf32>
    %add3A_33 = arith.addf %dot_general3A_28, %add3A_32 : vector<512x128xf32>
    %swap3A = arith.constant 0 : index
    %swap3A_34 = arith.constant 0 : index
    %swap3A_35 = vector.load %arg9[%swap3A, %swap3A_34] : memref<512x128xf32, #tpu.memory_space<vmem>>, vector<512x128xf32>
    tpu.vector_store %arg9[%swap3A, %swap3A_34], %add3A_33 {strides = array<i32>} : memref<512x128xf32, #tpu.memory_space<vmem>>, vector<512x128xf32>,
    %eq3A = arith.constant 0 : i32
    %eq3A_36 = arith.cmpi eq, %arg0, %eq3A : i32
    %convert_element_type3A = arith.extui %eq3A_36 : i1 to i32
    %cond3A = arith.constant 0 : i32
    %cond3A_37 = arith.cmpi ne, %convert_element_type3A, %cond3A : i32
    scf.if %cond3A_37 {
      %broadcast_in_dim3A_55 = arith.constant 0.000000e+00 : f32
      %broadcast_in_dim3A_56 = vector.broadcast %broadcast_in_dim3A_55 : f32 to vector<8x128xf32>
      %swap3A_57 = arith.constant 0 : index
      %swap3A_58 = arith.constant 0 : index
      %swap3A_59 = vector.load %arg10[%swap3A_57, %swap3A_58] : memref<8x128xf32, #tpu.memory_space<vmem>>, vector<8x128xf32>
      tpu.vector_store %arg10[%swap3A_57, %swap3A_58], %broadcast_in_dim3A_56 {strides = array<i32>} : memref<8x128xf32, #tpu.memory_space<vmem>>, vector<8x128xf32>,
    } else {
    }
    %mul3A_38 = arith.constant 512 : i32
    %mul3A_39 = arith.muli %arg0, %mul3A_38 : i32
    %iota3A = tpu.iota {dimensions = array<i32: 0>} : vector<512x128xi32>
    %add3A_40 = vector.broadcast %mul3A_39 : i32 to vector<512x128xi32>
    %add3A_41 = arith.addi %add3A_40, %iota3A : vector<512x128xi32>
    %lt3A = arith.constant 10000 : i32
    %lt3A_42 = vector.broadcast %lt3A : i32 to vector<512x128xi32>
    %lt3A_43 = arith.cmpi slt, %add3A_41, %lt3A_42 : vector<512x128xi32>
    %jit3A = arith.constant 0.000000e+00 : f32
    %broadcast_in_dim3A = vector.broadcast %jit3A : f32 to vector<512x128xf32>
    %select_n3A = arith.select %lt3A_43, %add3A_33, %broadcast_in_dim3A : vector<512x128xi1>, vector<512x128xf32>
    %reduce_sum3A = arith.constant dense<0.000000e+00> : vector<128xf32>
    %reduce_sum3A_44 = vector.multi_reduction <add>, %select_n3A, %reduce_sum3A [0] : vector<512x128xf32> to vector<128xf32>
    %broadcast_in_dim3A_45 = vector.shape_cast %reduce_sum3A_44 : vector<128xf32> to vector<1x128xf32>
    %get3A_46 = arith.constant 0 : index
    %get3A_47 = arith.constant 0 : index
    %get3A_48 = vector.load %arg10[%get3A_46, %get3A_47] : memref<8x128xf32, #tpu.memory_space<vmem>>, vector<8x128xf32>
    %broadcast_in_dim3A_49 = arith.constant 0.000000e+00 : f32
    %broadcast_in_dim3A_50 = vector.broadcast %broadcast_in_dim3A_49 : f32 to vector<7x128xf32>
    %concatenate3A = tpu.concatenate %broadcast_in_dim3A_45, %broadcast_in_dim3A_50 in 0 : vector<1x128xf32>, vector<7x128xf32> -> vector<8x128xf32>
    %add3A_51 = arith.addf %get3A_48, %concatenate3A : vector<8x128xf32>
    %swap3A_52 = arith.constant 0 : index
    %swap3A_53 = arith.constant 0 : index
    %swap3A_54 = vector.load %arg10[%swap3A_52, %swap3A_53] : memref<8x128xf32, #tpu.memory_space<vmem>>, vector<8x128xf32>
    tpu.vector_store %arg10[%swap3A_52, %swap3A_53], %add3A_51 {strides = array<i32>} : memref<8x128xf32, #tpu.memory_space<vmem>>, vector<8x128xf32>,
    return
  }
  func.func @transform_0(%arg0: i32) -> (i32, i32) {
    %c0_i32 = arith.constant 0 : i32
    %c0_i32_0 = arith.constant 0 : i32
    return %arg0, %c0_i32 : i32, i32
  }
  func.func @transform_1(%arg0: i32) -> (i32, i32) {
    %c0_i32 = arith.constant 0 : i32
    %c0_i32_0 = arith.constant 0 : i32
    return %arg0, %c0_i32 : i32, i32
  }
  func.func @transform_2(%arg0: i32) -> (i32, i32) {
    %add3A = arith.constant 20 : i32
    %add3A_0 = arith.addi %arg0, %add3A : i32
    %c0_i32 = arith.constant 0 : i32
    %c0_i32_1 = arith.constant 0 : i32
    return %add3A_0, %c0_i32 : i32, i32
  }
  func.func @transform_3(%arg0: i32) -> (i32, i32) {
    %c0_i32 = arith.constant 0 : i32
    %c0_i32_0 = arith.constant 0 : i32
    %c0_i32_1 = arith.constant 0 : i32
    return %c0_i32, %c0_i32_0 : i32, i32
  }
  func.func @transform_4(%arg0: i32) -> (i32, i32) {
    %c0_i32 = arith.constant 0 : i32
    %c0_i32_0 = arith.constant 0 : i32
    %c0_i32_1 = arith.constant 0 : i32
    return %c0_i32, %c0_i32_0 : i32, i32
  }
  func.func @transform_5(%arg0: i32) -> (i32, i32) {
    %c0_i32 = arith.constant 0 : i32
    %c0_i32_0 = arith.constant 0 : i32
    %c0_i32_1 = arith.constant 0 : i32
    return %c0_i32, %c0_i32_0 : i32, i32
  }
  func.func @transform_6(%arg0: i32) -> (i32, i32) {
    %c0_i32 = arith.constant 0 : i32
    %c0_i32_0 = arith.constant 0 : i32
    %c0_i32_1 = arith.constant 0 : i32
    return %c0_i32, %c0_i32_0 : i32, i32
  }
  func.func @transform_7(%arg0: i32) -> (i32, i32) {
    %c0_i32 = arith.constant 0 : i32
    %c0_i32_0 = arith.constant 0 : i32
    %c0_i32_1 = arith.constant 0 : i32
    return %c0_i32, %c0_i32_0 : i32, i32
  }
  func.func @transform_8(%arg0: i32) -> (i32, i32) {
    %c0_i32 = arith.constant 0 : i32
    %c0_i32_0 = arith.constant 0 : i32
    return %arg0, %c0_i32 : i32, i32
  }
  func.func @transform_9(%arg0: i32) -> (i32, i32) {
    %c0_i32 = arith.constant 0 : i32
    %c0_i32_0 = arith.constant 0 : i32
    %c0_i32_1 = arith.constant 0 : i32
    return %c0_i32, %c0_i32_0 : i32, i32
  }
}

module attributes {stable_mosaic.version = 14 : i64} {
  func.func @_var_body(%arg0: i32, %arg1: memref<8x128xf32, #tpu.memory_space<vmem>>, %arg2: memref<512x128xf32, #tpu.memory_space<vmem>>, %arg3: memref<8x128xf32, #tpu.memory_space<vmem>>) attributes {dimension_semantics = [#tpu.dimension_semantics<arbitrary>], iteration_bounds = array<i64: 20>, scalar_prefetch = 0 : i64, scratch_operands = 0 : i64, tpu.core_type = #tpu.core_type<tc>, window_params = [{pipeline_mode = #tpu.pipeline_mode<synchronous>, transform_indices = @transform_0, window_bounds = array<i64: 8, 128>}, {transform_indices = @transform_1, window_bounds = array<i64: 512, 128>}, {pipeline_mode = #tpu.pipeline_mode<synchronous>, transform_indices = @transform_2, window_bounds = array<i64: 8, 128>}]} {
    %eq3A = arith.constant 0 : i32
    %eq3A_0 = arith.cmpi eq, %arg0, %eq3A : i32
    %convert_element_type3A = arith.extui %eq3A_0 : i1 to i32
    %cond3A = arith.constant 0 : i32
    %cond3A_1 = arith.cmpi ne, %convert_element_type3A, %cond3A : i32
    scf.if %cond3A_1 {
      %broadcast_in_dim3A_26 = arith.constant 0.000000e+00 : f32
      %broadcast_in_dim3A_27 = vector.broadcast %broadcast_in_dim3A_26 : f32 to vector<8x128xf32>
      %swap3A_28 = arith.constant 0 : index
      %swap3A_29 = arith.constant 0 : index
      %swap3A_30 = vector.load %arg3[%swap3A_28, %swap3A_29] : memref<8x128xf32, #tpu.memory_space<vmem>>, vector<8x128xf32>
      tpu.vector_store %arg3[%swap3A_28, %swap3A_29], %broadcast_in_dim3A_27 {strides = array<i32>} : memref<8x128xf32, #tpu.memory_space<vmem>>, vector<8x128xf32>,
    } else {
    }
    %get3A = arith.constant 0 : index
    %get3A_2 = arith.constant 0 : index
    %get3A_3 = vector.load %arg1[%get3A, %get3A_2] : memref<8x128xf32, #tpu.memory_space<vmem>>, vector<1x128xf32>
    %mul3A = arith.constant 9.99999974E-5 : f32
    %mul3A_4 = vector.broadcast %mul3A : f32 to vector<1x128xf32>
    %mul3A_5 = arith.mulf %get3A_3, %mul3A_4 : vector<1x128xf32>
    %mul3A_6 = arith.constant 512 : i32
    %mul3A_7 = arith.muli %arg0, %mul3A_6 : i32
    %iota3A = tpu.iota {dimensions = array<i32: 0>} : vector<512x128xi32>
    %add3A = vector.broadcast %mul3A_7 : i32 to vector<512x128xi32>
    %add3A_8 = arith.addi %add3A, %iota3A : vector<512x128xi32>
    %lt3A = arith.constant 10000 : i32
    %lt3A_9 = vector.broadcast %lt3A : i32 to vector<512x128xi32>
    %lt3A_10 = arith.cmpi slt, %add3A_8, %lt3A_9 : vector<512x128xi32>
    %get3A_11 = arith.constant 0 : index
    %get3A_12 = arith.constant 0 : index
    %get3A_13 = vector.load %arg2[%get3A_11, %get3A_12] : memref<512x128xf32, #tpu.memory_space<vmem>>, vector<512x128xf32>
    %sub3A = vector.broadcast %mul3A_5 : vector<1x128xf32> to vector<512x128xf32>
    %sub3A_14 = arith.subf %get3A_13, %sub3A : vector<512x128xf32>
    %jit3A = arith.constant 0.000000e+00 : f32
    %broadcast_in_dim3A = vector.broadcast %jit3A : f32 to vector<512x128xf32>
    %select_n3A = arith.select %lt3A_10, %sub3A_14, %broadcast_in_dim3A : vector<512x128xi1>, vector<512x128xf32>
    %mul3A_15 = arith.mulf %select_n3A, %select_n3A : vector<512x128xf32>
    %reduce_sum3A = arith.constant dense<0.000000e+00> : vector<128xf32>
    %reduce_sum3A_16 = vector.multi_reduction <add>, %mul3A_15, %reduce_sum3A [0] : vector<512x128xf32> to vector<128xf32>
    %broadcast_in_dim3A_17 = vector.shape_cast %reduce_sum3A_16 : vector<128xf32> to vector<1x128xf32>
    %get3A_18 = arith.constant 0 : index
    %get3A_19 = arith.constant 0 : index
    %get3A_20 = vector.load %arg3[%get3A_18, %get3A_19] : memref<8x128xf32, #tpu.memory_space<vmem>>, vector<8x128xf32>
    %broadcast_in_dim3A_21 = arith.constant 0.000000e+00 : f32
    %broadcast_in_dim3A_22 = vector.broadcast %broadcast_in_dim3A_21 : f32 to vector<7x128xf32>
    %concatenate3A = tpu.concatenate %broadcast_in_dim3A_17, %broadcast_in_dim3A_22 in 0 : vector<1x128xf32>, vector<7x128xf32> -> vector<8x128xf32>
    %add3A_23 = arith.addf %get3A_20, %concatenate3A : vector<8x128xf32>
    %swap3A = arith.constant 0 : index
    %swap3A_24 = arith.constant 0 : index
    %swap3A_25 = vector.load %arg3[%swap3A, %swap3A_24] : memref<8x128xf32, #tpu.memory_space<vmem>>, vector<8x128xf32>
    tpu.vector_store %arg3[%swap3A, %swap3A_24], %add3A_23 {strides = array<i32>} : memref<8x128xf32, #tpu.memory_space<vmem>>, vector<8x128xf32>,
    return
  }
  func.func @transform_0(%arg0: i32) -> (i32, i32) {
    %c0_i32 = arith.constant 0 : i32
    %c0_i32_0 = arith.constant 0 : i32
    %c0_i32_1 = arith.constant 0 : i32
    return %c0_i32, %c0_i32_0 : i32, i32
  }
  func.func @transform_1(%arg0: i32) -> (i32, i32) {
    %c0_i32 = arith.constant 0 : i32
    %c0_i32_0 = arith.constant 0 : i32
    return %arg0, %c0_i32 : i32, i32
  }
  func.func @transform_2(%arg0: i32) -> (i32, i32) {
    %c0_i32 = arith.constant 0 : i32
    %c0_i32_0 = arith.constant 0 : i32
    %c0_i32_1 = arith.constant 0 : i32
    return %c0_i32, %c0_i32_0 : i32, i32
  }
}

module attributes {stable_mosaic.version = 14 : i64} {
  func.func @_finalize_body(%arg0: i32, %arg1: memref<8x128xf32, #tpu.memory_space<vmem>>, %arg2: memref<8x128xf32, #tpu.memory_space<vmem>>, %arg3: memref<512x128xf32, #tpu.memory_space<vmem>>, %arg4: memref<1x128xf32, #tpu.memory_space<vmem>>, %arg5: memref<1x128xf32, #tpu.memory_space<vmem>>, %arg6: memref<8x128xf32, #tpu.memory_space<vmem>>, %arg7: memref<512x128xf32, #tpu.memory_space<vmem>>, %arg8: memref<8x512x128xf32, #tpu.memory_space<vmem>>) attributes {dimension_semantics = [#tpu.dimension_semantics<arbitrary>], iteration_bounds = array<i64: 20>, scalar_prefetch = 0 : i64, scratch_operands = 0 : i64, tpu.core_type = #tpu.core_type<tc>, window_params = [{pipeline_mode = #tpu.pipeline_mode<synchronous>, transform_indices = @transform_0, window_bounds = array<i64: 8, 128>}, {pipeline_mode = #tpu.pipeline_mode<synchronous>, transform_indices = @transform_1, window_bounds = array<i64: 8, 128>}, {transform_indices = @transform_2, window_bounds = array<i64: 512, 128>}, {pipeline_mode = #tpu.pipeline_mode<synchronous>, transform_indices = @transform_3, window_bounds = array<i64: 1, 128>}, {pipeline_mode = #tpu.pipeline_mode<synchronous>, transform_indices = @transform_4, window_bounds = array<i64: 1, 128>}, {pipeline_mode = #tpu.pipeline_mode<synchronous>, transform_indices = @transform_5, window_bounds = array<i64: 8, 128>}, {transform_indices = @transform_6, window_bounds = array<i64: 512, 128>}, {transform_indices = @transform_7, window_bounds = array<i64: 8, 512, 128>}]} {
    %get3A = arith.constant 0 : index
    %get3A_0 = arith.constant 0 : index
    %get3A_1 = vector.load %arg1[%get3A, %get3A_0] : memref<8x128xf32, #tpu.memory_space<vmem>>, vector<1x128xf32>
    %mul3A = arith.constant 9.99999974E-5 : f32
    %mul3A_2 = vector.broadcast %mul3A : f32 to vector<1x128xf32>
    %mul3A_3 = arith.mulf %get3A_1, %mul3A_2 : vector<1x128xf32>
    %get3A_4 = arith.constant 0 : index
    %get3A_5 = arith.constant 0 : index
    %get3A_6 = vector.load %arg2[%get3A_4, %get3A_5] : memref<8x128xf32, #tpu.memory_space<vmem>>, vector<1x128xf32>
    %mul3A_7 = arith.constant 9.99999974E-5 : f32
    %mul3A_8 = vector.broadcast %mul3A_7 : f32 to vector<1x128xf32>
    %mul3A_9 = arith.mulf %get3A_6, %mul3A_8 : vector<1x128xf32>
    %get3A_10 = arith.constant 0 : index
    %get3A_11 = arith.constant 0 : index
    %get3A_12 = vector.load %arg4[%get3A_10, %get3A_11] : memref<1x128xf32, #tpu.memory_space<vmem>>, vector<1x128xf32>
    %add3A = arith.constant 9.99999974E-6 : f32
    %add3A_13 = vector.broadcast %add3A : f32 to vector<1x128xf32>
    %add3A_14 = arith.addf %mul3A_9, %add3A_13 : vector<1x128xf32>
    %sqrt3A = math.sqrt %add3A_14 : vector<1x128xf32>
    %div3A = arith.divf %get3A_12, %sqrt3A : vector<1x128xf32>
    %get3A_15 = arith.constant 0 : index
    %get3A_16 = arith.constant 0 : index
    %get3A_17 = vector.load %arg3[%get3A_15, %get3A_16] : memref<512x128xf32, #tpu.memory_space<vmem>>, vector<512x128xf32>
    %sub3A = vector.broadcast %mul3A_3 : vector<1x128xf32> to vector<512x128xf32>
    %sub3A_18 = arith.subf %get3A_17, %sub3A : vector<512x128xf32>
    %mul3A_19 = vector.broadcast %div3A : vector<1x128xf32> to vector<512x128xf32>
    %mul3A_20 = arith.mulf %sub3A_18, %mul3A_19 : vector<512x128xf32>
    %get3A_21 = arith.constant 0 : index
    %get3A_22 = arith.constant 0 : index
    %get3A_23 = vector.load %arg5[%get3A_21, %get3A_22] : memref<1x128xf32, #tpu.memory_space<vmem>>, vector<1x128xf32>
    %add3A_24 = vector.broadcast %get3A_23 : vector<1x128xf32> to vector<512x128xf32>
    %add3A_25 = arith.addf %mul3A_20, %add3A_24 : vector<512x128xf32>
    %max3A = arith.constant 0.000000e+00 : f32
    %max3A_26 = vector.broadcast %max3A : f32 to vector<512x128xf32>
    %max3A_27 = arith.maximumf %add3A_25, %max3A_26 : vector<512x128xf32>
    %swap3A = arith.constant 0 : index
    %swap3A_28 = arith.constant 0 : index
    %swap3A_29 = vector.load %arg7[%swap3A, %swap3A_28] : memref<512x128xf32, #tpu.memory_space<vmem>>, vector<512x128xf32>
    tpu.vector_store %arg7[%swap3A, %swap3A_28], %max3A_27 {strides = array<i32>} : memref<512x128xf32, #tpu.memory_space<vmem>>, vector<512x128xf32>,
    %get3A_30 = arith.constant 0 : index
    %get3A_31 = arith.constant 0 : index
    %get3A_32 = vector.load %arg6[%get3A_30, %get3A_31] : memref<8x128xf32, #tpu.memory_space<vmem>>, vector<1x128xf32>
    %add3A_33 = vector.broadcast %get3A_32 : vector<1x128xf32> to vector<512x128xf32>
    %add3A_34 = arith.addf %max3A_27, %add3A_33 : vector<512x128xf32>
    %max3A_35 = arith.constant 0.000000e+00 : f32
    %max3A_36 = vector.broadcast %max3A_35 : f32 to vector<512x128xf32>
    %max3A_37 = arith.maximumf %add3A_34, %max3A_36 : vector<512x128xf32>
    %swap3A_38 = arith.constant 0 : index
    %swap3A_39 = arith.constant 0 : index
    %swap3A_40 = arith.constant 0 : index
    %swap3A_41 = vector.load %arg8[%swap3A_38, %swap3A_39, %swap3A_40] : memref<8x512x128xf32, #tpu.memory_space<vmem>>, vector<1x512x128xf32>
    %swap3A_42 = vector.shape_cast %swap3A_41 : vector<1x512x128xf32> to vector<512x128xf32>
    %swap3A_43 = vector.shape_cast %max3A_37 : vector<512x128xf32> to vector<1x512x128xf32>
    tpu.vector_store %arg8[%swap3A_38, %swap3A_39, %swap3A_40], %swap3A_43 {strides = array<i32>} : memref<8x512x128xf32, #tpu.memory_space<vmem>>, vector<1x512x128xf32>,
    %get3A_44 = arith.constant 1 : index
    %get3A_45 = arith.constant 0 : index
    %get3A_46 = vector.load %arg6[%get3A_44, %get3A_45] : memref<8x128xf32, #tpu.memory_space<vmem>>, vector<1x128xf32>
    %add3A_47 = vector.broadcast %get3A_46 : vector<1x128xf32> to vector<512x128xf32>
    %add3A_48 = arith.addf %max3A_27, %add3A_47 : vector<512x128xf32>
    %max3A_49 = arith.constant 0.000000e+00 : f32
    %max3A_50 = vector.broadcast %max3A_49 : f32 to vector<512x128xf32>
    %max3A_51 = arith.maximumf %add3A_48, %max3A_50 : vector<512x128xf32>
    %swap3A_52 = arith.constant 1 : index
    %swap3A_53 = arith.constant 0 : index
    %swap3A_54 = arith.constant 0 : index
    %swap3A_55 = vector.load %arg8[%swap3A_52, %swap3A_53, %swap3A_54] : memref<8x512x128xf32, #tpu.memory_space<vmem>>, vector<1x512x128xf32>
    %swap3A_56 = vector.shape_cast %swap3A_55 : vector<1x512x128xf32> to vector<512x128xf32>
    %swap3A_57 = vector.shape_cast %max3A_51 : vector<512x128xf32> to vector<1x512x128xf32>
    tpu.vector_store %arg8[%swap3A_52, %swap3A_53, %swap3A_54], %swap3A_57 {strides = array<i32>} : memref<8x512x128xf32, #tpu.memory_space<vmem>>, vector<1x512x128xf32>,
    %get3A_58 = arith.constant 2 : index
    %get3A_59 = arith.constant 0 : index
    %get3A_60 = vector.load %arg6[%get3A_58, %get3A_59] : memref<8x128xf32, #tpu.memory_space<vmem>>, vector<1x128xf32>
    %add3A_61 = vector.broadcast %get3A_60 : vector<1x128xf32> to vector<512x128xf32>
    %add3A_62 = arith.addf %max3A_27, %add3A_61 : vector<512x128xf32>
    %max3A_63 = arith.constant 0.000000e+00 : f32
    %max3A_64 = vector.broadcast %max3A_63 : f32 to vector<512x128xf32>
    %max3A_65 = arith.maximumf %add3A_62, %max3A_64 : vector<512x128xf32>
    %swap3A_66 = arith.constant 2 : index
    %swap3A_67 = arith.constant 0 : index
    %swap3A_68 = arith.constant 0 : index
    %swap3A_69 = vector.load %arg8[%swap3A_66, %swap3A_67, %swap3A_68] : memref<8x512x128xf32, #tpu.memory_space<vmem>>, vector<1x512x128xf32>
    %swap3A_70 = vector.shape_cast %swap3A_69 : vector<1x512x128xf32> to vector<512x128xf32>
    %swap3A_71 = vector.shape_cast %max3A_65 : vector<512x128xf32> to vector<1x512x128xf32>
    tpu.vector_store %arg8[%swap3A_66, %swap3A_67, %swap3A_68], %swap3A_71 {strides = array<i32>} : memref<8x512x128xf32, #tpu.memory_space<vmem>>, vector<1x512x128xf32>,
    %get3A_72 = arith.constant 3 : index
    %get3A_73 = arith.constant 0 : index
    %get3A_74 = vector.load %arg6[%get3A_72, %get3A_73] : memref<8x128xf32, #tpu.memory_space<vmem>>, vector<1x128xf32>
    %add3A_75 = vector.broadcast %get3A_74 : vector<1x128xf32> to vector<512x128xf32>
    %add3A_76 = arith.addf %max3A_27, %add3A_75 : vector<512x128xf32>
    %max3A_77 = arith.constant 0.000000e+00 : f32
    %max3A_78 = vector.broadcast %max3A_77 : f32 to vector<512x128xf32>
    %max3A_79 = arith.maximumf %add3A_76, %max3A_78 : vector<512x128xf32>
    %swap3A_80 = arith.constant 3 : index
    %swap3A_81 = arith.constant 0 : index
    %swap3A_82 = arith.constant 0 : index
    %swap3A_83 = vector.load %arg8[%swap3A_80, %swap3A_81, %swap3A_82] : memref<8x512x128xf32, #tpu.memory_space<vmem>>, vector<1x512x128xf32>
    %swap3A_84 = vector.shape_cast %swap3A_83 : vector<1x512x128xf32> to vector<512x128xf32>
    %swap3A_85 = vector.shape_cast %max3A_79 : vector<512x128xf32> to vector<1x512x128xf32>
    tpu.vector_store %arg8[%swap3A_80, %swap3A_81, %swap3A_82], %swap3A_85 {strides = array<i32>} : memref<8x512x128xf32, #tpu.memory_space<vmem>>, vector<1x512x128xf32>,
    %get3A_86 = arith.constant 4 : index
    %get3A_87 = arith.constant 0 : index
    %get3A_88 = vector.load %arg6[%get3A_86, %get3A_87] : memref<8x128xf32, #tpu.memory_space<vmem>>, vector<1x128xf32>
    %add3A_89 = vector.broadcast %get3A_88 : vector<1x128xf32> to vector<512x128xf32>
    %add3A_90 = arith.addf %max3A_27, %add3A_89 : vector<512x128xf32>
    %max3A_91 = arith.constant 0.000000e+00 : f32
    %max3A_92 = vector.broadcast %max3A_91 : f32 to vector<512x128xf32>
    %max3A_93 = arith.maximumf %add3A_90, %max3A_92 : vector<512x128xf32>
    %swap3A_94 = arith.constant 4 : index
    %swap3A_95 = arith.constant 0 : index
    %swap3A_96 = arith.constant 0 : index
    %swap3A_97 = vector.load %arg8[%swap3A_94, %swap3A_95, %swap3A_96] : memref<8x512x128xf32, #tpu.memory_space<vmem>>, vector<1x512x128xf32>
    %swap3A_98 = vector.shape_cast %swap3A_97 : vector<1x512x128xf32> to vector<512x128xf32>
    %swap3A_99 = vector.shape_cast %max3A_93 : vector<512x128xf32> to vector<1x512x128xf32>
    tpu.vector_store %arg8[%swap3A_94, %swap3A_95, %swap3A_96], %swap3A_99 {strides = array<i32>} : memref<8x512x128xf32, #tpu.memory_space<vmem>>, vector<1x512x128xf32>,
    %get3A_100 = arith.constant 5 : index
    %get3A_101 = arith.constant 0 : index
    %get3A_102 = vector.load %arg6[%get3A_100, %get3A_101] : memref<8x128xf32, #tpu.memory_space<vmem>>, vector<1x128xf32>
    %add3A_103 = vector.broadcast %get3A_102 : vector<1x128xf32> to vector<512x128xf32>
    %add3A_104 = arith.addf %max3A_27, %add3A_103 : vector<512x128xf32>
    %max3A_105 = arith.constant 0.000000e+00 : f32
    %max3A_106 = vector.broadcast %max3A_105 : f32 to vector<512x128xf32>
    %max3A_107 = arith.maximumf %add3A_104, %max3A_106 : vector<512x128xf32>
    %swap3A_108 = arith.constant 5 : index
    %swap3A_109 = arith.constant 0 : index
    %swap3A_110 = arith.constant 0 : index
    %swap3A_111 = vector.load %arg8[%swap3A_108, %swap3A_109, %swap3A_110] : memref<8x512x128xf32, #tpu.memory_space<vmem>>, vector<1x512x128xf32>
    %swap3A_112 = vector.shape_cast %swap3A_111 : vector<1x512x128xf32> to vector<512x128xf32>
    %swap3A_113 = vector.shape_cast %max3A_107 : vector<512x128xf32> to vector<1x512x128xf32>
    tpu.vector_store %arg8[%swap3A_108, %swap3A_109, %swap3A_110], %swap3A_113 {strides = array<i32>} : memref<8x512x128xf32, #tpu.memory_space<vmem>>, vector<1x512x128xf32>,
    %get3A_114 = arith.constant 6 : index
    %get3A_115 = arith.constant 0 : index
    %get3A_116 = vector.load %arg6[%get3A_114, %get3A_115] : memref<8x128xf32, #tpu.memory_space<vmem>>, vector<1x128xf32>
    %add3A_117 = vector.broadcast %get3A_116 : vector<1x128xf32> to vector<512x128xf32>
    %add3A_118 = arith.addf %max3A_27, %add3A_117 : vector<512x128xf32>
    %max3A_119 = arith.constant 0.000000e+00 : f32
    %max3A_120 = vector.broadcast %max3A_119 : f32 to vector<512x128xf32>
    %max3A_121 = arith.maximumf %add3A_118, %max3A_120 : vector<512x128xf32>
    %swap3A_122 = arith.constant 6 : index
    %swap3A_123 = arith.constant 0 : index
    %swap3A_124 = arith.constant 0 : index
    %swap3A_125 = vector.load %arg8[%swap3A_122, %swap3A_123, %swap3A_124] : memref<8x512x128xf32, #tpu.memory_space<vmem>>, vector<1x512x128xf32>
    %swap3A_126 = vector.shape_cast %swap3A_125 : vector<1x512x128xf32> to vector<512x128xf32>
    %swap3A_127 = vector.shape_cast %max3A_121 : vector<512x128xf32> to vector<1x512x128xf32>
    tpu.vector_store %arg8[%swap3A_122, %swap3A_123, %swap3A_124], %swap3A_127 {strides = array<i32>} : memref<8x512x128xf32, #tpu.memory_space<vmem>>, vector<1x512x128xf32>,
    %get3A_128 = arith.constant 7 : index
    %get3A_129 = arith.constant 0 : index
    %get3A_130 = vector.load %arg6[%get3A_128, %get3A_129] : memref<8x128xf32, #tpu.memory_space<vmem>>, vector<1x128xf32>
    %add3A_131 = vector.broadcast %get3A_130 : vector<1x128xf32> to vector<512x128xf32>
    %add3A_132 = arith.addf %max3A_27, %add3A_131 : vector<512x128xf32>
    %max3A_133 = arith.constant 0.000000e+00 : f32
    %max3A_134 = vector.broadcast %max3A_133 : f32 to vector<512x128xf32>
    %max3A_135 = arith.maximumf %add3A_132, %max3A_134 : vector<512x128xf32>
    %swap3A_136 = arith.constant 7 : index
    %swap3A_137 = arith.constant 0 : index
    %swap3A_138 = arith.constant 0 : index
    %swap3A_139 = vector.load %arg8[%swap3A_136, %swap3A_137, %swap3A_138] : memref<8x512x128xf32, #tpu.memory_space<vmem>>, vector<1x512x128xf32>
    %swap3A_140 = vector.shape_cast %swap3A_139 : vector<1x512x128xf32> to vector<512x128xf32>
    %swap3A_141 = vector.shape_cast %max3A_135 : vector<512x128xf32> to vector<1x512x128xf32>
    tpu.vector_store %arg8[%swap3A_136, %swap3A_137, %swap3A_138], %swap3A_141 {strides = array<i32>} : memref<8x512x128xf32, #tpu.memory_space<vmem>>, vector<1x512x128xf32>,
    return
  }
  func.func @transform_0(%arg0: i32) -> (i32, i32) {
    %c0_i32 = arith.constant 0 : i32
    %c0_i32_0 = arith.constant 0 : i32
    %c0_i32_1 = arith.constant 0 : i32
    return %c0_i32, %c0_i32_0 : i32, i32
  }
  func.func @transform_1(%arg0: i32) -> (i32, i32) {
    %c0_i32 = arith.constant 0 : i32
    %c0_i32_0 = arith.constant 0 : i32
    %c0_i32_1 = arith.constant 0 : i32
    return %c0_i32, %c0_i32_0 : i32, i32
  }
  func.func @transform_2(%arg0: i32) -> (i32, i32) {
    %c0_i32 = arith.constant 0 : i32
    %c0_i32_0 = arith.constant 0 : i32
    return %arg0, %c0_i32 : i32, i32
  }
  func.func @transform_3(%arg0: i32) -> (i32, i32) {
    %c0_i32 = arith.constant 0 : i32
    %c0_i32_0 = arith.constant 0 : i32
    %c0_i32_1 = arith.constant 0 : i32
    return %c0_i32, %c0_i32_0 : i32, i32
  }
  func.func @transform_4(%arg0: i32) -> (i32, i32) {
    %c0_i32 = arith.constant 0 : i32
    %c0_i32_0 = arith.constant 0 : i32
    %c0_i32_1 = arith.constant 0 : i32
    return %c0_i32, %c0_i32_0 : i32, i32
  }
  func.func @transform_5(%arg0: i32) -> (i32, i32) {
    %c0_i32 = arith.constant 0 : i32
    %c0_i32_0 = arith.constant 0 : i32
    %c0_i32_1 = arith.constant 0 : i32
    return %c0_i32, %c0_i32_0 : i32, i32
  }
  func.func @transform_6(%arg0: i32) -> (i32, i32) {
    %c0_i32 = arith.constant 0 : i32
    %c0_i32_0 = arith.constant 0 : i32
    return %arg0, %c0_i32 : i32, i32
  }
  func.func @transform_7(%arg0: i32) -> (i32, i32, i32) {
    %c0_i32 = arith.constant 0 : i32
    %c0_i32_0 = arith.constant 0 : i32
    %c0_i32_1 = arith.constant 0 : i32
    return %c0_i32, %arg0, %c0_i32_0 : i32, i32, i32
  }
}

module attributes {stable_mosaic.version = 14 : i64} {
  func.func @_finalize_last_body(%arg0: i32, %arg1: memref<8x128xf32, #tpu.memory_space<vmem>>, %arg2: memref<8x128xf32, #tpu.memory_space<vmem>>, %arg3: memref<512x128xf32, #tpu.memory_space<vmem>>, %arg4: memref<1x128xf32, #tpu.memory_space<vmem>>, %arg5: memref<1x128xf32, #tpu.memory_space<vmem>>, %arg6: memref<512x128xf32, #tpu.memory_space<vmem>>) attributes {dimension_semantics = [#tpu.dimension_semantics<arbitrary>], iteration_bounds = array<i64: 20>, scalar_prefetch = 0 : i64, scratch_operands = 0 : i64, tpu.core_type = #tpu.core_type<tc>, window_params = [{pipeline_mode = #tpu.pipeline_mode<synchronous>, transform_indices = @transform_0, window_bounds = array<i64: 8, 128>}, {pipeline_mode = #tpu.pipeline_mode<synchronous>, transform_indices = @transform_1, window_bounds = array<i64: 8, 128>}, {transform_indices = @transform_2, window_bounds = array<i64: 512, 128>}, {pipeline_mode = #tpu.pipeline_mode<synchronous>, transform_indices = @transform_3, window_bounds = array<i64: 1, 128>}, {pipeline_mode = #tpu.pipeline_mode<synchronous>, transform_indices = @transform_4, window_bounds = array<i64: 1, 128>}, {transform_indices = @transform_5, window_bounds = array<i64: 512, 128>}]} {
    %get3A = arith.constant 0 : index
    %get3A_0 = arith.constant 0 : index
    %get3A_1 = vector.load %arg1[%get3A, %get3A_0] : memref<8x128xf32, #tpu.memory_space<vmem>>, vector<1x128xf32>
    %mul3A = arith.constant 9.99999974E-5 : f32
    %mul3A_2 = vector.broadcast %mul3A : f32 to vector<1x128xf32>
    %mul3A_3 = arith.mulf %get3A_1, %mul3A_2 : vector<1x128xf32>
    %get3A_4 = arith.constant 0 : index
    %get3A_5 = arith.constant 0 : index
    %get3A_6 = vector.load %arg2[%get3A_4, %get3A_5] : memref<8x128xf32, #tpu.memory_space<vmem>>, vector<1x128xf32>
    %mul3A_7 = arith.constant 9.99999974E-5 : f32
    %mul3A_8 = vector.broadcast %mul3A_7 : f32 to vector<1x128xf32>
    %mul3A_9 = arith.mulf %get3A_6, %mul3A_8 : vector<1x128xf32>
    %get3A_10 = arith.constant 0 : index
    %get3A_11 = arith.constant 0 : index
    %get3A_12 = vector.load %arg4[%get3A_10, %get3A_11] : memref<1x128xf32, #tpu.memory_space<vmem>>, vector<1x128xf32>
    %add3A = arith.constant 9.99999974E-6 : f32
    %add3A_13 = vector.broadcast %add3A : f32 to vector<1x128xf32>
    %add3A_14 = arith.addf %mul3A_9, %add3A_13 : vector<1x128xf32>
    %sqrt3A = math.sqrt %add3A_14 : vector<1x128xf32>
    %div3A = arith.divf %get3A_12, %sqrt3A : vector<1x128xf32>
    %get3A_15 = arith.constant 0 : index
    %get3A_16 = arith.constant 0 : index
    %get3A_17 = vector.load %arg3[%get3A_15, %get3A_16] : memref<512x128xf32, #tpu.memory_space<vmem>>, vector<512x128xf32>
    %sub3A = vector.broadcast %mul3A_3 : vector<1x128xf32> to vector<512x128xf32>
    %sub3A_18 = arith.subf %get3A_17, %sub3A : vector<512x128xf32>
    %mul3A_19 = vector.broadcast %div3A : vector<1x128xf32> to vector<512x128xf32>
    %mul3A_20 = arith.mulf %sub3A_18, %mul3A_19 : vector<512x128xf32>
    %get3A_21 = arith.constant 0 : index
    %get3A_22 = arith.constant 0 : index
    %get3A_23 = vector.load %arg5[%get3A_21, %get3A_22] : memref<1x128xf32, #tpu.memory_space<vmem>>, vector<1x128xf32>
    %add3A_24 = vector.broadcast %get3A_23 : vector<1x128xf32> to vector<512x128xf32>
    %add3A_25 = arith.addf %mul3A_20, %add3A_24 : vector<512x128xf32>
    %swap3A = arith.constant 0 : index
    %swap3A_26 = arith.constant 0 : index
    %swap3A_27 = vector.load %arg6[%swap3A, %swap3A_26] : memref<512x128xf32, #tpu.memory_space<vmem>>, vector<512x128xf32>
    tpu.vector_store %arg6[%swap3A, %swap3A_26], %add3A_25 {strides = array<i32>} : memref<512x128xf32, #tpu.memory_space<vmem>>, vector<512x128xf32>,
    return
  }
  func.func @transform_0(%arg0: i32) -> (i32, i32) {
    %c0_i32 = arith.constant 0 : i32
    %c0_i32_0 = arith.constant 0 : i32
    %c0_i32_1 = arith.constant 0 : i32
    return %c0_i32, %c0_i32_0 : i32, i32
  }
  func.func @transform_1(%arg0: i32) -> (i32, i32) {
    %c0_i32 = arith.constant 0 : i32
    %c0_i32_0 = arith.constant 0 : i32
    %c0_i32_1 = arith.constant 0 : i32
    return %c0_i32, %c0_i32_0 : i32, i32
  }
  func.func @transform_2(%arg0: i32) -> (i32, i32) {
    %c0_i32 = arith.constant 0 : i32
    %c0_i32_0 = arith.constant 0 : i32
    return %arg0, %c0_i32 : i32, i32
  }
  func.func @transform_3(%arg0: i32) -> (i32, i32) {
    %c0_i32 = arith.constant 0 : i32
    %c0_i32_0 = arith.constant 0 : i32
    %c0_i32_1 = arith.constant 0 : i32
    return %c0_i32, %c0_i32_0 : i32, i32
  }
  func.func @transform_4(%arg0: i32) -> (i32, i32) {
    %c0_i32 = arith.constant 0 : i32
    %c0_i32_0 = arith.constant 0 : i32
    %c0_i32_1 = arith.constant 0 : i32
    return %c0_i32, %c0_i32_0 : i32, i32
  }
  func.func @transform_5(%arg0: i32) -> (i32, i32) {
    %c0_i32 = arith.constant 0 : i32
    %c0_i32_0 = arith.constant 0 : i32
    return %arg0, %c0_i32 : i32, i32
  }
}

module attributes {stable_mosaic.version = 14 : i64} {
  func.func @_pool_body(%arg0: i32, %arg1: memref<1x1x512xf32, #tpu.memory_space<vmem>>, %arg2: memref<512x128xf32, #tpu.memory_space<vmem>>, %arg3: memref<400x128xf32, #tpu.memory_space<vmem>>, %arg4: memref<400x128xf32, #tpu.memory_space<vmem>>, %arg5: memref<400x128xf32, #tpu.memory_space<vmem>>) attributes {dimension_semantics = [#tpu.dimension_semantics<arbitrary>], iteration_bounds = array<i64: 20>, scalar_prefetch = 0 : i64, scratch_operands = 2 : i64, tpu.core_type = #tpu.core_type<tc>, window_params = [{transform_indices = @transform_0, window_bounds = array<i64: 1, 1, 512>}, {transform_indices = @transform_1, window_bounds = array<i64: 512, 128>}, {pipeline_mode = #tpu.pipeline_mode<synchronous>, transform_indices = @transform_2, window_bounds = array<i64: 400, 128>}]} {
    %eq3A = arith.constant 0 : i32
    %eq3A_0 = arith.cmpi eq, %arg0, %eq3A : i32
    %convert_element_type3A = arith.extui %eq3A_0 : i1 to i32
    %cond3A = arith.constant 0 : i32
    %cond3A_1 = arith.cmpi ne, %convert_element_type3A, %cond3A : i32
    scf.if %cond3A_1 {
      %broadcast_in_dim3A_36 = arith.constant 0.000000e+00 : f32
      %broadcast_in_dim3A_37 = vector.broadcast %broadcast_in_dim3A_36 : f32 to vector<400x128xf32>
      %swap3A_38 = arith.constant 0 : index
      %swap3A_39 = arith.constant 0 : index
      %swap3A_40 = vector.load %arg4[%swap3A_38, %swap3A_39] : memref<400x128xf32, #tpu.memory_space<vmem>>, vector<400x128xf32>
      tpu.vector_store %arg4[%swap3A_38, %swap3A_39], %broadcast_in_dim3A_37 {strides = array<i32>} : memref<400x128xf32, #tpu.memory_space<vmem>>, vector<400x128xf32>,
      %broadcast_in_dim3A_41 = arith.constant 0.000000e+00 : f32
      %broadcast_in_dim3A_42 = vector.broadcast %broadcast_in_dim3A_41 : f32 to vector<400x128xf32>
      %swap3A_43 = arith.constant 0 : index
      %swap3A_44 = arith.constant 0 : index
      %swap3A_45 = vector.load %arg5[%swap3A_43, %swap3A_44] : memref<400x128xf32, #tpu.memory_space<vmem>>, vector<400x128xf32>
      tpu.vector_store %arg5[%swap3A_43, %swap3A_44], %broadcast_in_dim3A_42 {strides = array<i32>} : memref<400x128xf32, #tpu.memory_space<vmem>>, vector<400x128xf32>,
    } else {
    }
    %get3A = arith.constant 0 : index
    %get3A_2 = arith.constant 0 : index
    %get3A_3 = arith.constant 0 : index
    %get3A_4 = vector.load %arg1[%get3A, %get3A_2, %get3A_3] : memref<1x1x512xf32, #tpu.memory_space<vmem>>, vector<1x1x512xf32>
    %get3A_5 = vector.shape_cast %get3A_4 : vector<1x1x512xf32> to vector<1x512xf32>
    %iota3A = tpu.iota {dimensions = array<i32: 0>} : vector<400x512xi32>
    %convert_element_type3A_6 = arith.sitofp %iota3A : vector<400x512xi32> to vector<400x512xf32>
    %broadcast_in_dim3A = vector.shape_cast %get3A_5 : vector<1x512xf32> to vector<1x512xf32>
    %broadcast_in_dim3A_7 = vector.broadcast %broadcast_in_dim3A : vector<1x512xf32> to vector<400x512xf32>
    %eq3A_8 = arith.cmpf oeq, %broadcast_in_dim3A_7, %convert_element_type3A_6 : vector<400x512xf32>
    %convert_element_type3A_9 = arith.extui %eq3A_8 : vector<400x512xi1> to vector<400x512xi32>
    %convert_element_type3A_10 = arith.sitofp %convert_element_type3A_9 : vector<400x512xi32> to vector<400x512xf32>
    %get3A_11 = arith.constant 0 : index
    %get3A_12 = arith.constant 0 : index
    %get3A_13 = vector.load %arg4[%get3A_11, %get3A_12] : memref<400x128xf32, #tpu.memory_space<vmem>>, vector<400x128xf32>
    %get3A_14 = arith.constant 0 : index
    %get3A_15 = arith.constant 0 : index
    %get3A_16 = vector.load %arg2[%get3A_14, %get3A_15] : memref<512x128xf32, #tpu.memory_space<vmem>>, vector<512x128xf32>
    %dot_general3A = arith.constant dense<0.000000e+00> : vector<400x128xf32>
    %dot_general3A_17 = tpu.matmul %convert_element_type3A_10, %get3A_16, %dot_general3A {dimension_numbers = #tpu.dot_dimension_numbers<[1], [0], [0], [1], [0, 0, 1, 1], [], []>, precision = #tpu.contract_precision<fp32>, transpose_lhs_hint = false} : vector<400x512xf32>, vector<512x128xf32>, vector<400x128xf32> -> vector<400x128xf32>
    %add3A = arith.addf %get3A_13, %dot_general3A_17 : vector<400x128xf32>
    %swap3A = arith.constant 0 : index
    %swap3A_18 = arith.constant 0 : index
    %swap3A_19 = vector.load %arg4[%swap3A, %swap3A_18] : memref<400x128xf32, #tpu.memory_space<vmem>>, vector<400x128xf32>
    tpu.vector_store %arg4[%swap3A, %swap3A_18], %add3A {strides = array<i32>} : memref<400x128xf32, #tpu.memory_space<vmem>>, vector<400x128xf32>,
    %get3A_20 = arith.constant 0 : index
    %get3A_21 = arith.constant 0 : index
    %get3A_22 = vector.load %arg5[%get3A_20, %get3A_21] : memref<400x128xf32, #tpu.memory_space<vmem>>, vector<400x128xf32>
    %broadcast_in_dim3A_23 = arith.constant 1.000000e+00 : f32
    %broadcast_in_dim3A_24 = vector.broadcast %broadcast_in_dim3A_23 : f32 to vector<512x128xf32>
    %dot_general3A_25 = arith.constant dense<0.000000e+00> : vector<400x128xf32>
    %dot_general3A_26 = tpu.matmul %convert_element_type3A_10, %broadcast_in_dim3A_24, %dot_general3A_25 {dimension_numbers = #tpu.dot_dimension_numbers<[1], [0], [0], [1], [0, 0, 1, 1], [], []>, precision = #tpu.contract_precision<fp32>, transpose_lhs_hint = false} : vector<400x512xf32>, vector<512x128xf32>, vector<400x128xf32> -> vector<400x128xf32>
    %add3A_27 = arith.addf %get3A_22, %dot_general3A_26 : vector<400x128xf32>
    %swap3A_28 = arith.constant 0 : index
    %swap3A_29 = arith.constant 0 : index
    %swap3A_30 = vector.load %arg5[%swap3A_28, %swap3A_29] : memref<400x128xf32, #tpu.memory_space<vmem>>, vector<400x128xf32>
    tpu.vector_store %arg5[%swap3A_28, %swap3A_29], %add3A_27 {strides = array<i32>} : memref<400x128xf32, #tpu.memory_space<vmem>>, vector<400x128xf32>,
    %eq3A_31 = arith.constant 19 : i32
    %eq3A_32 = arith.cmpi eq, %arg0, %eq3A_31 : i32
    %convert_element_type3A_33 = arith.extui %eq3A_32 : i1 to i32
    %cond3A_34 = arith.constant 0 : i32
    %cond3A_35 = arith.cmpi ne, %convert_element_type3A_33, %cond3A_34 : i32
    scf.if %cond3A_35 {
      %get3A_36 = arith.constant 0 : index
      %get3A_37 = arith.constant 0 : index
      %get3A_38 = vector.load %arg4[%get3A_36, %get3A_37] : memref<400x128xf32, #tpu.memory_space<vmem>>, vector<400x128xf32>
      %get3A_39 = arith.constant 0 : index
      %get3A_40 = arith.constant 0 : index
      %get3A_41 = vector.load %arg5[%get3A_39, %get3A_40] : memref<400x128xf32, #tpu.memory_space<vmem>>, vector<400x128xf32>
      %max3A = arith.constant 1.000000e+00 : f32
      %max3A_42 = vector.broadcast %max3A : f32 to vector<400x128xf32>
      %max3A_43 = arith.maximumf %get3A_41, %max3A_42 : vector<400x128xf32>
      %div3A = arith.divf %get3A_38, %max3A_43 : vector<400x128xf32>
      %swap3A_44 = arith.constant 0 : index
      %swap3A_45 = arith.constant 0 : index
      %swap3A_46 = vector.load %arg3[%swap3A_44, %swap3A_45] : memref<400x128xf32, #tpu.memory_space<vmem>>, vector<400x128xf32>
      tpu.vector_store %arg3[%swap3A_44, %swap3A_45], %div3A {strides = array<i32>} : memref<400x128xf32, #tpu.memory_space<vmem>>, vector<400x128xf32>,
    } else {
    }
    return
  }
  func.func @transform_0(%arg0: i32) -> (i32, i32, i32) {
    %c0_i32 = arith.constant 0 : i32
    %c0_i32_0 = arith.constant 0 : i32
    %c0_i32_1 = arith.constant 0 : i32
    return %arg0, %c0_i32, %c0_i32_0 : i32, i32, i32
  }
  func.func @transform_1(%arg0: i32) -> (i32, i32) {
    %c0_i32 = arith.constant 0 : i32
    %c0_i32_0 = arith.constant 0 : i32
    return %arg0, %c0_i32 : i32, i32
  }
  func.func @transform_2(%arg0: i32) -> (i32, i32) {
    %c0_i32 = arith.constant 0 : i32
    %c0_i32_0 = arith.constant 0 : i32
    %c0_i32_1 = arith.constant 0 : i32
    return %c0_i32, %c0_i32_0 : i32, i32
  }
}

</mosaic_0001>

<sc_bundles>
// kernel: kernel.16.cloned.1.call-start
scs
__scs_entry_jumppad:
0x0: {  	(pc) =	sbr.rel $0x88, $3  }
0x1: {  	(tag) =	ssettag $0x0;
	lr =	simm.s32 $0x1  }
0x2: {  	[smem:$0x3F94] =	sst lr;
	_ =	strace $0xD0000000  }
0x3: {  	_ = 	snop  }
0x4: {  	_ = 	snop  }
0x5: {  	_ = 	snop  }
0x6: {  	_ = 	snop  }
0x7: {  	_ = 	snop  }
__scs_overlays_trampoline_lowered:
0x8: {  	[smem:$0x3FA3] =	sst s0  }
0x9: {  	[smem:$0x3FA4] =	sst s1  }
0xa: {  	[smem:$0x3FA5] =	sst s2  }
0xb: {  	[smem:$0x3FA6] =	sst s3  }
0xc: {  	[smem:$0x3FA7] =	sst s4  }
0xd: {  	[smem:$0x3FA8] =	sst s5  }
0xe: {  	[smem:$0x3FA9] =	sst s6  }
0xf: {  	[smem:$0x3FAA] =	sst s7  }
0x10: {  	[smem:$0x3FAB] =	sst s8  }
0x11: {  	[smem:$0x3FAC] =	sst s9;
	s0 =	simm.s32 @!p0 $0x0  }
0x12: {  	s1 =	sld [smem:$0x3F92];
	s0 =	simm.s32 @p0 $0x1  }
0x13: {  	[smem:$0x3FAD] =	sst s0;
	s0 =	simm.s32 @!p1 $0x0  }
0x14: {  	s2 =	sld [smem:$0x3F91];
	s0 =	simm.s32 @p1 $0x1  }
0x15: {  	[smem:$0x3FAE] =	sst s0;
	s0 =	simm.s32 @!p2 $0x0  }
0x16: {  	s3 =	sld [smem:$0x3FDB];
	s0 =	simm.s32 @p2 $0x1  }
0x17: {  	s4 =	simm.s32 $0x1BF5;
	[smem:$0x3FB0] =	sst s0  }
0x18: {  	s0 =	sld [smem:$0x3F93];
	_ =	swait.ge [sflag:s4], $0x0  }
0x19: {  	s7 =	sld [smem:$0x3F94]  }
0x1a: {  	s8 =	sadd.s32 $0xFFFFE003, lr  }
0x1b: {  	s9 =	sadd.s32 $0xFFFFFEF7, lr;
	s5 =	simm.s32 $0xFFFFFFFF;
	p2 =	slt.u32 s8, $0xFFFFF086  }
0x1c: {  	p1 =	slt.u32 s9, $0xF7A;
	s5 =	simm.s32 @!p2 $0x0  }
0x1d: {  	s5 =	simm.s32 @p1 $0x1;
	p0 =	seq.s32 s7, s2  }
0x1e: {  	s7 =	smul.u32 @!p0 $0xF7A, s2;
	p2 =	seq.s32 @!p0 s5, $0x0  }
0x1f: {  	s9 =	smul.u32 $0xF7A, s1;
	s8 =	simm.s32 @!p0 $0x1BF5;
	p2 =	por !p2, p0  }
0x20: {  	[sflag:s8] =	ssyncset.s32 @!p0 $0xFFFFF086;
	s6 =	sadd.s32 @!p0 s3, s7;
	s7 =	simm.s32 @!p0 $0x108  }
0x21: {  	s3 =	sadd.s32 s3, s9;
	s6 =	sadd.s32 @!p0 $0x88, s6;
	s7 =	simm.s32 @p2 $0x1082  }
0x22: {  	[simem:s7], [sflag:s8] =	dma.local @!p0 [hbm:s6], $0xF7A  }
0x23: {  	s9 =	sor.u32 $0xD0000000, s2;
	s6 =	simm.s32 $0x108;
	_ =	swait.ge @!p0 [sflag:s8], $0x0  }
0x24: {  	s3 =	sadd.s32 $0x88, s3;
	s6 =	simm.s32 @!p1 $0x1082;
	[sflag:s4] =	ssyncset.s32 $0xFFFFF086  }
0x25: {  	[simem:s6], [sflag:s4] =	dma.local [hbm:s3], $0xF7A  }
0x26: {  	[smem:$0x3F94] =	sst s1;
	(tag) =	ssettag s2;
	_ =	strace s9  }
0x27: {  	s1 =	sld [smem:$0x3FA4]  }
0x28: {  	s2 =	sld [smem:$0x3FA5]  }
0x29: {  	s4 =	sld [smem:$0x3FA7]  }
0x2a: {  	p0 =	seq.s32 s5, $0x0;
	s5 =	sld [smem:$0x3FA8]  }
0x2b: {  	s6 =	sld [smem:$0x3FA9]  }
0x2c: {  	s7 =	sld [smem:$0x3FAA]  }
0x2d: {  	s3 =	simm.s32 $0x108;
	s8 =	sld [smem:$0x3FAB]  }
0x2e: {  	s3 =	simm.s32 @!p0 $0x1082;
	s9 =	sld [smem:$0x3FAC]  }
0x2f: {  	lr =	sadd.s32 s0, s3;
	s0 =	sld [smem:$0x3FA3]  }
0x30: {  	s3 =	sld [smem:$0x3FA6]  }
0x31: {  	[smem:$0x3FAF] =	sst s10  }
0x32: {  	s10 =	sld [smem:$0x3FAD];
	_ =	sdelay $0x3  }
0x33: {  	p0 =	seq.s32 s10, $0x1;
	s10 =	sld [smem:$0x3FAF];
	_ =	sdelay $0x3  }
0x34: {  	[smem:$0x3FAF] =	sst s10  }
0x35: {  	s10 =	sld [smem:$0x3FAE];
	_ =	sdelay $0x3  }
0x36: {  	p1 =	seq.s32 s10, $0x1;
	s10 =	sld [smem:$0x3FAF];
	_ =	sdelay $0x3  }
0x37: {  	[smem:$0x3FAF] =	sst s10  }
0x38: {  	s10 =	sld [smem:$0x3FB0]  }
0x39: {  	_ = 	snop;
	(pc) =	sbr.ind lr, $3  }
0x3a: {  	_ = 	snop  }
0x3b: {  	_ = 	snop  }
0x3c: {  	p2 =	seq.s32 s10, $0x1;
	s10 =	sld [smem:$0x3FAF]  }
0x3d: {  	_ =	shalt  }
0x3e: {  	_ =	shalt  }
0x3f: {  	_ =	shalt  }
0x40: {  	_ =	shalt  }
0x41: {  	_ =	shalt  }
0x42: {  	_ =	shalt  }
0x43: {  	_ =	shalt  }
0x44: {  	_ =	shalt  }
0x45: {  	_ =	shalt  }
0x46: {  	_ =	shalt  }
0x47: {  	_ =	shalt  }
0x48: {  	_ =	shalt  }
0x49: {  	_ =	shalt  }
0x4a: {  	_ =	shalt  }
0x4b: {  	_ =	shalt  }
0x4c: {  	_ =	shalt  }
0x4d: {  	_ =	shalt  }
0x4e: {  	_ =	shalt  }
0x4f: {  	_ =	shalt  }
0x50: {  	_ =	shalt  }
0x51: {  	_ =	shalt  }
0x52: {  	_ =	shalt  }
0x53: {  	_ =	shalt  }
0x54: {  	_ =	shalt  }
0x55: {  	_ =	shalt  }
0x56: {  	_ =	shalt  }
0x57: {  	_ =	shalt  }
0x58: {  	_ =	shalt  }
0x59: {  	_ =	shalt  }
0x5a: {  	_ =	shalt  }
0x5b: {  	_ =	shalt  }
0x5c: {  	_ =	shalt  }
0x5d: {  	_ =	shalt  }
0x5e: {  	_ =	shalt  }
0x5f: {  	_ =	shalt  }
0x60: {  	_ =	shalt  }
0x61: {  	_ =	shalt  }
0x62: {  	_ =	shalt  }
0x63: {  	_ =	shalt  }
0x64: {  	_ =	shalt  }
0x65: {  	_ =	shalt  }
0x66: {  	_ =	shalt  }
0x67: {  	_ =	shalt  }
0x68: {  	_ =	shalt  }
0x69: {  	_ =	shalt  }
0x6a: {  	_ =	shalt  }
0x6b: {  	_ =	shalt  }
0x6c: {  	_ =	shalt  }
0x6d: {  	_ =	shalt  }
0x6e: {  	_ =	shalt  }
0x6f: {  	_ =	shalt  }
0x70: {  	_ =	shalt  }
0x71: {  	_ =	shalt  }
0x72: {  	_ =	shalt  }
0x73: {  	_ =	shalt  }
0x74: {  	_ =	shalt  }
0x75: {  	_ =	shalt  }
0x76: {  	_ =	shalt  }
0x77: {  	_ =	shalt  }
0x78: {  	_ =	shalt  }
0x79: {  	_ =	shalt  }
0x7a: {  	_ =	shalt  }
0x7b: {  	_ =	shalt  }
0x7c: {  	_ =	shalt  }
0x7d: {  	_ =	shalt  }
0x7e: {  	_ =	shalt  }
0x7f: {  	_ =	shalt  }
0x80: {  	_ =	shalt  }
0x81: {  	_ =	shalt  }
0x82: {  	_ =	shalt  }
0x83: {  	_ =	shalt  }
0x84: {  	_ =	shalt  }
0x85: {  	_ =	shalt  }
0x86: {  	_ =	shalt  }
0x87: {  	_ =	shalt  }
.Lfunc_end0:
.L_simem_size_0:
called_computation_lowered:
.L_overlay_start_0:
0x88: {  	s2 =	sld [smem:$0x3FD9]  }
0x89: {  	s3 =	sld [smem:$0x3FFE];
	_ =	sdelay $0x1  }
0x8a: {  	s1 =	srdreg.scid  }
0x8b: {  	s0 =	sand.u32 $0x1, s1  }
0x8c: {  	s16 =	sshll.u32 s0, $0xA;
	s2 =	sadd.s32 s3, s2  }
0x8d: {  	s2 =	sadd.s32 s2, s16  }
0x8e: {  	[smem:$0x3FBB] =	sst s2  }
0x8f: {  	_ = 	snop  }
0x90: {  	(tm) =	ssettm $0x1  }
0x91: {  	s17 =	sld [smem:$0x3FFB];
	_ =	sdelay $0x3  }
0x92: {  	_ =	strace s17  }
0x93: {  	s2 =	sld [smem:$0x3FFC];
	_ =	sdelay $0x3  }
0x94: {  	_ =	strace s2  }
0x95: {  	s2 =	sld [smem:$0x3FFD];
	_ =	sdelay $0x3  }
0x96: {  	_ =	strace s2  }
0x97: {  	_ =	strace $0x8FFFFFFF  }
0x98: {  	s18 =	sld [smem:$0x3FDB];
	_ =	sdelay $0x1  }
0x99: {  	s19 =	simm.s32 $_scs_section_size  }
0x9a: {  	s4 =	simm.s32 $_size__tile_overlayer_lowered;
	s5 =	simm.s32 $_tile_overlayer_lowered  }
0x9b: {  	s22 =	simm.s32 $0x1BFF;
	s21 =	sshll.u32 s5, $0x1;
	s2 =	sadd.s32 s19, s18  }
0x9c: {  	s6 =	simm.s32 $0x0;
	s20 =	sshll.u32 s4, $0x1;
	s4 =	sadd.s32 s21, s2  }
0x9d: {  	[timem:s6], [sflag:s22] =	dma.local [hbm:s4], s20  }
0x9e: {  	_ =	swait.ge [sflag:s22], s20  }
0x9f: {  	s3 =	ssub.s32 $0x0, s20;
	[sflag:s22] =	ssyncset.done $0x0  }
0xa0: {  	[sflag:s22] =	ssyncadd.s32 s3;
	_ =	sdelay $0x1  }
0xa1: {  	s23 =	simm.s32 $0x1B8B  }
0xa2: {  	_ =	swait.ge [sflag:s23], $0x1  }
0xa3: {  	[sflag:s23] =	ssyncset.done $0x0  }
0xa4: {  	s25 =	simm.s32 $0x1B8E;
	s24 =	sld [smem:$0x3FFE];
	[sflag:s23] =	ssyncadd.s32 $0xFFFFFFFF  }
0xa5: {  	s26 =	simm.s32 $execute0_lowered;
	[smem:$0x3FD2] =	sst s25  }
0xa6: {  	s4 =	sshll.u32 s26, $0x1;
	_ =	strace $0x80000046;
	[dreg:$0x1] =	wrdreg $0xFFFFFFFF  }
0xa7: {  	s28 =	simm.s32 $_size_execute0_lowered;
	s2 =	sadd.s32 s2, s4;
	[dreg:$0x0] =	wrdreg $0x0  }
0xa8: {  	s4 =	sshll.u32 s28, $0x1;
	[dreg:$0x2] =	wrdreg s2  }
0xa9: {  	[dreg:$0x3] =	wrdreg s4  }
0xaa: {  	[dreg:$0x4] =	wrdreg $0xC0  }
0xab: {  	_ =	task [dreg:s6], $0x5FFFF  }
0xac: {  	[dreg:$0x1] =	wrdreg $0xFFFFFFFF  }
0xad: {  	[dreg:$0x0] =	wrdreg $0x60  }
0xae: {  	[dreg:$0x2] =	wrdreg s24  }
0xaf: {  	[dreg:$0x3] =	wrdreg $0x2A000  }
0xb0: {  	[dreg:$0x4] =	wrdreg $0x9  }
0xb1: {  	_ =	task.clear_ibuf [dreg:s6], $0x5FFFF;
	_ =	strace $0x90000046  }
0xb2: {  	s29 =	simm.s32 $0x9;
	_ =	strace $0x80000048  }
0xb3: {  	_ =	swait.ge [sflag:s29], $0x1  }
0xb4: {  	[sflag:s29] =	ssyncadd.s32 $0xFFFFFFFF  }
0xb5: {  	_ =	strace $0x90000048  }
0xb6: {  	_ =	sfence  }
0xb7: {  	s30 =	sld [smem:$0x0];
	_ =	sdelay $0x2  }
0xb8: {  	s31 =	sshll.u32 s1, $0xD;
	s1 =	sshrl.u32 s1, $0x2  }
0xb9: {  	s3 =	sand.u32 $0x4000, s31;
	s1 =	sadd.s32 s1, s30  }
0xba: {  	s0 =	sor.u32 s3, s0;
	s1 =	sshll.u32 s1, $0x11  }
0xbb: {  	s0 =	sor.u32 s1, s0  }
0xbc: {  	s0 =	sadd.s32 $0x8F2B, s0  }
0xbd: {  	[sflag:s0] =	ssyncadd.remote.s32 $0x1  }
0xbe: {  	_ =	sfence.sel $0xFFFF  }
0xbf: {  	[dreg:$0x0] =	wrdreg $0xFFFFFFFF;
	(pc) =	sbr.abs _section_cstart, $3  }
0xc0: {  	[dreg:$0x1] =	wrdreg $0xFFFFFFFF  }
0xc1: {  	_ =	task.clear_ibuf [dreg:s6], $0x2FFFF;
	_ =	strace $0x9FFFFFFF  }
0xc2: {  	(tm) =	ssettm $0x7FFFFFFF  }
0xc3: {  	_ =	shalt  }
tec
execute0_lowered:
.L_overlay_start_1:
0x0: {  	(tag) =	ssettag $0x1  }
0x1: {  	s0 =	srdreg.scid;
	s5 =	rddreg [dreg:$0x0]  }
0x2: {  	s8 =	stileid.u32;
	s2 =	rddreg [dreg:$0x1];
	s3 =	simm.s32 $0x0  }
0x3: {  	s28 =	simm.s32 $0x80;
	s29 =	simm.s32 $0x100;
	s1 =	smul.u32 $0x4E20, s8  }
0x4: {  	s30 =	simm.s32 $0x50;
	s31 =	simm.s32 $0x180;
	s6 =	smul.u32 $0x50000, s8  }
0x5: {  	s0 =	sand.u32 $0x1, s0;
	[smem:$0x7FF] =	sst s3;
	s13 =	smul.u32 $0x280, s8  }
0x6: {  	s14 =	sadd.s32 $0x160400, s5;
	s4 =	smul.u32 $0x2710, s0;
	s21 =	ssub.s32 $0x2, s0  }
0x7: {  	_ =	strace $0x80000047;
	s0 =	smul.u32 $0x2800, s0;
	s7 =	sshrl.u32 s21, $0x1  }
0x8: {  	s6 =	sshrl.u32 s6, $0x2;
	s23 =	sor.u32 $0x50, s13;
	s16 =	sadd.s32 $0xA0, s13  }
0x9: {  	s17 =	sadd.s32 $0xF0, s13;
	s18 =	sadd.s32 $0x140, s13;
	s19 =	sadd.s32 $0x190, s13  }
0xa: {  	s20 =	sadd.s32 $0x1E0, s13;
	s1 =	sadd.s32 s4, s1;
	s4 =	sadd.s32 $0x20400, s5  }
0xb: {  	s7 =	ssub.s32 s21, s7;
	s24 =	sshll.u32 s23, $0x7;
	s25 =	sshll.u32 s16, $0x7  }
0xc: {  	s9 =	sshll.u32 s17, $0x7;
	s10 =	sshll.u32 s18, $0x7;
	s11 =	sshll.u32 s19, $0x7  }
0xd: {  	s12 =	sshll.u32 s20, $0x7;
	s21 =	sadd.s32 $0x230, s13;
	s13 =	sadd.s32 s0, s13  }
0xe: {  	s18 =	sadd.s32 s0, s18;
	s1 =	sshrl.u32 s1, $0x3;
	s22 =	smax.u32 s7, $0x1  }
0xf: {  	s7 =	sadd.s32 s24, s2;
	s8 =	sadd.s32 s25, s2;
	s9 =	sadd.s32 s9, s2  }
0x10: {  	s10 =	sadd.s32 s10, s2;
	s11 =	sadd.s32 s11, s2;
	s12 =	sadd.s32 s12, s2  }
0x11: {  	s15 =	sshll.u32 s21, $0x7;
	s24 =	sshll.u32 s18, $0x4;
	s25 =	sadd.s32 s0, s19  }
0x12: {  	s1 =	sadd.s32 s1, s5;
	s5 =	sadd.s32 s6, s2;
	[dreg:$0x3] =	wrdreg s22  }
0x13: {  	s22 =	sshll.u32 s13, $0x4;
	s6 =	sadd.s32 s0, s23;
	s13 =	sadd.s32 s15, s2  }
0x14: {  	s23 =	sadd.s32 s0, s17;
	s18 =	sadd.s32 s14, s24;
	s26 =	sadd.s32 s14, s22  }
0x15: {  	s6 =	sshll.u32 s6, $0x4;
	s22 =	sadd.s32 s0, s16;
	s17 =	sshll.u32 s23, $0x4  }
0x16: {  	s23 =	sadd.s32 $0x16600, s1;
	s24 =	sadd.s32 $0xC800, s1;
	[dreg:$0x4] =	wrdreg s26  }
0x17: {  	s6 =	sadd.s32 s14, s6;
	s17 =	sadd.s32 s14, s17;
	s26 =	sadd.s32 s0, s20  }
0x18: {  	s0 =	sadd.s32 s0, s21;
	[dreg:$0x5] =	wrdreg s6;
	s6 =	sshll.u32 s22, $0x4  }
0x19: {  	s20 =	sshll.u32 s26, $0x4;
	s0 =	sshll.u32 s0, $0x4;
	s22 =	sadd.s32 $0x2A00, s1  }
0x1a: {  	s26 =	simm.s32 $0x2;
	s1 =	simm.s32 $0x1;
	s16 =	sadd.s32 s14, s6  }
0x1b: {  	s6 =	sshll.u32 s25, $0x4;
	s20 =	sadd.s32 s14, s20;
	s21 =	sadd.s32 s14, s0  }
0x1c: {  	v0 =	vimm.f32 $0.0e+00;
	s25 =	simm.s32 $0x200;
	s0 =	simm.s32 $0x0;
	s19 =	sadd.s32 s14, s6  }
.LBB2_1:
0x1d: {  	s6 =	simm.s32 $0x0;
	s14 =	simm.s32 $0x200  }
.LBB2_2:
0x1e: {  	p0 =	sne.s32 s14, $0x9E00;
	[tilespmem:s6+$0x270] =	vst v0  }
0x1f: {  	[tilespmem:s6+$0x200] =	vst v0  }
0x20: {  	[tilespmem:s6+$0x210] =	vst v0  }
.Ltmp0:
0x21: {  	[tilespmem:s6+$0x220] =	vst v0;
	(pc) =	sbr.rel @p0 .LBB2_2-.Ltmp0, $4  }
0x22: {  	[tilespmem:s6+$0x230] =	vst v0  }
0x23: {  	[tilespmem:s6+$0x240] =	vst v0  }
0x24: {  	[tilespmem:s6+$0x250] =	vst v0  }
0x25: {  	[tilespmem:s6+$0x260] =	vst v0;
	s6 =	sshra.s32 s14, $0x2;
	s14 =	sadd.s32 $0x200, s14  }
0x26: {  	[tilespmem:s6+$0x270] =	vst v0  }
0x27: {  	[tilespmem:s6+$0x200] =	vst v0  }
0x28: {  	[tilespmem:s6+$0x210] =	vst v0  }
0x29: {  	[tilespmem:s6+$0x220] =	vst v0  }
0x2a: {  	[tilespmem:s6+$0x230] =	vst v0  }
0x2b: {  	[tilespmem:s6+$0x240] =	vst v0  }
0x2c: {  	[tilespmem:s6+$0x250] =	vst v0  }
0x2d: {  	[tilespmem:s6+$0x260] =	vst v0  }
0x2e: {  	[spmem:s5] =	stream.linear.scatter [tilespmem:s25], [sflag:$0x2], $0x2800, $0x38;
	[tilespmem:$0x16A00] =	vst v63  }
0x2f: {  	_ =	swait.ge [sflag:s26], $0x2800  }
0x30: {  	[sflag:s26] =	ssyncset.done $0x0  }
0x31: {  	[sflag:s26] =	ssyncadd.s32 $0xFFFFD800  }
0x32: {  	[spmem:s7] =	stream.linear.scatter [tilespmem:s25], [sflag:$0x2], $0x2800, $0x38;
	[tilespmem:$0x16A00] =	vst v63  }
0x33: {  	_ =	swait.ge [sflag:s26], $0x2800  }
0x34: {  	[sflag:s26] =	ssyncset.done $0x0  }
0x35: {  	[sflag:s26] =	ssyncadd.s32 $0xFFFFD800  }
0x36: {  	[spmem:s8] =	stream.linear.scatter [tilespmem:s25], [sflag:$0x2], $0x2800, $0x38;
	[tilespmem:$0x16A00] =	vst v63  }
0x37: {  	_ =	swait.ge [sflag:s26], $0x2800  }
0x38: {  	[sflag:s26] =	ssyncset.done $0x0  }
0x39: {  	[sflag:s26] =	ssyncadd.s32 $0xFFFFD800  }
0x3a: {  	[spmem:s9] =	stream.linear.scatter [tilespmem:s25], [sflag:$0x2], $0x2800, $0x38;
	[tilespmem:$0x16A00] =	vst v63  }
0x3b: {  	_ =	swait.ge [sflag:s26], $0x2800  }
0x3c: {  	[sflag:s26] =	ssyncset.done $0x0  }
0x3d: {  	[sflag:s26] =	ssyncadd.s32 $0xFFFFD800  }
0x3e: {  	[spmem:s10] =	stream.linear.scatter [tilespmem:s25], [sflag:$0x2], $0x2800, $0x38;
	[tilespmem:$0x16A00] =	vst v63  }
0x3f: {  	_ =	swait.ge [sflag:s26], $0x2800  }
0x40: {  	[sflag:s26] =	ssyncset.done $0x0  }
0x41: {  	[sflag:s26] =	ssyncadd.s32 $0xFFFFD800  }
0x42: {  	[spmem:s11] =	stream.linear.scatter [tilespmem:s25], [sflag:$0x2], $0x2800, $0x38;
	[tilespmem:$0x16A00] =	vst v63  }
0x43: {  	_ =	swait.ge [sflag:s26], $0x2800  }
0x44: {  	[sflag:s26] =	ssyncset.done $0x0  }
0x45: {  	[sflag:s26] =	ssyncadd.s32 $0xFFFFD800  }
0x46: {  	[spmem:s12] =	stream.linear.scatter [tilespmem:s25], [sflag:$0x2], $0x2800, $0x38;
	[tilespmem:$0x16A00] =	vst v63  }
0x47: {  	_ =	swait.ge [sflag:s26], $0x2800  }
0x48: {  	[sflag:s26] =	ssyncset.done $0x0  }
0x49: {  	[sflag:s26] =	ssyncadd.s32 $0xFFFFD800  }
0x4a: {  	[spmem:s13] =	stream.linear.scatter [tilespmem:s25], [sflag:$0x2], $0x2800, $0x38;
	[tilespmem:$0x16A00] =	vst v63  }
0x4b: {  	_ =	swait.ge [sflag:s26], $0x2800  }
0x4c: {  	[sflag:s26] =	ssyncset.done $0x0  }
0x4d: {  	[sflag:s26] =	ssyncadd.s32 $0xFFFFD800  }
0x4e: {  	s15 =	sadd.s32 $0x0, s24;
	[bflag:$0x0] =	sbarrier.arrive $0xFFFF  }
0x4f: {  	[tilespmem:s3], [sflag:$0x2] =	stream.linear.gather [hbm4b:s15+s3], $0x50, $0x38;
	[tilespmem:$0x16A00] =	vst v63  }
0x50: {  	_ =	swait.ge [sflag:s26], $0x50  }
0x51: {  	[sflag:s26] =	ssyncset.done $0x0  }
0x52: {  	s14 =	sadd.s32 $0x0, s23;
	[sflag:s26] =	ssyncadd.s32 $0xFFFFFFB0  }
0x53: {  	[tilespmem:s28], [sflag:$0x2] =	stream.linear.gather [hbm4b:s14+s3], $0x50, $0x38;
	[tilespmem:$0x16A00] =	vst v63  }
0x54: {  	_ =	swait.ge [sflag:s26], $0x50  }
0x55: {  	[sflag:s26] =	ssyncset.done $0x0  }
0x56: {  	s15 =	sadd.s32 $0x0, s22;
	[sflag:s26] =	ssyncadd.s32 $0xFFFFFFB0  }
0x57: {  	[tilespmem:s29], [sflag:$0x2] =	stream.linear.gather [hbm4b:s15+s3], $0x50, $0x38;
	[tilespmem:$0x16A00] =	vst v63  }
0x58: {  	_ =	swait.ge [sflag:s26], $0x50  }
0x59: {  	[sflag:s26] =	ssyncset.done $0x0  }
0x5a: {  	[sflag:s26] =	ssyncadd.s32 $0xFFFFFFB0  }
0x5b: {  	v1 =	vld [tilespmem:$0x40]  }
0x5c: {  	v4 =	vld [tilespmem:$0xC0]  }
0x5d: {  	v2 =	vld [tilespmem:$0x20]  }
0x5e: {  	v3 =	vld [tilespmem:$0x30]  }
0x5f: {  	v5 =	vld [tilespmem:$0xB0]  }
0x60: {  	v6 =	vld [tilespmem:$0xA0]  }
0x61: {  	v7 =	vld [tilespmem:$0x90];
	v4 =	vmul.u32 $0x2800, v4  }
0x62: {  	v8 =	vld [tilespmem:$0x80]  }
0x63: {  	v9 =	vld [tilespmem:$0x10];
	v1 =	vadd.s32 v1, v4  }
0x64: {  	v5 =	vmul.u32 $0x2800, v5;
	[tilespmem:$0x1C0] =	vst v1;
	v1 =	vld [tilespmem:$0x0]  }
0x65: {  	v6 =	vmul.u32 $0x2800, v6  }
0x66: {  	v4 =	vmul.u32 $0x2800, v7;
	v3 =	vadd.s32 v3, v5  }
0x67: {  	v5 =	vadd.s32 v2, v6;
	v2 =	vmul.u32 $0x2800, v8;
	[tilespmem:$0x1B0] =	vst v3  }
0x68: {  	s6 =	simm.s32 $0xA;
	[tilespmem:$0x1A0] =	vst v5;
	v3 =	vadd.s32 v9, v4  }
.LBB2_4:
0x69: {  	p0 =	sne.s32 s6, $0x4D8;
	v1 =	vadd.s32 v1, v2;
	[tilespmem:$0x190] =	vst v3;
	s14 =	smov.u32 s6;
	s6 =	sadd.s32 $0xA, s6  }
0x6a: {  	[tilespmem:$0x180] =	vst v1  }
0x6b: {  	[tilespmem:s25], [sflag:$0x1] =	stream.indirect.gather [hbm4b:s4+s30], $0x80, s31, s30, $0xb8;
	[tilespmem:$0x16A00] =	vst v63  }
0x6c: {  	_ =	swait.ge [sflag:s1], $0x2800  }
0x6d: {  	[sflag:s1] =	ssyncset.done $0x0  }
0x6e: {  	[sflag:s1] =	ssyncadd.s32 $0xFFFFD800  }
0x6f: {  	[spmem:s2] =	stream.indirect.scatter.add.f32 [tilespmem:s25], [sflag:$0x2], $0x80, s29, s30, $0xb8;
	[tilespmem:$0x16A00] =	vst v63  }
0x70: {  	s15 =	sadd.s32 s14, s24;
	_ =	swait.ge [sflag:s26], $0x2800  }
0x71: {  	[sflag:s26] =	ssyncset.done $0x0  }
0x72: {  	[sflag:s26] =	ssyncadd.s32 $0xFFFFD800  }
0x73: {  	[tilespmem:s3], [sflag:$0x2] =	stream.linear.gather [hbm4b:s15+s3], $0x50, $0x38;
	[tilespmem:$0x16A00] =	vst v63  }
0x74: {  	_ =	swait.ge [sflag:s26], $0x50  }
0x75: {  	[sflag:s26] =	ssyncset.done $0x0  }
0x76: {  	s15 =	sadd.s32 s14, s23;
	[sflag:s26] =	ssyncadd.s32 $0xFFFFFFB0  }
0x77: {  	[tilespmem:s28], [sflag:$0x2] =	stream.linear.gather [hbm4b:s15+s3], $0x50, $0x38;
	[tilespmem:$0x16A00] =	vst v63  }
0x78: {  	_ =	swait.ge [sflag:s26], $0x50  }
0x79: {  	[sflag:s26] =	ssyncset.done $0x0  }
0x7a: {  	s14 =	sadd.s32 s14, s22;
	[sflag:s26] =	ssyncadd.s32 $0xFFFFFFB0  }
0x7b: {  	[tilespmem:s29], [sflag:$0x2] =	stream.linear.gather [hbm4b:s14+s3], $0x50, $0x38;
	[tilespmem:$0x16A00] =	vst v63  }
0x7c: {  	_ =	swait.ge [sflag:s26], $0x50  }
0x7d: {  	[sflag:s26] =	ssyncset.done $0x0  }
0x7e: {  	[sflag:s26] =	ssyncadd.s32 $0xFFFFFFB0  }
0x7f: {  	v2 =	vld [tilespmem:$0x40]  }
0x80: {  	v3 =	vld [tilespmem:$0x20]  }
0x81: {  	v4 =	vld [tilespmem:$0x30]  }
0x82: {  	v1 =	vld [tilespmem:$0xC0]  }
0x83: {  	v5 =	vld [tilespmem:$0xB0]  }
0x84: {  	v6 =	vld [tilespmem:$0xA0]  }
0x85: {  	v7 =	vld [tilespmem:$0x90]  }
0x86: {  	v8 =	vld [tilespmem:$0x80]  }
0x87: {  	v9 =	vld [tilespmem:$0x10];
	v10 =	vmul.u32 $0x2800, v1  }
.Ltmp1:
0x88: {  	v1 =	vld [tilespmem:$0x0];
	v5 =	vmul.u32 $0x2800, v5;
	(pc) =	sbr.rel @p0 .LBB2_4-.Ltmp1, $4  }
0x89: {  	v6 =	vmul.u32 $0x2800, v6;
	v2 =	vadd.s32 v2, v10  }
0x8a: {  	v7 =	vmul.u32 $0x2800, v7;
	v4 =	vadd.s32 v4, v5;
	[tilespmem:$0x1C0] =	vst v2  }
0x8b: {  	v2 =	vmul.u32 $0x2800, v8;
	v5 =	vadd.s32 v3, v6;
	[tilespmem:$0x1B0] =	vst v4  }
0x8c: {  	v3 =	vadd.s32 v9, v7;
	[tilespmem:$0x1A0] =	vst v5  }
0x8d: {  	v1 =	vadd.s32 v1, v2;
	[tilespmem:$0x190] =	vst v3  }
0x8e: {  	[tilespmem:$0x180] =	vst v1  }
0x8f: {  	[tilespmem:s25], [sflag:$0x1] =	stream.indirect.gather [hbm4b:s4+s30], $0x80, s31, s30, $0xb8;
	[tilespmem:$0x16A00] =	vst v63  }
0x90: {  	_ =	swait.ge [sflag:s1], $0x2800  }
0x91: {  	[sflag:s1] =	ssyncset.done $0x0  }
0x92: {  	[sflag:s1] =	ssyncadd.s32 $0xFFFFD800  }
0x93: {  	[spmem:s2] =	stream.indirect.scatter.add.f32 [tilespmem:s25], [sflag:$0x2], $0x80, s29, s30, $0xb8;
	[tilespmem:$0x16A00] =	vst v63  }
0x94: {  	_ =	swait.ge [sflag:s26], $0x2800  }
0x95: {  	[sflag:s26] =	ssyncset.done $0x0  }
0x96: {  	[sflag:s26] =	ssyncadd.s32 $0xFFFFD800  }
0x97: {  	[bflag:$0x0] =	sbarrier.arrive $0xFFFF  }
0x98: {  	[tilespmem:s25], [sflag:$0x2] =	stream.linear.gather [spmem:s5], $0x2800, $0x38;
	[tilespmem:$0x16A00] =	vst v63  }
0x99: {  	_ =	swait.ge [sflag:s26], $0x2800  }
0x9a: {  	[sflag:s26] =	ssyncset.done $0x0  }
0x9b: {  	s6 =	rddreg [dreg:$0x4];
	[sflag:s26] =	ssyncadd.s32 $0xFFFFD800  }
0x9c: {  	[hbm4b:s6+s3] =	stream.linear.scatter [tilespmem:s25], [sflag:$0x2], $0x2800, $0x38;
	[tilespmem:$0x16A00] =	vst v63  }
0x9d: {  	_ =	swait.ge [sflag:s26], $0x2800  }
0x9e: {  	[sflag:s26] =	ssyncset.done $0x0  }
0x9f: {  	[sflag:s26] =	ssyncadd.s32 $0xFFFFD800  }
0xa0: {  	[tilespmem:s25], [sflag:$0x2] =	stream.linear.gather [spmem:s7], $0x2800, $0x38;
	[tilespmem:$0x16A00] =	vst v63  }
0xa1: {  	_ =	swait.ge [sflag:s26], $0x2800  }
0xa2: {  	[sflag:s26] =	ssyncset.done $0x0  }
0xa3: {  	s14 =	rddreg [dreg:$0x5];
	[sflag:s26] =	ssyncadd.s32 $0xFFFFD800  }
0xa4: {  	[hbm4b:s14+s3] =	stream.linear.scatter [tilespmem:s25], [sflag:$0x2], $0x2800, $0x38;
	[tilespmem:$0x16A00] =	vst v63  }
0xa5: {  	_ =	swait.ge [sflag:s26], $0x2800  }
0xa6: {  	[sflag:s26] =	ssyncset.done $0x0  }
0xa7: {  	[sflag:s26] =	ssyncadd.s32 $0xFFFFD800  }
0xa8: {  	[tilespmem:s25], [sflag:$0x2] =	stream.linear.gather [spmem:s8], $0x2800, $0x38;
	[tilespmem:$0x16A00] =	vst v63  }
0xa9: {  	_ =	swait.ge [sflag:s26], $0x2800  }
0xaa: {  	[sflag:s26] =	ssyncset.done $0x0  }
0xab: {  	[sflag:s26] =	ssyncadd.s32 $0xFFFFD800  }
0xac: {  	[hbm4b:s16+s3] =	stream.linear.scatter [tilespmem:s25], [sflag:$0x2], $0x2800, $0x38;
	[tilespmem:$0x16A00] =	vst v63  }
0xad: {  	_ =	swait.ge [sflag:s26], $0x2800  }
0xae: {  	[sflag:s26] =	ssyncset.done $0x0  }
0xaf: {  	[sflag:s26] =	ssyncadd.s32 $0xFFFFD800  }
0xb0: {  	[tilespmem:s25], [sflag:$0x2] =	stream.linear.gather [spmem:s9], $0x2800, $0x38;
	[tilespmem:$0x16A00] =	vst v63  }
0xb1: {  	_ =	swait.ge [sflag:s26], $0x2800  }
0xb2: {  	[sflag:s26] =	ssyncset.done $0x0  }
0xb3: {  	[sflag:s26] =	ssyncadd.s32 $0xFFFFD800  }
0xb4: {  	[hbm4b:s17+s3] =	stream.linear.scatter [tilespmem:s25], [sflag:$0x2], $0x2800, $0x38;
	[tilespmem:$0x16A00] =	vst v63  }
0xb5: {  	_ =	swait.ge [sflag:s26], $0x2800  }
0xb6: {  	[sflag:s26] =	ssyncset.done $0x0  }
0xb7: {  	[sflag:s26] =	ssyncadd.s32 $0xFFFFD800  }
0xb8: {  	[tilespmem:s25], [sflag:$0x2] =	stream.linear.gather [spmem:s10], $0x2800, $0x38;
	[tilespmem:$0x16A00] =	vst v63  }
0xb9: {  	_ =	swait.ge [sflag:s26], $0x2800  }
0xba: {  	[sflag:s26] =	ssyncset.done $0x0  }
0xbb: {  	[sflag:s26] =	ssyncadd.s32 $0xFFFFD800  }
0xbc: {  	[hbm4b:s18+s3] =	stream.linear.scatter [tilespmem:s25], [sflag:$0x2], $0x2800, $0x38;
	[tilespmem:$0x16A00] =	vst v63  }
0xbd: {  	_ =	swait.ge [sflag:s26], $0x2800  }
0xbe: {  	[sflag:s26] =	ssyncset.done $0x0  }
0xbf: {  	[sflag:s26] =	ssyncadd.s32 $0xFFFFD800  }
0xc0: {  	[tilespmem:s25], [sflag:$0x2] =	stream.linear.gather [spmem:s11], $0x2800, $0x38;
	[tilespmem:$0x16A00] =	vst v63  }
0xc1: {  	_ =	swait.ge [sflag:s26], $0x2800  }
0xc2: {  	[sflag:s26] =	ssyncset.done $0x0  }
0xc3: {  	[sflag:s26] =	ssyncadd.s32 $0xFFFFD800  }
0xc4: {  	[hbm4b:s19+s3] =	stream.linear.scatter [tilespmem:s25], [sflag:$0x2], $0x2800, $0x38;
	[tilespmem:$0x16A00] =	vst v63  }
0xc5: {  	_ =	swait.ge [sflag:s26], $0x2800  }
0xc6: {  	[sflag:s26] =	ssyncset.done $0x0  }
0xc7: {  	[sflag:s26] =	ssyncadd.s32 $0xFFFFD800  }
0xc8: {  	[tilespmem:s25], [sflag:$0x2] =	stream.linear.gather [spmem:s12], $0x2800, $0x38;
	[tilespmem:$0x16A00] =	vst v63  }
0xc9: {  	_ =	swait.ge [sflag:s26], $0x2800  }
0xca: {  	[sflag:s26] =	ssyncset.done $0x0  }
0xcb: {  	[sflag:s26] =	ssyncadd.s32 $0xFFFFD800  }
0xcc: {  	[hbm4b:s20+s3] =	stream.linear.scatter [tilespmem:s25], [sflag:$0x2], $0x2800, $0x38;
	[tilespmem:$0x16A00] =	vst v63  }
0xcd: {  	_ =	swait.ge [sflag:s26], $0x2800  }
0xce: {  	[sflag:s26] =	ssyncset.done $0x0  }
0xcf: {  	[sflag:s26] =	ssyncadd.s32 $0xFFFFD800  }
0xd0: {  	[tilespmem:s25], [sflag:$0x2] =	stream.linear.gather [spmem:s13], $0x2800, $0x38;
	[tilespmem:$0x16A00] =	vst v63  }
0xd1: {  	_ =	swait.ge [sflag:s26], $0x2800  }
0xd2: {  	[sflag:s26] =	ssyncset.done $0x0  }
0xd3: {  	[sflag:s26] =	ssyncadd.s32 $0xFFFFD800  }
0xd4: {  	[hbm4b:s21+s3] =	stream.linear.scatter [tilespmem:s25], [sflag:$0x2], $0x2800, $0x38;
	[tilespmem:$0x16A00] =	vst v63  }
0xd5: {  	_ =	swait.ge [sflag:s26], $0x2800  }
0xd6: {  	s0 =	sadd.s32 $0x1, s0;
	s15 =	rddreg [dreg:$0x3]  }
0xd7: {  	p0 =	sne.s32 s0, s15  }
.Ltmp2:
0xd8: {  	_ = 	snop;
	(pc) =	sbr.rel @p0 .LBB2_1-.Ltmp2, $3  }
0xd9: {  	_ =	sdelay $0x1  }
0xda: {  	[sflag:s26] =	ssyncset.done $0x0  }
0xdb: {  	[sflag:s26] =	ssyncadd.s32 $0xFFFFD800  }
0xdc: {  	_ =	sfence.sel $0x180000  }
0xdd: {  	[bflag:$0x0] =	sbarrier.arrive $0xFFFF  }
0xde: {  	_ =	strace $0x90000047  }
0xdf: {  	s0 =	stileid.u32;
	[bflag:$0x2] =	sbarrier.arrive $0xFFFF  }
0xe0: {  	p0 =	sne.s32 s0, $0x0;
	s0 =	rddreg [dreg:$0x2]  }
0xe1: {  	s0 =	sadd.s32 @!p0 $0x100000, s0  }
0xe2: {  	[sflag:s0] =	ssyncadd.tile.s32 @!p0 $0x1;
	_ =	shalt  }
.Lfunc_end2:
_tile_overlayer_lowered:
.L_overlay_start_2:
0xe3: {  	(tag) =	ssettag $0x2  }
0xe4: {  	s0 =	rddreg [dreg:$0x0];
	s2 =	stileid.u32  }
0xe5: {  	s1 =	rddreg [dreg:$0x1];
	p0 =	sne.s32 s2, $0x0  }
0xe6: {  	s3 =	rddreg [dreg:$0x2];
	[bflag:$0x3] =	sbarrier.arrive $0xFFFF;
	s2 =	simm.s32 @!p0 $0x1C02  }
0xe7: {  	[timem:s3], [sflag:s2] =	dma.local @!p0 [hbm:s0], s1  }
0xe8: {  	s0 =	simm.s32 @!p0 $0x2  }
0xe9: {  	_ =	swait.ge @!p0 [sflag:s0], s1  }
0xea: {  	s1 =	ssub.s32 @!p0 $0x0, s1;
	[sflag:s0] =	ssyncset.done @!p0 $0x0  }
0xeb: {  	[sflag:s0] =	ssyncadd.s32 @!p0 s1  }
0xec: {  	[bflag:$0x3] =	sbarrier.arrive $0xFFFF  }
0xed: {  	_ =	shalt  }

// kernel: kernel.19.cloned.1.call-start
scs
__scs_entry_jumppad:
0x0: {  	(pc) =	sbr.rel $0x88, $3  }
0x1: {  	(tag) =	ssettag $0x0;
	lr =	simm.s32 $0x1  }
0x2: {  	[smem:$0x3F94] =	sst lr;
	_ =	strace $0xD0000000  }
0x3: {  	_ = 	snop  }
0x4: {  	_ = 	snop  }
0x5: {  	_ = 	snop  }
0x6: {  	_ = 	snop  }
0x7: {  	_ = 	snop  }
__scs_overlays_trampoline_lowered:
0x8: {  	[smem:$0x3FA3] =	sst s0  }
0x9: {  	[smem:$0x3FA4] =	sst s1  }
0xa: {  	[smem:$0x3FA5] =	sst s2  }
0xb: {  	[smem:$0x3FA6] =	sst s3  }
0xc: {  	[smem:$0x3FA7] =	sst s4  }
0xd: {  	[smem:$0x3FA8] =	sst s5  }
0xe: {  	[smem:$0x3FA9] =	sst s6  }
0xf: {  	[smem:$0x3FAA] =	sst s7  }
0x10: {  	[smem:$0x3FAB] =	sst s8  }
0x11: {  	[smem:$0x3FAC] =	sst s9;
	s0 =	simm.s32 @!p0 $0x0  }
0x12: {  	s1 =	sld [smem:$0x3F92];
	s0 =	simm.s32 @p0 $0x1  }
0x13: {  	[smem:$0x3FAD] =	sst s0;
	s0 =	simm.s32 @!p1 $0x0  }
0x14: {  	s2 =	sld [smem:$0x3F91];
	s0 =	simm.s32 @p1 $0x1  }
0x15: {  	[smem:$0x3FAE] =	sst s0;
	s0 =	simm.s32 @!p2 $0x0  }
0x16: {  	s3 =	sld [smem:$0x3FDB];
	s0 =	simm.s32 @p2 $0x1  }
0x17: {  	s4 =	simm.s32 $0x1BF5;
	[smem:$0x3FB0] =	sst s0  }
0x18: {  	s0 =	sld [smem:$0x3F93];
	_ =	swait.ge [sflag:s4], $0x0  }
0x19: {  	s7 =	sld [smem:$0x3F94]  }
0x1a: {  	s8 =	sadd.s32 $0xFFFFE003, lr  }
0x1b: {  	s9 =	sadd.s32 $0xFFFFFEF7, lr;
	s5 =	simm.s32 $0xFFFFFFFF;
	p2 =	slt.u32 s8, $0xFFFFF086  }
0x1c: {  	p1 =	slt.u32 s9, $0xF7A;
	s5 =	simm.s32 @!p2 $0x0  }
0x1d: {  	s5 =	simm.s32 @p1 $0x1;
	p0 =	seq.s32 s7, s2  }
0x1e: {  	s7 =	smul.u32 @!p0 $0xF7A, s2;
	p2 =	seq.s32 @!p0 s5, $0x0  }
0x1f: {  	s9 =	smul.u32 $0xF7A, s1;
	s8 =	simm.s32 @!p0 $0x1BF5;
	p2 =	por !p2, p0  }
0x20: {  	[sflag:s8] =	ssyncset.s32 @!p0 $0xFFFFF086;
	s6 =	sadd.s32 @!p0 s3, s7;
	s7 =	simm.s32 @!p0 $0x108  }
0x21: {  	s3 =	sadd.s32 s3, s9;
	s6 =	sadd.s32 @!p0 $0x88, s6;
	s7 =	simm.s32 @p2 $0x1082  }
0x22: {  	[simem:s7], [sflag:s8] =	dma.local @!p0 [hbm:s6], $0xF7A  }
0x23: {  	s9 =	sor.u32 $0xD0000000, s2;
	s6 =	simm.s32 $0x108;
	_ =	swait.ge @!p0 [sflag:s8], $0x0  }
0x24: {  	s3 =	sadd.s32 $0x88, s3;
	s6 =	simm.s32 @!p1 $0x1082;
	[sflag:s4] =	ssyncset.s32 $0xFFFFF086  }
0x25: {  	[simem:s6], [sflag:s4] =	dma.local [hbm:s3], $0xF7A  }
0x26: {  	[smem:$0x3F94] =	sst s1;
	(tag) =	ssettag s2;
	_ =	strace s9  }
0x27: {  	s1 =	sld [smem:$0x3FA4]  }
0x28: {  	s2 =	sld [smem:$0x3FA5]  }
0x29: {  	s4 =	sld [smem:$0x3FA7]  }
0x2a: {  	p0 =	seq.s32 s5, $0x0;
	s5 =	sld [smem:$0x3FA8]  }
0x2b: {  	s6 =	sld [smem:$0x3FA9]  }
0x2c: {  	s7 =	sld [smem:$0x3FAA]  }
0x2d: {  	s3 =	simm.s32 $0x108;
	s8 =	sld [smem:$0x3FAB]  }
0x2e: {  	s3 =	simm.s32 @!p0 $0x1082;
	s9 =	sld [smem:$0x3FAC]  }
0x2f: {  	lr =	sadd.s32 s0, s3;
	s0 =	sld [smem:$0x3FA3]  }
0x30: {  	s3 =	sld [smem:$0x3FA6]  }
0x31: {  	[smem:$0x3FAF] =	sst s10  }
0x32: {  	s10 =	sld [smem:$0x3FAD];
	_ =	sdelay $0x3  }
0x33: {  	p0 =	seq.s32 s10, $0x1;
	s10 =	sld [smem:$0x3FAF];
	_ =	sdelay $0x3  }
0x34: {  	[smem:$0x3FAF] =	sst s10  }
0x35: {  	s10 =	sld [smem:$0x3FAE];
	_ =	sdelay $0x3  }
0x36: {  	p1 =	seq.s32 s10, $0x1;
	s10 =	sld [smem:$0x3FAF];
	_ =	sdelay $0x3  }
0x37: {  	[smem:$0x3FAF] =	sst s10  }
0x38: {  	s10 =	sld [smem:$0x3FB0]  }
0x39: {  	_ = 	snop;
	(pc) =	sbr.ind lr, $3  }
0x3a: {  	_ = 	snop  }
0x3b: {  	_ = 	snop  }
0x3c: {  	p2 =	seq.s32 s10, $0x1;
	s10 =	sld [smem:$0x3FAF]  }
0x3d: {  	_ =	shalt  }
0x3e: {  	_ =	shalt  }
0x3f: {  	_ =	shalt  }
0x40: {  	_ =	shalt  }
0x41: {  	_ =	shalt  }
0x42: {  	_ =	shalt  }
0x43: {  	_ =	shalt  }
0x44: {  	_ =	shalt  }
0x45: {  	_ =	shalt  }
0x46: {  	_ =	shalt  }
0x47: {  	_ =	shalt  }
0x48: {  	_ =	shalt  }
0x49: {  	_ =	shalt  }
0x4a: {  	_ =	shalt  }
0x4b: {  	_ =	shalt  }
0x4c: {  	_ =	shalt  }
0x4d: {  	_ =	shalt  }
0x4e: {  	_ =	shalt  }
0x4f: {  	_ =	shalt  }
0x50: {  	_ =	shalt  }
0x51: {  	_ =	shalt  }
0x52: {  	_ =	shalt  }
0x53: {  	_ =	shalt  }
0x54: {  	_ =	shalt  }
0x55: {  	_ =	shalt  }
0x56: {  	_ =	shalt  }
0x57: {  	_ =	shalt  }
0x58: {  	_ =	shalt  }
0x59: {  	_ =	shalt  }
0x5a: {  	_ =	shalt  }
0x5b: {  	_ =	shalt  }
0x5c: {  	_ =	shalt  }
0x5d: {  	_ =	shalt  }
0x5e: {  	_ =	shalt  }
0x5f: {  	_ =	shalt  }
0x60: {  	_ =	shalt  }
0x61: {  	_ =	shalt  }
0x62: {  	_ =	shalt  }
0x63: {  	_ =	shalt  }
0x64: {  	_ =	shalt  }
0x65: {  	_ =	shalt  }
0x66: {  	_ =	shalt  }
0x67: {  	_ =	shalt  }
0x68: {  	_ =	shalt  }
0x69: {  	_ =	shalt  }
0x6a: {  	_ =	shalt  }
0x6b: {  	_ =	shalt  }
0x6c: {  	_ =	shalt  }
0x6d: {  	_ =	shalt  }
0x6e: {  	_ =	shalt  }
0x6f: {  	_ =	shalt  }
0x70: {  	_ =	shalt  }
0x71: {  	_ =	shalt  }
0x72: {  	_ =	shalt  }
0x73: {  	_ =	shalt  }
0x74: {  	_ =	shalt  }
0x75: {  	_ =	shalt  }
0x76: {  	_ =	shalt  }
0x77: {  	_ =	shalt  }
0x78: {  	_ =	shalt  }
0x79: {  	_ =	shalt  }
0x7a: {  	_ =	shalt  }
0x7b: {  	_ =	shalt  }
0x7c: {  	_ =	shalt  }
0x7d: {  	_ =	shalt  }
0x7e: {  	_ =	shalt  }
0x7f: {  	_ =	shalt  }
0x80: {  	_ =	shalt  }
0x81: {  	_ =	shalt  }
0x82: {  	_ =	shalt  }
0x83: {  	_ =	shalt  }
0x84: {  	_ =	shalt  }
0x85: {  	_ =	shalt  }
0x86: {  	_ =	shalt  }
0x87: {  	_ =	shalt  }
.Lfunc_end0:
.L_simem_size_0:
called_computation.1_lowered:
.L_overlay_start_0:
0x88: {  	s2 =	sld [smem:$0x3FD9]  }
0x89: {  	s3 =	sld [smem:$0x3FFE];
	_ =	sdelay $0x1  }
0x8a: {  	s1 =	srdreg.scid  }
0x8b: {  	s0 =	sand.u32 $0x1, s1  }
0x8c: {  	s16 =	sshll.u32 s0, $0xA;
	s2 =	sadd.s32 s3, s2  }
0x8d: {  	s2 =	sadd.s32 s2, s16  }
0x8e: {  	[smem:$0x3FBB] =	sst s2  }
0x8f: {  	_ = 	snop  }
0x90: {  	(tm) =	ssettm $0x1  }
0x91: {  	s17 =	sld [smem:$0x3FFB];
	_ =	sdelay $0x3  }
0x92: {  	_ =	strace s17  }
0x93: {  	s2 =	sld [smem:$0x3FFC];
	_ =	sdelay $0x3  }
0x94: {  	_ =	strace s2  }
0x95: {  	s2 =	sld [smem:$0x3FFD];
	_ =	sdelay $0x3  }
0x96: {  	_ =	strace s2  }
0x97: {  	_ =	strace $0x8FFFFFFF  }
0x98: {  	s18 =	sld [smem:$0x3FDB];
	_ =	sdelay $0x1  }
0x99: {  	s19 =	simm.s32 $_scs_section_size  }
0x9a: {  	s4 =	simm.s32 $_size__tile_overlayer_lowered;
	s5 =	simm.s32 $_tile_overlayer_lowered  }
0x9b: {  	s22 =	simm.s32 $0x1BFF;
	s21 =	sshll.u32 s5, $0x1;
	s2 =	sadd.s32 s19, s18  }
0x9c: {  	s6 =	simm.s32 $0x0;
	s20 =	sshll.u32 s4, $0x1;
	s4 =	sadd.s32 s21, s2  }
0x9d: {  	[timem:s6], [sflag:s22] =	dma.local [hbm:s4], s20  }
0x9e: {  	_ =	swait.ge [sflag:s22], s20  }
0x9f: {  	s3 =	ssub.s32 $0x0, s20;
	[sflag:s22] =	ssyncset.done $0x0  }
0xa0: {  	[sflag:s22] =	ssyncadd.s32 s3;
	_ =	sdelay $0x1  }
0xa1: {  	s23 =	simm.s32 $0x1B8B  }
0xa2: {  	_ =	swait.ge [sflag:s23], $0x1  }
0xa3: {  	[sflag:s23] =	ssyncset.done $0x0  }
0xa4: {  	s25 =	simm.s32 $0x1B8E;
	s24 =	sld [smem:$0x3FFE];
	[sflag:s23] =	ssyncadd.s32 $0xFFFFFFFF  }
0xa5: {  	s26 =	simm.s32 $execute0_lowered;
	[smem:$0x3FD2] =	sst s25  }
0xa6: {  	s4 =	sshll.u32 s26, $0x1;
	_ =	strace $0x80000049;
	[dreg:$0x1] =	wrdreg $0xFFFFFFFF  }
0xa7: {  	s28 =	simm.s32 $_size_execute0_lowered;
	s2 =	sadd.s32 s2, s4;
	[dreg:$0x0] =	wrdreg $0x0  }
0xa8: {  	s4 =	sshll.u32 s28, $0x1;
	[dreg:$0x2] =	wrdreg s2  }
0xa9: {  	[dreg:$0x3] =	wrdreg s4  }
0xaa: {  	[dreg:$0x4] =	wrdreg $0xC0  }
0xab: {  	_ =	task [dreg:s6], $0x5FFFF  }
0xac: {  	[dreg:$0x1] =	wrdreg $0xFFFFFFFF  }
0xad: {  	[dreg:$0x0] =	wrdreg $0x60  }
0xae: {  	[dreg:$0x2] =	wrdreg s24  }
0xaf: {  	[dreg:$0x3] =	wrdreg $0x2A000  }
0xb0: {  	[dreg:$0x4] =	wrdreg $0x9  }
0xb1: {  	_ =	task.clear_ibuf [dreg:s6], $0x5FFFF;
	_ =	strace $0x90000049  }
0xb2: {  	s29 =	simm.s32 $0x9;
	_ =	strace $0x8000004B  }
0xb3: {  	_ =	swait.ge [sflag:s29], $0x1  }
0xb4: {  	[sflag:s29] =	ssyncadd.s32 $0xFFFFFFFF  }
0xb5: {  	_ =	strace $0x9000004B  }
0xb6: {  	_ =	sfence  }
0xb7: {  	s30 =	sld [smem:$0x0];
	_ =	sdelay $0x2  }
0xb8: {  	s31 =	sshll.u32 s1, $0xD;
	s1 =	sshrl.u32 s1, $0x2  }
0xb9: {  	s3 =	sand.u32 $0x4000, s31;
	s1 =	sadd.s32 s1, s30  }
0xba: {  	s0 =	sor.u32 s3, s0;
	s1 =	sshll.u32 s1, $0x11  }
0xbb: {  	s0 =	sor.u32 s1, s0  }
0xbc: {  	s0 =	sadd.s32 $0x8F2B, s0  }
0xbd: {  	[sflag:s0] =	ssyncadd.remote.s32 $0x1  }
0xbe: {  	_ =	sfence.sel $0xFFFF  }
0xbf: {  	[dreg:$0x0] =	wrdreg $0xFFFFFFFF;
	(pc) =	sbr.abs _section_cstart, $3  }
0xc0: {  	[dreg:$0x1] =	wrdreg $0xFFFFFFFF  }
0xc1: {  	_ =	task.clear_ibuf [dreg:s6], $0x2FFFF;
	_ =	strace $0x9FFFFFFF  }
0xc2: {  	(tm) =	ssettm $0x7FFFFFFF  }
0xc3: {  	_ =	shalt  }
tec
execute0_lowered:
.L_overlay_start_1:
0x0: {  	(tag) =	ssettag $0x1  }
0x1: {  	s0 =	srdreg.scid;
	s5 =	rddreg [dreg:$0x0]  }
0x2: {  	s8 =	stileid.u32;
	s2 =	rddreg [dreg:$0x1];
	s3 =	simm.s32 $0x0  }
0x3: {  	s28 =	simm.s32 $0x80;
	s29 =	simm.s32 $0x100;
	s1 =	smul.u32 $0x4E20, s8  }
0x4: {  	s30 =	simm.s32 $0x50;
	s31 =	simm.s32 $0x180;
	s6 =	smul.u32 $0x50000, s8  }
0x5: {  	s0 =	sand.u32 $0x1, s0;
	[smem:$0x7FF] =	sst s3;
	s13 =	smul.u32 $0x280, s8  }
0x6: {  	s14 =	sadd.s32 $0x160400, s5;
	s4 =	smul.u32 $0x2710, s0;
	s21 =	ssub.s32 $0x2, s0  }
0x7: {  	_ =	strace $0x8000004A;
	s0 =	smul.u32 $0x2800, s0;
	s7 =	sshrl.u32 s21, $0x1  }
0x8: {  	s6 =	sshrl.u32 s6, $0x2;
	s23 =	sor.u32 $0x50, s13;
	s16 =	sadd.s32 $0xA0, s13  }
0x9: {  	s17 =	sadd.s32 $0xF0, s13;
	s18 =	sadd.s32 $0x140, s13;
	s19 =	sadd.s32 $0x190, s13  }
0xa: {  	s20 =	sadd.s32 $0x1E0, s13;
	s1 =	sadd.s32 s4, s1;
	s4 =	sadd.s32 $0x20400, s5  }
0xb: {  	s7 =	ssub.s32 s21, s7;
	s24 =	sshll.u32 s23, $0x7;
	s25 =	sshll.u32 s16, $0x7  }
0xc: {  	s9 =	sshll.u32 s17, $0x7;
	s10 =	sshll.u32 s18, $0x7;
	s11 =	sshll.u32 s19, $0x7  }
0xd: {  	s12 =	sshll.u32 s20, $0x7;
	s21 =	sadd.s32 $0x230, s13;
	s13 =	sadd.s32 s0, s13  }
0xe: {  	s18 =	sadd.s32 s0, s18;
	s1 =	sshrl.u32 s1, $0x3;
	s22 =	smax.u32 s7, $0x1  }
0xf: {  	s7 =	sadd.s32 s24, s2;
	s8 =	sadd.s32 s25, s2;
	s9 =	sadd.s32 s9, s2  }
0x10: {  	s10 =	sadd.s32 s10, s2;
	s11 =	sadd.s32 s11, s2;
	s12 =	sadd.s32 s12, s2  }
0x11: {  	s15 =	sshll.u32 s21, $0x7;
	s24 =	sshll.u32 s18, $0x4;
	s25 =	sadd.s32 s0, s19  }
0x12: {  	s1 =	sadd.s32 s1, s5;
	s5 =	sadd.s32 s6, s2;
	[dreg:$0x3] =	wrdreg s22  }
0x13: {  	s22 =	sshll.u32 s13, $0x4;
	s6 =	sadd.s32 s0, s23;
	s13 =	sadd.s32 s15, s2  }
0x14: {  	s23 =	sadd.s32 s0, s17;
	s18 =	sadd.s32 s14, s24;
	s26 =	sadd.s32 s14, s22  }
0x15: {  	s6 =	sshll.u32 s6, $0x4;
	s22 =	sadd.s32 s0, s16;
	s17 =	sshll.u32 s23, $0x4  }
0x16: {  	s23 =	sadd.s32 $0x16600, s1;
	s24 =	sadd.s32 $0xC800, s1;
	[dreg:$0x4] =	wrdreg s26  }
0x17: {  	s6 =	sadd.s32 s14, s6;
	s17 =	sadd.s32 s14, s17;
	s26 =	sadd.s32 s0, s20  }
0x18: {  	s0 =	sadd.s32 s0, s21;
	[dreg:$0x5] =	wrdreg s6;
	s6 =	sshll.u32 s22, $0x4  }
0x19: {  	s20 =	sshll.u32 s26, $0x4;
	s0 =	sshll.u32 s0, $0x4;
	s22 =	sadd.s32 $0x2A00, s1  }
0x1a: {  	s26 =	simm.s32 $0x2;
	s1 =	simm.s32 $0x1;
	s16 =	sadd.s32 s14, s6  }
0x1b: {  	s6 =	sshll.u32 s25, $0x4;
	s20 =	sadd.s32 s14, s20;
	s21 =	sadd.s32 s14, s0  }
0x1c: {  	v0 =	vimm.f32 $0.0e+00;
	s25 =	simm.s32 $0x200;
	s0 =	simm.s32 $0x0;
	s19 =	sadd.s32 s14, s6  }
.LBB2_1:
0x1d: {  	s6 =	simm.s32 $0x0;
	s14 =	simm.s32 $0x200  }
.LBB2_2:
0x1e: {  	p0 =	sne.s32 s14, $0x9E00;
	[tilespmem:s6+$0x270] =	vst v0  }
0x1f: {  	[tilespmem:s6+$0x200] =	vst v0  }
0x20: {  	[tilespmem:s6+$0x210] =	vst v0  }
.Ltmp0:
0x21: {  	[tilespmem:s6+$0x220] =	vst v0;
	(pc) =	sbr.rel @p0 .LBB2_2-.Ltmp0, $4  }
0x22: {  	[tilespmem:s6+$0x230] =	vst v0  }
0x23: {  	[tilespmem:s6+$0x240] =	vst v0  }
0x24: {  	[tilespmem:s6+$0x250] =	vst v0  }
0x25: {  	[tilespmem:s6+$0x260] =	vst v0;
	s6 =	sshra.s32 s14, $0x2;
	s14 =	sadd.s32 $0x200, s14  }
0x26: {  	[tilespmem:s6+$0x270] =	vst v0  }
0x27: {  	[tilespmem:s6+$0x200] =	vst v0  }
0x28: {  	[tilespmem:s6+$0x210] =	vst v0  }
0x29: {  	[tilespmem:s6+$0x220] =	vst v0  }
0x2a: {  	[tilespmem:s6+$0x230] =	vst v0  }
0x2b: {  	[tilespmem:s6+$0x240] =	vst v0  }
0x2c: {  	[tilespmem:s6+$0x250] =	vst v0  }
0x2d: {  	[tilespmem:s6+$0x260] =	vst v0  }
0x2e: {  	[spmem:s5] =	stream.linear.scatter [tilespmem:s25], [sflag:$0x2], $0x2800, $0x38;
	[tilespmem:$0x16A00] =	vst v63  }
0x2f: {  	_ =	swait.ge [sflag:s26], $0x2800  }
0x30: {  	[sflag:s26] =	ssyncset.done $0x0  }
0x31: {  	[sflag:s26] =	ssyncadd.s32 $0xFFFFD800  }
0x32: {  	[spmem:s7] =	stream.linear.scatter [tilespmem:s25], [sflag:$0x2], $0x2800, $0x38;
	[tilespmem:$0x16A00] =	vst v63  }
0x33: {  	_ =	swait.ge [sflag:s26], $0x2800  }
0x34: {  	[sflag:s26] =	ssyncset.done $0x0  }
0x35: {  	[sflag:s26] =	ssyncadd.s32 $0xFFFFD800  }
0x36: {  	[spmem:s8] =	stream.linear.scatter [tilespmem:s25], [sflag:$0x2], $0x2800, $0x38;
	[tilespmem:$0x16A00] =	vst v63  }
0x37: {  	_ =	swait.ge [sflag:s26], $0x2800  }
0x38: {  	[sflag:s26] =	ssyncset.done $0x0  }
0x39: {  	[sflag:s26] =	ssyncadd.s32 $0xFFFFD800  }
0x3a: {  	[spmem:s9] =	stream.linear.scatter [tilespmem:s25], [sflag:$0x2], $0x2800, $0x38;
	[tilespmem:$0x16A00] =	vst v63  }
0x3b: {  	_ =	swait.ge [sflag:s26], $0x2800  }
0x3c: {  	[sflag:s26] =	ssyncset.done $0x0  }
0x3d: {  	[sflag:s26] =	ssyncadd.s32 $0xFFFFD800  }
0x3e: {  	[spmem:s10] =	stream.linear.scatter [tilespmem:s25], [sflag:$0x2], $0x2800, $0x38;
	[tilespmem:$0x16A00] =	vst v63  }
0x3f: {  	_ =	swait.ge [sflag:s26], $0x2800  }
0x40: {  	[sflag:s26] =	ssyncset.done $0x0  }
0x41: {  	[sflag:s26] =	ssyncadd.s32 $0xFFFFD800  }
0x42: {  	[spmem:s11] =	stream.linear.scatter [tilespmem:s25], [sflag:$0x2], $0x2800, $0x38;
	[tilespmem:$0x16A00] =	vst v63  }
0x43: {  	_ =	swait.ge [sflag:s26], $0x2800  }
0x44: {  	[sflag:s26] =	ssyncset.done $0x0  }
0x45: {  	[sflag:s26] =	ssyncadd.s32 $0xFFFFD800  }
0x46: {  	[spmem:s12] =	stream.linear.scatter [tilespmem:s25], [sflag:$0x2], $0x2800, $0x38;
	[tilespmem:$0x16A00] =	vst v63  }
0x47: {  	_ =	swait.ge [sflag:s26], $0x2800  }
0x48: {  	[sflag:s26] =	ssyncset.done $0x0  }
0x49: {  	[sflag:s26] =	ssyncadd.s32 $0xFFFFD800  }
0x4a: {  	[spmem:s13] =	stream.linear.scatter [tilespmem:s25], [sflag:$0x2], $0x2800, $0x38;
	[tilespmem:$0x16A00] =	vst v63  }
0x4b: {  	_ =	swait.ge [sflag:s26], $0x2800  }
0x4c: {  	[sflag:s26] =	ssyncset.done $0x0  }
0x4d: {  	[sflag:s26] =	ssyncadd.s32 $0xFFFFD800  }
0x4e: {  	s15 =	sadd.s32 $0x0, s24;
	[bflag:$0x0] =	sbarrier.arrive $0xFFFF  }
0x4f: {  	[tilespmem:s3], [sflag:$0x2] =	stream.linear.gather [hbm4b:s15+s3], $0x50, $0x38;
	[tilespmem:$0x16A00] =	vst v63  }
0x50: {  	_ =	swait.ge [sflag:s26], $0x50  }
0x51: {  	[sflag:s26] =	ssyncset.done $0x0  }
0x52: {  	s14 =	sadd.s32 $0x0, s23;
	[sflag:s26] =	ssyncadd.s32 $0xFFFFFFB0  }
0x53: {  	[tilespmem:s28], [sflag:$0x2] =	stream.linear.gather [hbm4b:s14+s3], $0x50, $0x38;
	[tilespmem:$0x16A00] =	vst v63  }
0x54: {  	_ =	swait.ge [sflag:s26], $0x50  }
0x55: {  	[sflag:s26] =	ssyncset.done $0x0  }
0x56: {  	s15 =	sadd.s32 $0x0, s22;
	[sflag:s26] =	ssyncadd.s32 $0xFFFFFFB0  }
0x57: {  	[tilespmem:s29], [sflag:$0x2] =	stream.linear.gather [hbm4b:s15+s3], $0x50, $0x38;
	[tilespmem:$0x16A00] =	vst v63  }
0x58: {  	_ =	swait.ge [sflag:s26], $0x50  }
0x59: {  	[sflag:s26] =	ssyncset.done $0x0  }
0x5a: {  	[sflag:s26] =	ssyncadd.s32 $0xFFFFFFB0  }
0x5b: {  	v1 =	vld [tilespmem:$0x40]  }
0x5c: {  	v4 =	vld [tilespmem:$0xC0]  }
0x5d: {  	v2 =	vld [tilespmem:$0x20]  }
0x5e: {  	v3 =	vld [tilespmem:$0x30]  }
0x5f: {  	v5 =	vld [tilespmem:$0xB0]  }
0x60: {  	v6 =	vld [tilespmem:$0xA0]  }
0x61: {  	v7 =	vld [tilespmem:$0x90];
	v4 =	vmul.u32 $0x2800, v4  }
0x62: {  	v8 =	vld [tilespmem:$0x80]  }
0x63: {  	v9 =	vld [tilespmem:$0x10];
	v1 =	vadd.s32 v1, v4  }
0x64: {  	v5 =	vmul.u32 $0x2800, v5;
	[tilespmem:$0x1C0] =	vst v1;
	v1 =	vld [tilespmem:$0x0]  }
0x65: {  	v6 =	vmul.u32 $0x2800, v6  }
0x66: {  	v4 =	vmul.u32 $0x2800, v7;
	v3 =	vadd.s32 v3, v5  }
0x67: {  	v5 =	vadd.s32 v2, v6;
	v2 =	vmul.u32 $0x2800, v8;
	[tilespmem:$0x1B0] =	vst v3  }
0x68: {  	s6 =	simm.s32 $0xA;
	[tilespmem:$0x1A0] =	vst v5;
	v3 =	vadd.s32 v9, v4  }
.LBB2_4:
0x69: {  	p0 =	sne.s32 s6, $0x4D8;
	v1 =	vadd.s32 v1, v2;
	[tilespmem:$0x190] =	vst v3;
	s14 =	smov.u32 s6;
	s6 =	sadd.s32 $0xA, s6  }
0x6a: {  	[tilespmem:$0x180] =	vst v1  }
0x6b: {  	[tilespmem:s25], [sflag:$0x1] =	stream.indirect.gather [hbm4b:s4+s30], $0x80, s31, s30, $0xb8;
	[tilespmem:$0x16A00] =	vst v63  }
0x6c: {  	_ =	swait.ge [sflag:s1], $0x2800  }
0x6d: {  	[sflag:s1] =	ssyncset.done $0x0  }
0x6e: {  	[sflag:s1] =	ssyncadd.s32 $0xFFFFD800  }
0x6f: {  	[spmem:s2] =	stream.indirect.scatter.add.f32 [tilespmem:s25], [sflag:$0x2], $0x80, s29, s30, $0xb8;
	[tilespmem:$0x16A00] =	vst v63  }
0x70: {  	s15 =	sadd.s32 s14, s24;
	_ =	swait.ge [sflag:s26], $0x2800  }
0x71: {  	[sflag:s26] =	ssyncset.done $0x0  }
0x72: {  	[sflag:s26] =	ssyncadd.s32 $0xFFFFD800  }
0x73: {  	[tilespmem:s3], [sflag:$0x2] =	stream.linear.gather [hbm4b:s15+s3], $0x50, $0x38;
	[tilespmem:$0x16A00] =	vst v63  }
0x74: {  	_ =	swait.ge [sflag:s26], $0x50  }
0x75: {  	[sflag:s26] =	ssyncset.done $0x0  }
0x76: {  	s15 =	sadd.s32 s14, s23;
	[sflag:s26] =	ssyncadd.s32 $0xFFFFFFB0  }
0x77: {  	[tilespmem:s28], [sflag:$0x2] =	stream.linear.gather [hbm4b:s15+s3], $0x50, $0x38;
	[tilespmem:$0x16A00] =	vst v63  }
0x78: {  	_ =	swait.ge [sflag:s26], $0x50  }
0x79: {  	[sflag:s26] =	ssyncset.done $0x0  }
0x7a: {  	s14 =	sadd.s32 s14, s22;
	[sflag:s26] =	ssyncadd.s32 $0xFFFFFFB0  }
0x7b: {  	[tilespmem:s29], [sflag:$0x2] =	stream.linear.gather [hbm4b:s14+s3], $0x50, $0x38;
	[tilespmem:$0x16A00] =	vst v63  }
0x7c: {  	_ =	swait.ge [sflag:s26], $0x50  }
0x7d: {  	[sflag:s26] =	ssyncset.done $0x0  }
0x7e: {  	[sflag:s26] =	ssyncadd.s32 $0xFFFFFFB0  }
0x7f: {  	v2 =	vld [tilespmem:$0x40]  }
0x80: {  	v3 =	vld [tilespmem:$0x20]  }
0x81: {  	v4 =	vld [tilespmem:$0x30]  }
0x82: {  	v1 =	vld [tilespmem:$0xC0]  }
0x83: {  	v5 =	vld [tilespmem:$0xB0]  }
0x84: {  	v6 =	vld [tilespmem:$0xA0]  }
0x85: {  	v7 =	vld [tilespmem:$0x90]  }
0x86: {  	v8 =	vld [tilespmem:$0x80]  }
0x87: {  	v9 =	vld [tilespmem:$0x10];
	v10 =	vmul.u32 $0x2800, v1  }
.Ltmp1:
0x88: {  	v1 =	vld [tilespmem:$0x0];
	v5 =	vmul.u32 $0x2800, v5;
	(pc) =	sbr.rel @p0 .LBB2_4-.Ltmp1, $4  }
0x89: {  	v6 =	vmul.u32 $0x2800, v6;
	v2 =	vadd.s32 v2, v10  }
0x8a: {  	v7 =	vmul.u32 $0x2800, v7;
	v4 =	vadd.s32 v4, v5;
	[tilespmem:$0x1C0] =	vst v2  }
0x8b: {  	v2 =	vmul.u32 $0x2800, v8;
	v5 =	vadd.s32 v3, v6;
	[tilespmem:$0x1B0] =	vst v4  }
0x8c: {  	v3 =	vadd.s32 v9, v7;
	[tilespmem:$0x1A0] =	vst v5  }
0x8d: {  	v1 =	vadd.s32 v1, v2;
	[tilespmem:$0x190] =	vst v3  }
0x8e: {  	[tilespmem:$0x180] =	vst v1  }
0x8f: {  	[tilespmem:s25], [sflag:$0x1] =	stream.indirect.gather [hbm4b:s4+s30], $0x80, s31, s30, $0xb8;
	[tilespmem:$0x16A00] =	vst v63  }
0x90: {  	_ =	swait.ge [sflag:s1], $0x2800  }
0x91: {  	[sflag:s1] =	ssyncset.done $0x0  }
0x92: {  	[sflag:s1] =	ssyncadd.s32 $0xFFFFD800  }
0x93: {  	[spmem:s2] =	stream.indirect.scatter.add.f32 [tilespmem:s25], [sflag:$0x2], $0x80, s29, s30, $0xb8;
	[tilespmem:$0x16A00] =	vst v63  }
0x94: {  	_ =	swait.ge [sflag:s26], $0x2800  }
0x95: {  	[sflag:s26] =	ssyncset.done $0x0  }
0x96: {  	[sflag:s26] =	ssyncadd.s32 $0xFFFFD800  }
0x97: {  	[bflag:$0x0] =	sbarrier.arrive $0xFFFF  }
0x98: {  	[tilespmem:s25], [sflag:$0x2] =	stream.linear.gather [spmem:s5], $0x2800, $0x38;
	[tilespmem:$0x16A00] =	vst v63  }
0x99: {  	_ =	swait.ge [sflag:s26], $0x2800  }
0x9a: {  	[sflag:s26] =	ssyncset.done $0x0  }
0x9b: {  	s6 =	rddreg [dreg:$0x4];
	[sflag:s26] =	ssyncadd.s32 $0xFFFFD800  }
0x9c: {  	[hbm4b:s6+s3] =	stream.linear.scatter [tilespmem:s25], [sflag:$0x2], $0x2800, $0x38;
	[tilespmem:$0x16A00] =	vst v63  }
0x9d: {  	_ =	swait.ge [sflag:s26], $0x2800  }
0x9e: {  	[sflag:s26] =	ssyncset.done $0x0  }
0x9f: {  	[sflag:s26] =	ssyncadd.s32 $0xFFFFD800  }
0xa0: {  	[tilespmem:s25], [sflag:$0x2] =	stream.linear.gather [spmem:s7], $0x2800, $0x38;
	[tilespmem:$0x16A00] =	vst v63  }
0xa1: {  	_ =	swait.ge [sflag:s26], $0x2800  }
0xa2: {  	[sflag:s26] =	ssyncset.done $0x0  }
0xa3: {  	s14 =	rddreg [dreg:$0x5];
	[sflag:s26] =	ssyncadd.s32 $0xFFFFD800  }
0xa4: {  	[hbm4b:s14+s3] =	stream.linear.scatter [tilespmem:s25], [sflag:$0x2], $0x2800, $0x38;
	[tilespmem:$0x16A00] =	vst v63  }
0xa5: {  	_ =	swait.ge [sflag:s26], $0x2800  }
0xa6: {  	[sflag:s26] =	ssyncset.done $0x0  }
0xa7: {  	[sflag:s26] =	ssyncadd.s32 $0xFFFFD800  }
0xa8: {  	[tilespmem:s25], [sflag:$0x2] =	stream.linear.gather [spmem:s8], $0x2800, $0x38;
	[tilespmem:$0x16A00] =	vst v63  }
0xa9: {  	_ =	swait.ge [sflag:s26], $0x2800  }
0xaa: {  	[sflag:s26] =	ssyncset.done $0x0  }
0xab: {  	[sflag:s26] =	ssyncadd.s32 $0xFFFFD800  }
0xac: {  	[hbm4b:s16+s3] =	stream.linear.scatter [tilespmem:s25], [sflag:$0x2], $0x2800, $0x38;
	[tilespmem:$0x16A00] =	vst v63  }
0xad: {  	_ =	swait.ge [sflag:s26], $0x2800  }
0xae: {  	[sflag:s26] =	ssyncset.done $0x0  }
0xaf: {  	[sflag:s26] =	ssyncadd.s32 $0xFFFFD800  }
0xb0: {  	[tilespmem:s25], [sflag:$0x2] =	stream.linear.gather [spmem:s9], $0x2800, $0x38;
	[tilespmem:$0x16A00] =	vst v63  }
0xb1: {  	_ =	swait.ge [sflag:s26], $0x2800  }
0xb2: {  	[sflag:s26] =	ssyncset.done $0x0  }
0xb3: {  	[sflag:s26] =	ssyncadd.s32 $0xFFFFD800  }
0xb4: {  	[hbm4b:s17+s3] =	stream.linear.scatter [tilespmem:s25], [sflag:$0x2], $0x2800, $0x38;
	[tilespmem:$0x16A00] =	vst v63  }
0xb5: {  	_ =	swait.ge [sflag:s26], $0x2800  }
0xb6: {  	[sflag:s26] =	ssyncset.done $0x0  }
0xb7: {  	[sflag:s26] =	ssyncadd.s32 $0xFFFFD800  }
0xb8: {  	[tilespmem:s25], [sflag:$0x2] =	stream.linear.gather [spmem:s10], $0x2800, $0x38;
	[tilespmem:$0x16A00] =	vst v63  }
0xb9: {  	_ =	swait.ge [sflag:s26], $0x2800  }
0xba: {  	[sflag:s26] =	ssyncset.done $0x0  }
0xbb: {  	[sflag:s26] =	ssyncadd.s32 $0xFFFFD800  }
0xbc: {  	[hbm4b:s18+s3] =	stream.linear.scatter [tilespmem:s25], [sflag:$0x2], $0x2800, $0x38;
	[tilespmem:$0x16A00] =	vst v63  }
0xbd: {  	_ =	swait.ge [sflag:s26], $0x2800  }
0xbe: {  	[sflag:s26] =	ssyncset.done $0x0  }
0xbf: {  	[sflag:s26] =	ssyncadd.s32 $0xFFFFD800  }
0xc0: {  	[tilespmem:s25], [sflag:$0x2] =	stream.linear.gather [spmem:s11], $0x2800, $0x38;
	[tilespmem:$0x16A00] =	vst v63  }
0xc1: {  	_ =	swait.ge [sflag:s26], $0x2800  }
0xc2: {  	[sflag:s26] =	ssyncset.done $0x0  }
0xc3: {  	[sflag:s26] =	ssyncadd.s32 $0xFFFFD800  }
0xc4: {  	[hbm4b:s19+s3] =	stream.linear.scatter [tilespmem:s25], [sflag:$0x2], $0x2800, $0x38;
	[tilespmem:$0x16A00] =	vst v63  }
0xc5: {  	_ =	swait.ge [sflag:s26], $0x2800  }
0xc6: {  	[sflag:s26] =	ssyncset.done $0x0  }
0xc7: {  	[sflag:s26] =	ssyncadd.s32 $0xFFFFD800  }
0xc8: {  	[tilespmem:s25], [sflag:$0x2] =	stream.linear.gather [spmem:s12], $0x2800, $0x38;
	[tilespmem:$0x16A00] =	vst v63  }
0xc9: {  	_ =	swait.ge [sflag:s26], $0x2800  }
0xca: {  	[sflag:s26] =	ssyncset.done $0x0  }
0xcb: {  	[sflag:s26] =	ssyncadd.s32 $0xFFFFD800  }
0xcc: {  	[hbm4b:s20+s3] =	stream.linear.scatter [tilespmem:s25], [sflag:$0x2], $0x2800, $0x38;
	[tilespmem:$0x16A00] =	vst v63  }
0xcd: {  	_ =	swait.ge [sflag:s26], $0x2800  }
0xce: {  	[sflag:s26] =	ssyncset.done $0x0  }
0xcf: {  	[sflag:s26] =	ssyncadd.s32 $0xFFFFD800  }
0xd0: {  	[tilespmem:s25], [sflag:$0x2] =	stream.linear.gather [spmem:s13], $0x2800, $0x38;
	[tilespmem:$0x16A00] =	vst v63  }
0xd1: {  	_ =	swait.ge [sflag:s26], $0x2800  }
0xd2: {  	[sflag:s26] =	ssyncset.done $0x0  }
0xd3: {  	[sflag:s26] =	ssyncadd.s32 $0xFFFFD800  }
0xd4: {  	[hbm4b:s21+s3] =	stream.linear.scatter [tilespmem:s25], [sflag:$0x2], $0x2800, $0x38;
	[tilespmem:$0x16A00] =	vst v63  }
0xd5: {  	_ =	swait.ge [sflag:s26], $0x2800  }
0xd6: {  	s0 =	sadd.s32 $0x1, s0;
	s15 =	rddreg [dreg:$0x3]  }
0xd7: {  	p0 =	sne.s32 s0, s15  }
.Ltmp2:
0xd8: {  	_ = 	snop;
	(pc) =	sbr.rel @p0 .LBB2_1-.Ltmp2, $3  }
0xd9: {  	_ =	sdelay $0x1  }
0xda: {  	[sflag:s26] =	ssyncset.done $0x0  }
0xdb: {  	[sflag:s26] =	ssyncadd.s32 $0xFFFFD800  }
0xdc: {  	_ =	sfence.sel $0x180000  }
0xdd: {  	[bflag:$0x0] =	sbarrier.arrive $0xFFFF  }
0xde: {  	_ =	strace $0x9000004A  }
0xdf: {  	s0 =	stileid.u32;
	[bflag:$0x2] =	sbarrier.arrive $0xFFFF  }
0xe0: {  	p0 =	sne.s32 s0, $0x0;
	s0 =	rddreg [dreg:$0x2]  }
0xe1: {  	s0 =	sadd.s32 @!p0 $0x100000, s0  }
0xe2: {  	[sflag:s0] =	ssyncadd.tile.s32 @!p0 $0x1;
	_ =	shalt  }
.Lfunc_end2:
_tile_overlayer_lowered:
.L_overlay_start_2:
0xe3: {  	(tag) =	ssettag $0x2  }
0xe4: {  	s0 =	rddreg [dreg:$0x0];
	s2 =	stileid.u32  }
0xe5: {  	s1 =	rddreg [dreg:$0x1];
	p0 =	sne.s32 s2, $0x0  }
0xe6: {  	s3 =	rddreg [dreg:$0x2];
	[bflag:$0x3] =	sbarrier.arrive $0xFFFF;
	s2 =	simm.s32 @!p0 $0x1C02  }
0xe7: {  	[timem:s3], [sflag:s2] =	dma.local @!p0 [hbm:s0], s1  }
0xe8: {  	s0 =	simm.s32 @!p0 $0x2  }
0xe9: {  	_ =	swait.ge @!p0 [sflag:s0], s1  }
0xea: {  	s1 =	ssub.s32 @!p0 $0x0, s1;
	[sflag:s0] =	ssyncset.done @!p0 $0x0  }
0xeb: {  	[sflag:s0] =	ssyncadd.s32 @!p0 s1  }
0xec: {  	[bflag:$0x3] =	sbarrier.arrive $0xFFFF  }
0xed: {  	_ =	shalt  }

// kernel: kernel.22.cloned.1.call-start
scs
__scs_entry_jumppad:
0x0: {  	(pc) =	sbr.rel $0x88, $3  }
0x1: {  	(tag) =	ssettag $0x0;
	lr =	simm.s32 $0x1  }
0x2: {  	[smem:$0x3F94] =	sst lr;
	_ =	strace $0xD0000000  }
0x3: {  	_ = 	snop  }
0x4: {  	_ = 	snop  }
0x5: {  	_ = 	snop  }
0x6: {  	_ = 	snop  }
0x7: {  	_ = 	snop  }
__scs_overlays_trampoline_lowered:
0x8: {  	[smem:$0x3FA3] =	sst s0  }
0x9: {  	[smem:$0x3FA4] =	sst s1  }
0xa: {  	[smem:$0x3FA5] =	sst s2  }
0xb: {  	[smem:$0x3FA6] =	sst s3  }
0xc: {  	[smem:$0x3FA7] =	sst s4  }
0xd: {  	[smem:$0x3FA8] =	sst s5  }
0xe: {  	[smem:$0x3FA9] =	sst s6  }
0xf: {  	[smem:$0x3FAA] =	sst s7  }
0x10: {  	[smem:$0x3FAB] =	sst s8  }
0x11: {  	[smem:$0x3FAC] =	sst s9;
	s0 =	simm.s32 @!p0 $0x0  }
0x12: {  	s1 =	sld [smem:$0x3F92];
	s0 =	simm.s32 @p0 $0x1  }
0x13: {  	[smem:$0x3FAD] =	sst s0;
	s0 =	simm.s32 @!p1 $0x0  }
0x14: {  	s2 =	sld [smem:$0x3F91];
	s0 =	simm.s32 @p1 $0x1  }
0x15: {  	[smem:$0x3FAE] =	sst s0;
	s0 =	simm.s32 @!p2 $0x0  }
0x16: {  	s3 =	sld [smem:$0x3FDB];
	s0 =	simm.s32 @p2 $0x1  }
0x17: {  	s4 =	simm.s32 $0x1BF5;
	[smem:$0x3FB0] =	sst s0  }
0x18: {  	s0 =	sld [smem:$0x3F93];
	_ =	swait.ge [sflag:s4], $0x0  }
0x19: {  	s7 =	sld [smem:$0x3F94]  }
0x1a: {  	s8 =	sadd.s32 $0xFFFFE003, lr  }
0x1b: {  	s9 =	sadd.s32 $0xFFFFFEF7, lr;
	s5 =	simm.s32 $0xFFFFFFFF;
	p2 =	slt.u32 s8, $0xFFFFF086  }
0x1c: {  	p1 =	slt.u32 s9, $0xF7A;
	s5 =	simm.s32 @!p2 $0x0  }
0x1d: {  	s5 =	simm.s32 @p1 $0x1;
	p0 =	seq.s32 s7, s2  }
0x1e: {  	s7 =	smul.u32 @!p0 $0xF7A, s2;
	p2 =	seq.s32 @!p0 s5, $0x0  }
0x1f: {  	s9 =	smul.u32 $0xF7A, s1;
	s8 =	simm.s32 @!p0 $0x1BF5;
	p2 =	por !p2, p0  }
0x20: {  	[sflag:s8] =	ssyncset.s32 @!p0 $0xFFFFF086;
	s6 =	sadd.s32 @!p0 s3, s7;
	s7 =	simm.s32 @!p0 $0x108  }
0x21: {  	s3 =	sadd.s32 s3, s9;
	s6 =	sadd.s32 @!p0 $0x88, s6;
	s7 =	simm.s32 @p2 $0x1082  }
0x22: {  	[simem:s7], [sflag:s8] =	dma.local @!p0 [hbm:s6], $0xF7A  }
0x23: {  	s9 =	sor.u32 $0xD0000000, s2;
	s6 =	simm.s32 $0x108;
	_ =	swait.ge @!p0 [sflag:s8], $0x0  }
0x24: {  	s3 =	sadd.s32 $0x88, s3;
	s6 =	simm.s32 @!p1 $0x1082;
	[sflag:s4] =	ssyncset.s32 $0xFFFFF086  }
0x25: {  	[simem:s6], [sflag:s4] =	dma.local [hbm:s3], $0xF7A  }
0x26: {  	[smem:$0x3F94] =	sst s1;
	(tag) =	ssettag s2;
	_ =	strace s9  }
0x27: {  	s1 =	sld [smem:$0x3FA4]  }
0x28: {  	s2 =	sld [smem:$0x3FA5]  }
0x29: {  	s4 =	sld [smem:$0x3FA7]  }
0x2a: {  	p0 =	seq.s32 s5, $0x0;
	s5 =	sld [smem:$0x3FA8]  }
0x2b: {  	s6 =	sld [smem:$0x3FA9]  }
0x2c: {  	s7 =	sld [smem:$0x3FAA]  }
0x2d: {  	s3 =	simm.s32 $0x108;
	s8 =	sld [smem:$0x3FAB]  }
0x2e: {  	s3 =	simm.s32 @!p0 $0x1082;
	s9 =	sld [smem:$0x3FAC]  }
0x2f: {  	lr =	sadd.s32 s0, s3;
	s0 =	sld [smem:$0x3FA3]  }
0x30: {  	s3 =	sld [smem:$0x3FA6]  }
0x31: {  	[smem:$0x3FAF] =	sst s10  }
0x32: {  	s10 =	sld [smem:$0x3FAD];
	_ =	sdelay $0x3  }
0x33: {  	p0 =	seq.s32 s10, $0x1;
	s10 =	sld [smem:$0x3FAF];
	_ =	sdelay $0x3  }
0x34: {  	[smem:$0x3FAF] =	sst s10  }
0x35: {  	s10 =	sld [smem:$0x3FAE];
	_ =	sdelay $0x3  }
0x36: {  	p1 =	seq.s32 s10, $0x1;
	s10 =	sld [smem:$0x3FAF];
	_ =	sdelay $0x3  }
0x37: {  	[smem:$0x3FAF] =	sst s10  }
0x38: {  	s10 =	sld [smem:$0x3FB0]  }
0x39: {  	_ = 	snop;
	(pc) =	sbr.ind lr, $3  }
0x3a: {  	_ = 	snop  }
0x3b: {  	_ = 	snop  }
0x3c: {  	p2 =	seq.s32 s10, $0x1;
	s10 =	sld [smem:$0x3FAF]  }
0x3d: {  	_ =	shalt  }
0x3e: {  	_ =	shalt  }
0x3f: {  	_ =	shalt  }
0x40: {  	_ =	shalt  }
0x41: {  	_ =	shalt  }
0x42: {  	_ =	shalt  }
0x43: {  	_ =	shalt  }
0x44: {  	_ =	shalt  }
0x45: {  	_ =	shalt  }
0x46: {  	_ =	shalt  }
0x47: {  	_ =	shalt  }
0x48: {  	_ =	shalt  }
0x49: {  	_ =	shalt  }
0x4a: {  	_ =	shalt  }
0x4b: {  	_ =	shalt  }
0x4c: {  	_ =	shalt  }
0x4d: {  	_ =	shalt  }
0x4e: {  	_ =	shalt  }
0x4f: {  	_ =	shalt  }
0x50: {  	_ =	shalt  }
0x51: {  	_ =	shalt  }
0x52: {  	_ =	shalt  }
0x53: {  	_ =	shalt  }
0x54: {  	_ =	shalt  }
0x55: {  	_ =	shalt  }
0x56: {  	_ =	shalt  }
0x57: {  	_ =	shalt  }
0x58: {  	_ =	shalt  }
0x59: {  	_ =	shalt  }
0x5a: {  	_ =	shalt  }
0x5b: {  	_ =	shalt  }
0x5c: {  	_ =	shalt  }
0x5d: {  	_ =	shalt  }
0x5e: {  	_ =	shalt  }
0x5f: {  	_ =	shalt  }
0x60: {  	_ =	shalt  }
0x61: {  	_ =	shalt  }
0x62: {  	_ =	shalt  }
0x63: {  	_ =	shalt  }
0x64: {  	_ =	shalt  }
0x65: {  	_ =	shalt  }
0x66: {  	_ =	shalt  }
0x67: {  	_ =	shalt  }
0x68: {  	_ =	shalt  }
0x69: {  	_ =	shalt  }
0x6a: {  	_ =	shalt  }
0x6b: {  	_ =	shalt  }
0x6c: {  	_ =	shalt  }
0x6d: {  	_ =	shalt  }
0x6e: {  	_ =	shalt  }
0x6f: {  	_ =	shalt  }
0x70: {  	_ =	shalt  }
0x71: {  	_ =	shalt  }
0x72: {  	_ =	shalt  }
0x73: {  	_ =	shalt  }
0x74: {  	_ =	shalt  }
0x75: {  	_ =	shalt  }
0x76: {  	_ =	shalt  }
0x77: {  	_ =	shalt  }
0x78: {  	_ =	shalt  }
0x79: {  	_ =	shalt  }
0x7a: {  	_ =	shalt  }
0x7b: {  	_ =	shalt  }
0x7c: {  	_ =	shalt  }
0x7d: {  	_ =	shalt  }
0x7e: {  	_ =	shalt  }
0x7f: {  	_ =	shalt  }
0x80: {  	_ =	shalt  }
0x81: {  	_ =	shalt  }
0x82: {  	_ =	shalt  }
0x83: {  	_ =	shalt  }
0x84: {  	_ =	shalt  }
0x85: {  	_ =	shalt  }
0x86: {  	_ =	shalt  }
0x87: {  	_ =	shalt  }
.Lfunc_end0:
.L_simem_size_0:
called_computation.2_lowered:
.L_overlay_start_0:
0x88: {  	s2 =	sld [smem:$0x3FD9]  }
0x89: {  	s3 =	sld [smem:$0x3FFE];
	_ =	sdelay $0x1  }
0x8a: {  	s1 =	srdreg.scid  }
0x8b: {  	s0 =	sand.u32 $0x1, s1  }
0x8c: {  	s16 =	sshll.u32 s0, $0xA;
	s2 =	sadd.s32 s3, s2  }
0x8d: {  	s2 =	sadd.s32 s2, s16  }
0x8e: {  	[smem:$0x3FBB] =	sst s2  }
0x8f: {  	_ = 	snop  }
0x90: {  	(tm) =	ssettm $0x1  }
0x91: {  	s17 =	sld [smem:$0x3FFB];
	_ =	sdelay $0x3  }
0x92: {  	_ =	strace s17  }
0x93: {  	s2 =	sld [smem:$0x3FFC];
	_ =	sdelay $0x3  }
0x94: {  	_ =	strace s2  }
0x95: {  	s2 =	sld [smem:$0x3FFD];
	_ =	sdelay $0x3  }
0x96: {  	_ =	strace s2  }
0x97: {  	_ =	strace $0x8FFFFFFF  }
0x98: {  	s18 =	sld [smem:$0x3FDB];
	_ =	sdelay $0x1  }
0x99: {  	s19 =	simm.s32 $_scs_section_size  }
0x9a: {  	s4 =	simm.s32 $_size__tile_overlayer_lowered;
	s5 =	simm.s32 $_tile_overlayer_lowered  }
0x9b: {  	s22 =	simm.s32 $0x1BFF;
	s21 =	sshll.u32 s5, $0x1;
	s2 =	sadd.s32 s19, s18  }
0x9c: {  	s6 =	simm.s32 $0x0;
	s20 =	sshll.u32 s4, $0x1;
	s4 =	sadd.s32 s21, s2  }
0x9d: {  	[timem:s6], [sflag:s22] =	dma.local [hbm:s4], s20  }
0x9e: {  	_ =	swait.ge [sflag:s22], s20  }
0x9f: {  	s3 =	ssub.s32 $0x0, s20;
	[sflag:s22] =	ssyncset.done $0x0  }
0xa0: {  	[sflag:s22] =	ssyncadd.s32 s3;
	_ =	sdelay $0x1  }
0xa1: {  	s23 =	simm.s32 $0x1B8B  }
0xa2: {  	_ =	swait.ge [sflag:s23], $0x1  }
0xa3: {  	[sflag:s23] =	ssyncset.done $0x0  }
0xa4: {  	s25 =	simm.s32 $0x1B8E;
	s24 =	sld [smem:$0x3FFE];
	[sflag:s23] =	ssyncadd.s32 $0xFFFFFFFF  }
0xa5: {  	s26 =	simm.s32 $execute0_lowered;
	[smem:$0x3FD2] =	sst s25  }
0xa6: {  	s4 =	sshll.u32 s26, $0x1;
	_ =	strace $0x8000004C;
	[dreg:$0x1] =	wrdreg $0xFFFFFFFF  }
0xa7: {  	s28 =	simm.s32 $_size_execute0_lowered;
	s2 =	sadd.s32 s2, s4;
	[dreg:$0x0] =	wrdreg $0x0  }
0xa8: {  	s4 =	sshll.u32 s28, $0x1;
	[dreg:$0x2] =	wrdreg s2  }
0xa9: {  	[dreg:$0x3] =	wrdreg s4  }
0xaa: {  	[dreg:$0x4] =	wrdreg $0xC0  }
0xab: {  	_ =	task [dreg:s6], $0x5FFFF  }
0xac: {  	[dreg:$0x1] =	wrdreg $0xFFFFFFFF  }
0xad: {  	[dreg:$0x0] =	wrdreg $0x60  }
0xae: {  	[dreg:$0x2] =	wrdreg s24  }
0xaf: {  	[dreg:$0x3] =	wrdreg $0x2A000  }
0xb0: {  	[dreg:$0x4] =	wrdreg $0x9  }
0xb1: {  	_ =	task.clear_ibuf [dreg:s6], $0x5FFFF;
	_ =	strace $0x9000004C  }
0xb2: {  	s29 =	simm.s32 $0x9;
	_ =	strace $0x8000004E  }
0xb3: {  	_ =	swait.ge [sflag:s29], $0x1  }
0xb4: {  	[sflag:s29] =	ssyncadd.s32 $0xFFFFFFFF  }
0xb5: {  	_ =	strace $0x9000004E  }
0xb6: {  	_ =	sfence  }
0xb7: {  	s30 =	sld [smem:$0x0];
	_ =	sdelay $0x2  }
0xb8: {  	s31 =	sshll.u32 s1, $0xD;
	s1 =	sshrl.u32 s1, $0x2  }
0xb9: {  	s3 =	sand.u32 $0x4000, s31;
	s1 =	sadd.s32 s1, s30  }
0xba: {  	s0 =	sor.u32 s3, s0;
	s1 =	sshll.u32 s1, $0x11  }
0xbb: {  	s0 =	sor.u32 s1, s0  }
0xbc: {  	s0 =	sadd.s32 $0x8F2B, s0  }
0xbd: {  	[sflag:s0] =	ssyncadd.remote.s32 $0x1  }
0xbe: {  	_ =	sfence.sel $0xFFFF  }
0xbf: {  	[dreg:$0x0] =	wrdreg $0xFFFFFFFF;
	(pc) =	sbr.abs _section_cstart, $3  }
0xc0: {  	[dreg:$0x1] =	wrdreg $0xFFFFFFFF  }
0xc1: {  	_ =	task.clear_ibuf [dreg:s6], $0x2FFFF;
	_ =	strace $0x9FFFFFFF  }
0xc2: {  	(tm) =	ssettm $0x7FFFFFFF  }
0xc3: {  	_ =	shalt  }
tec
execute0_lowered:
.L_overlay_start_1:
0x0: {  	(tag) =	ssettag $0x1  }
0x1: {  	s0 =	srdreg.scid;
	s5 =	rddreg [dreg:$0x0]  }
0x2: {  	s8 =	stileid.u32;
	s2 =	rddreg [dreg:$0x1];
	s3 =	simm.s32 $0x0  }
0x3: {  	s28 =	simm.s32 $0x80;
	s29 =	simm.s32 $0x100;
	s1 =	smul.u32 $0x4E20, s8  }
0x4: {  	s30 =	simm.s32 $0x50;
	s31 =	simm.s32 $0x180;
	s6 =	smul.u32 $0x50000, s8  }
0x5: {  	s0 =	sand.u32 $0x1, s0;
	[smem:$0x7FF] =	sst s3;
	s13 =	smul.u32 $0x280, s8  }
0x6: {  	s14 =	sadd.s32 $0x160400, s5;
	s4 =	smul.u32 $0x2710, s0;
	s21 =	ssub.s32 $0x2, s0  }
0x7: {  	_ =	strace $0x8000004D;
	s0 =	smul.u32 $0x2800, s0;
	s7 =	sshrl.u32 s21, $0x1  }
0x8: {  	s6 =	sshrl.u32 s6, $0x2;
	s23 =	sor.u32 $0x50, s13;
	s16 =	sadd.s32 $0xA0, s13  }
0x9: {  	s17 =	sadd.s32 $0xF0, s13;
	s18 =	sadd.s32 $0x140, s13;
	s19 =	sadd.s32 $0x190, s13  }
0xa: {  	s20 =	sadd.s32 $0x1E0, s13;
	s1 =	sadd.s32 s4, s1;
	s4 =	sadd.s32 $0x20400, s5  }
0xb: {  	s7 =	ssub.s32 s21, s7;
	s24 =	sshll.u32 s23, $0x7;
	s25 =	sshll.u32 s16, $0x7  }
0xc: {  	s9 =	sshll.u32 s17, $0x7;
	s10 =	sshll.u32 s18, $0x7;
	s11 =	sshll.u32 s19, $0x7  }
0xd: {  	s12 =	sshll.u32 s20, $0x7;
	s21 =	sadd.s32 $0x230, s13;
	s13 =	sadd.s32 s0, s13  }
0xe: {  	s18 =	sadd.s32 s0, s18;
	s1 =	sshrl.u32 s1, $0x3;
	s22 =	smax.u32 s7, $0x1  }
0xf: {  	s7 =	sadd.s32 s24, s2;
	s8 =	sadd.s32 s25, s2;
	s9 =	sadd.s32 s9, s2  }
0x10: {  	s10 =	sadd.s32 s10, s2;
	s11 =	sadd.s32 s11, s2;
	s12 =	sadd.s32 s12, s2  }
0x11: {  	s15 =	sshll.u32 s21, $0x7;
	s24 =	sshll.u32 s18, $0x4;
	s25 =	sadd.s32 s0, s19  }
0x12: {  	s1 =	sadd.s32 s1, s5;
	s5 =	sadd.s32 s6, s2;
	[dreg:$0x3] =	wrdreg s22  }
0x13: {  	s22 =	sshll.u32 s13, $0x4;
	s6 =	sadd.s32 s0, s23;
	s13 =	sadd.s32 s15, s2  }
0x14: {  	s23 =	sadd.s32 s0, s17;
	s18 =	sadd.s32 s14, s24;
	s26 =	sadd.s32 s14, s22  }
0x15: {  	s6 =	sshll.u32 s6, $0x4;
	s22 =	sadd.s32 s0, s16;
	s17 =	sshll.u32 s23, $0x4  }
0x16: {  	s23 =	sadd.s32 $0x16600, s1;
	s24 =	sadd.s32 $0xC800, s1;
	[dreg:$0x4] =	wrdreg s26  }
0x17: {  	s6 =	sadd.s32 s14, s6;
	s17 =	sadd.s32 s14, s17;
	s26 =	sadd.s32 s0, s20  }
0x18: {  	s0 =	sadd.s32 s0, s21;
	[dreg:$0x5] =	wrdreg s6;
	s6 =	sshll.u32 s22, $0x4  }
0x19: {  	s20 =	sshll.u32 s26, $0x4;
	s0 =	sshll.u32 s0, $0x4;
	s22 =	sadd.s32 $0x2A00, s1  }
0x1a: {  	s26 =	simm.s32 $0x2;
	s1 =	simm.s32 $0x1;
	s16 =	sadd.s32 s14, s6  }
0x1b: {  	s6 =	sshll.u32 s25, $0x4;
	s20 =	sadd.s32 s14, s20;
	s21 =	sadd.s32 s14, s0  }
0x1c: {  	v0 =	vimm.f32 $0.0e+00;
	s25 =	simm.s32 $0x200;
	s0 =	simm.s32 $0x0;
	s19 =	sadd.s32 s14, s6  }
.LBB2_1:
0x1d: {  	s6 =	simm.s32 $0x0;
	s14 =	simm.s32 $0x200  }
.LBB2_2:
0x1e: {  	p0 =	sne.s32 s14, $0x9E00;
	[tilespmem:s6+$0x270] =	vst v0  }
0x1f: {  	[tilespmem:s6+$0x200] =	vst v0  }
0x20: {  	[tilespmem:s6+$0x210] =	vst v0  }
.Ltmp0:
0x21: {  	[tilespmem:s6+$0x220] =	vst v0;
	(pc) =	sbr.rel @p0 .LBB2_2-.Ltmp0, $4  }
0x22: {  	[tilespmem:s6+$0x230] =	vst v0  }
0x23: {  	[tilespmem:s6+$0x240] =	vst v0  }
0x24: {  	[tilespmem:s6+$0x250] =	vst v0  }
0x25: {  	[tilespmem:s6+$0x260] =	vst v0;
	s6 =	sshra.s32 s14, $0x2;
	s14 =	sadd.s32 $0x200, s14  }
0x26: {  	[tilespmem:s6+$0x270] =	vst v0  }
0x27: {  	[tilespmem:s6+$0x200] =	vst v0  }
0x28: {  	[tilespmem:s6+$0x210] =	vst v0  }
0x29: {  	[tilespmem:s6+$0x220] =	vst v0  }
0x2a: {  	[tilespmem:s6+$0x230] =	vst v0  }
0x2b: {  	[tilespmem:s6+$0x240] =	vst v0  }
0x2c: {  	[tilespmem:s6+$0x250] =	vst v0  }
0x2d: {  	[tilespmem:s6+$0x260] =	vst v0  }
0x2e: {  	[spmem:s5] =	stream.linear.scatter [tilespmem:s25], [sflag:$0x2], $0x2800, $0x38;
	[tilespmem:$0x16A00] =	vst v63  }
0x2f: {  	_ =	swait.ge [sflag:s26], $0x2800  }
0x30: {  	[sflag:s26] =	ssyncset.done $0x0  }
0x31: {  	[sflag:s26] =	ssyncadd.s32 $0xFFFFD800  }
0x32: {  	[spmem:s7] =	stream.linear.scatter [tilespmem:s25], [sflag:$0x2], $0x2800, $0x38;
	[tilespmem:$0x16A00] =	vst v63  }
0x33: {  	_ =	swait.ge [sflag:s26], $0x2800  }
0x34: {  	[sflag:s26] =	ssyncset.done $0x0  }
0x35: {  	[sflag:s26] =	ssyncadd.s32 $0xFFFFD800  }
0x36: {  	[spmem:s8] =	stream.linear.scatter [tilespmem:s25], [sflag:$0x2], $0x2800, $0x38;
	[tilespmem:$0x16A00] =	vst v63  }
0x37: {  	_ =	swait.ge [sflag:s26], $0x2800  }
0x38: {  	[sflag:s26] =	ssyncset.done $0x0  }
0x39: {  	[sflag:s26] =	ssyncadd.s32 $0xFFFFD800  }
0x3a: {  	[spmem:s9] =	stream.linear.scatter [tilespmem:s25], [sflag:$0x2], $0x2800, $0x38;
	[tilespmem:$0x16A00] =	vst v63  }
0x3b: {  	_ =	swait.ge [sflag:s26], $0x2800  }
0x3c: {  	[sflag:s26] =	ssyncset.done $0x0  }
0x3d: {  	[sflag:s26] =	ssyncadd.s32 $0xFFFFD800  }
0x3e: {  	[spmem:s10] =	stream.linear.scatter [tilespmem:s25], [sflag:$0x2], $0x2800, $0x38;
	[tilespmem:$0x16A00] =	vst v63  }
0x3f: {  	_ =	swait.ge [sflag:s26], $0x2800  }
0x40: {  	[sflag:s26] =	ssyncset.done $0x0  }
0x41: {  	[sflag:s26] =	ssyncadd.s32 $0xFFFFD800  }
0x42: {  	[spmem:s11] =	stream.linear.scatter [tilespmem:s25], [sflag:$0x2], $0x2800, $0x38;
	[tilespmem:$0x16A00] =	vst v63  }
0x43: {  	_ =	swait.ge [sflag:s26], $0x2800  }
0x44: {  	[sflag:s26] =	ssyncset.done $0x0  }
0x45: {  	[sflag:s26] =	ssyncadd.s32 $0xFFFFD800  }
0x46: {  	[spmem:s12] =	stream.linear.scatter [tilespmem:s25], [sflag:$0x2], $0x2800, $0x38;
	[tilespmem:$0x16A00] =	vst v63  }
0x47: {  	_ =	swait.ge [sflag:s26], $0x2800  }
0x48: {  	[sflag:s26] =	ssyncset.done $0x0  }
0x49: {  	[sflag:s26] =	ssyncadd.s32 $0xFFFFD800  }
0x4a: {  	[spmem:s13] =	stream.linear.scatter [tilespmem:s25], [sflag:$0x2], $0x2800, $0x38;
	[tilespmem:$0x16A00] =	vst v63  }
0x4b: {  	_ =	swait.ge [sflag:s26], $0x2800  }
0x4c: {  	[sflag:s26] =	ssyncset.done $0x0  }
0x4d: {  	[sflag:s26] =	ssyncadd.s32 $0xFFFFD800  }
0x4e: {  	s15 =	sadd.s32 $0x0, s24;
	[bflag:$0x0] =	sbarrier.arrive $0xFFFF  }
0x4f: {  	[tilespmem:s3], [sflag:$0x2] =	stream.linear.gather [hbm4b:s15+s3], $0x50, $0x38;
	[tilespmem:$0x16A00] =	vst v63  }
0x50: {  	_ =	swait.ge [sflag:s26], $0x50  }
0x51: {  	[sflag:s26] =	ssyncset.done $0x0  }
0x52: {  	s14 =	sadd.s32 $0x0, s23;
	[sflag:s26] =	ssyncadd.s32 $0xFFFFFFB0  }
0x53: {  	[tilespmem:s28], [sflag:$0x2] =	stream.linear.gather [hbm4b:s14+s3], $0x50, $0x38;
	[tilespmem:$0x16A00] =	vst v63  }
0x54: {  	_ =	swait.ge [sflag:s26], $0x50  }
0x55: {  	[sflag:s26] =	ssyncset.done $0x0  }
0x56: {  	s15 =	sadd.s32 $0x0, s22;
	[sflag:s26] =	ssyncadd.s32 $0xFFFFFFB0  }
0x57: {  	[tilespmem:s29], [sflag:$0x2] =	stream.linear.gather [hbm4b:s15+s3], $0x50, $0x38;
	[tilespmem:$0x16A00] =	vst v63  }
0x58: {  	_ =	swait.ge [sflag:s26], $0x50  }
0x59: {  	[sflag:s26] =	ssyncset.done $0x0  }
0x5a: {  	[sflag:s26] =	ssyncadd.s32 $0xFFFFFFB0  }
0x5b: {  	v1 =	vld [tilespmem:$0x40]  }
0x5c: {  	v4 =	vld [tilespmem:$0xC0]  }
0x5d: {  	v2 =	vld [tilespmem:$0x20]  }
0x5e: {  	v3 =	vld [tilespmem:$0x30]  }
0x5f: {  	v5 =	vld [tilespmem:$0xB0]  }
0x60: {  	v6 =	vld [tilespmem:$0xA0]  }
0x61: {  	v7 =	vld [tilespmem:$0x90];
	v4 =	vmul.u32 $0x2800, v4  }
0x62: {  	v8 =	vld [tilespmem:$0x80]  }
0x63: {  	v9 =	vld [tilespmem:$0x10];
	v1 =	vadd.s32 v1, v4  }
0x64: {  	v5 =	vmul.u32 $0x2800, v5;
	[tilespmem:$0x1C0] =	vst v1;
	v1 =	vld [tilespmem:$0x0]  }
0x65: {  	v6 =	vmul.u32 $0x2800, v6  }
0x66: {  	v4 =	vmul.u32 $0x2800, v7;
	v3 =	vadd.s32 v3, v5  }
0x67: {  	v5 =	vadd.s32 v2, v6;
	v2 =	vmul.u32 $0x2800, v8;
	[tilespmem:$0x1B0] =	vst v3  }
0x68: {  	s6 =	simm.s32 $0xA;
	[tilespmem:$0x1A0] =	vst v5;
	v3 =	vadd.s32 v9, v4  }
.LBB2_4:
0x69: {  	p0 =	sne.s32 s6, $0x4D8;
	v1 =	vadd.s32 v1, v2;
	[tilespmem:$0x190] =	vst v3;
	s14 =	smov.u32 s6;
	s6 =	sadd.s32 $0xA, s6  }
0x6a: {  	[tilespmem:$0x180] =	vst v1  }
0x6b: {  	[tilespmem:s25], [sflag:$0x1] =	stream.indirect.gather [hbm4b:s4+s30], $0x80, s31, s30, $0xb8;
	[tilespmem:$0x16A00] =	vst v63  }
0x6c: {  	_ =	swait.ge [sflag:s1], $0x2800  }
0x6d: {  	[sflag:s1] =	ssyncset.done $0x0  }
0x6e: {  	[sflag:s1] =	ssyncadd.s32 $0xFFFFD800  }
0x6f: {  	[spmem:s2] =	stream.indirect.scatter.add.f32 [tilespmem:s25], [sflag:$0x2], $0x80, s29, s30, $0xb8;
	[tilespmem:$0x16A00] =	vst v63  }
0x70: {  	s15 =	sadd.s32 s14, s24;
	_ =	swait.ge [sflag:s26], $0x2800  }
0x71: {  	[sflag:s26] =	ssyncset.done $0x0  }
0x72: {  	[sflag:s26] =	ssyncadd.s32 $0xFFFFD800  }
0x73: {  	[tilespmem:s3], [sflag:$0x2] =	stream.linear.gather [hbm4b:s15+s3], $0x50, $0x38;
	[tilespmem:$0x16A00] =	vst v63  }
0x74: {  	_ =	swait.ge [sflag:s26], $0x50  }
0x75: {  	[sflag:s26] =	ssyncset.done $0x0  }
0x76: {  	s15 =	sadd.s32 s14, s23;
	[sflag:s26] =	ssyncadd.s32 $0xFFFFFFB0  }
0x77: {  	[tilespmem:s28], [sflag:$0x2] =	stream.linear.gather [hbm4b:s15+s3], $0x50, $0x38;
	[tilespmem:$0x16A00] =	vst v63  }
0x78: {  	_ =	swait.ge [sflag:s26], $0x50  }
0x79: {  	[sflag:s26] =	ssyncset.done $0x0  }
0x7a: {  	s14 =	sadd.s32 s14, s22;
	[sflag:s26] =	ssyncadd.s32 $0xFFFFFFB0  }
0x7b: {  	[tilespmem:s29], [sflag:$0x2] =	stream.linear.gather [hbm4b:s14+s3], $0x50, $0x38;
	[tilespmem:$0x16A00] =	vst v63  }
0x7c: {  	_ =	swait.ge [sflag:s26], $0x50  }
0x7d: {  	[sflag:s26] =	ssyncset.done $0x0  }
0x7e: {  	[sflag:s26] =	ssyncadd.s32 $0xFFFFFFB0  }
0x7f: {  	v2 =	vld [tilespmem:$0x40]  }
0x80: {  	v3 =	vld [tilespmem:$0x20]  }
0x81: {  	v4 =	vld [tilespmem:$0x30]  }
0x82: {  	v1 =	vld [tilespmem:$0xC0]  }
0x83: {  	v5 =	vld [tilespmem:$0xB0]  }
0x84: {  	v6 =	vld [tilespmem:$0xA0]  }
0x85: {  	v7 =	vld [tilespmem:$0x90]  }
0x86: {  	v8 =	vld [tilespmem:$0x80]  }
0x87: {  	v9 =	vld [tilespmem:$0x10];
	v10 =	vmul.u32 $0x2800, v1  }
.Ltmp1:
0x88: {  	v1 =	vld [tilespmem:$0x0];
	v5 =	vmul.u32 $0x2800, v5;
	(pc) =	sbr.rel @p0 .LBB2_4-.Ltmp1, $4  }
0x89: {  	v6 =	vmul.u32 $0x2800, v6;
	v2 =	vadd.s32 v2, v10  }
0x8a: {  	v7 =	vmul.u32 $0x2800, v7;
	v4 =	vadd.s32 v4, v5;
	[tilespmem:$0x1C0] =	vst v2  }
0x8b: {  	v2 =	vmul.u32 $0x2800, v8;
	v5 =	vadd.s32 v3, v6;
	[tilespmem:$0x1B0] =	vst v4  }
0x8c: {  	v3 =	vadd.s32 v9, v7;
	[tilespmem:$0x1A0] =	vst v5  }
0x8d: {  	v1 =	vadd.s32 v1, v2;
	[tilespmem:$0x190] =	vst v3  }
0x8e: {  	[tilespmem:$0x180] =	vst v1  }
0x8f: {  	[tilespmem:s25], [sflag:$0x1] =	stream.indirect.gather [hbm4b:s4+s30], $0x80, s31, s30, $0xb8;
	[tilespmem:$0x16A00] =	vst v63  }
0x90: {  	_ =	swait.ge [sflag:s1], $0x2800  }
0x91: {  	[sflag:s1] =	ssyncset.done $0x0  }
0x92: {  	[sflag:s1] =	ssyncadd.s32 $0xFFFFD800  }
0x93: {  	[spmem:s2] =	stream.indirect.scatter.add.f32 [tilespmem:s25], [sflag:$0x2], $0x80, s29, s30, $0xb8;
	[tilespmem:$0x16A00] =	vst v63  }
0x94: {  	_ =	swait.ge [sflag:s26], $0x2800  }
0x95: {  	[sflag:s26] =	ssyncset.done $0x0  }
0x96: {  	[sflag:s26] =	ssyncadd.s32 $0xFFFFD800  }
0x97: {  	[bflag:$0x0] =	sbarrier.arrive $0xFFFF  }
0x98: {  	[tilespmem:s25], [sflag:$0x2] =	stream.linear.gather [spmem:s5], $0x2800, $0x38;
	[tilespmem:$0x16A00] =	vst v63  }
0x99: {  	_ =	swait.ge [sflag:s26], $0x2800  }
0x9a: {  	[sflag:s26] =	ssyncset.done $0x0  }
0x9b: {  	s6 =	rddreg [dreg:$0x4];
	[sflag:s26] =	ssyncadd.s32 $0xFFFFD800  }
0x9c: {  	[hbm4b:s6+s3] =	stream.linear.scatter [tilespmem:s25], [sflag:$0x2], $0x2800, $0x38;
	[tilespmem:$0x16A00] =	vst v63  }
0x9d: {  	_ =	swait.ge [sflag:s26], $0x2800  }
0x9e: {  	[sflag:s26] =	ssyncset.done $0x0  }
0x9f: {  	[sflag:s26] =	ssyncadd.s32 $0xFFFFD800  }
0xa0: {  	[tilespmem:s25], [sflag:$0x2] =	stream.linear.gather [spmem:s7], $0x2800, $0x38;
	[tilespmem:$0x16A00] =	vst v63  }
0xa1: {  	_ =	swait.ge [sflag:s26], $0x2800  }
0xa2: {  	[sflag:s26] =	ssyncset.done $0x0  }
0xa3: {  	s14 =	rddreg [dreg:$0x5];
	[sflag:s26] =	ssyncadd.s32 $0xFFFFD800  }
0xa4: {  	[hbm4b:s14+s3] =	stream.linear.scatter [tilespmem:s25], [sflag:$0x2], $0x2800, $0x38;
	[tilespmem:$0x16A00] =	vst v63  }
0xa5: {  	_ =	swait.ge [sflag:s26], $0x2800  }
0xa6: {  	[sflag:s26] =	ssyncset.done $0x0  }
0xa7: {  	[sflag:s26] =	ssyncadd.s32 $0xFFFFD800  }
0xa8: {  	[tilespmem:s25], [sflag:$0x2] =	stream.linear.gather [spmem:s8], $0x2800, $0x38;
	[tilespmem:$0x16A00] =	vst v63  }
0xa9: {  	_ =	swait.ge [sflag:s26], $0x2800  }
0xaa: {  	[sflag:s26] =	ssyncset.done $0x0  }
0xab: {  	[sflag:s26] =	ssyncadd.s32 $0xFFFFD800  }
0xac: {  	[hbm4b:s16+s3] =	stream.linear.scatter [tilespmem:s25], [sflag:$0x2], $0x2800, $0x38;
	[tilespmem:$0x16A00] =	vst v63  }
0xad: {  	_ =	swait.ge [sflag:s26], $0x2800  }
0xae: {  	[sflag:s26] =	ssyncset.done $0x0  }
0xaf: {  	[sflag:s26] =	ssyncadd.s32 $0xFFFFD800  }
0xb0: {  	[tilespmem:s25], [sflag:$0x2] =	stream.linear.gather [spmem:s9], $0x2800, $0x38;
	[tilespmem:$0x16A00] =	vst v63  }
0xb1: {  	_ =	swait.ge [sflag:s26], $0x2800  }
0xb2: {  	[sflag:s26] =	ssyncset.done $0x0  }
0xb3: {  	[sflag:s26] =	ssyncadd.s32 $0xFFFFD800  }
0xb4: {  	[hbm4b:s17+s3] =	stream.linear.scatter [tilespmem:s25], [sflag:$0x2], $0x2800, $0x38;
	[tilespmem:$0x16A00] =	vst v63  }
0xb5: {  	_ =	swait.ge [sflag:s26], $0x2800  }
0xb6: {  	[sflag:s26] =	ssyncset.done $0x0  }
0xb7: {  	[sflag:s26] =	ssyncadd.s32 $0xFFFFD800  }
0xb8: {  	[tilespmem:s25], [sflag:$0x2] =	stream.linear.gather [spmem:s10], $0x2800, $0x38;
	[tilespmem:$0x16A00] =	vst v63  }
0xb9: {  	_ =	swait.ge [sflag:s26], $0x2800  }
0xba: {  	[sflag:s26] =	ssyncset.done $0x0  }
0xbb: {  	[sflag:s26] =	ssyncadd.s32 $0xFFFFD800  }
0xbc: {  	[hbm4b:s18+s3] =	stream.linear.scatter [tilespmem:s25], [sflag:$0x2], $0x2800, $0x38;
	[tilespmem:$0x16A00] =	vst v63  }
0xbd: {  	_ =	swait.ge [sflag:s26], $0x2800  }
0xbe: {  	[sflag:s26] =	ssyncset.done $0x0  }
0xbf: {  	[sflag:s26] =	ssyncadd.s32 $0xFFFFD800  }
0xc0: {  	[tilespmem:s25], [sflag:$0x2] =	stream.linear.gather [spmem:s11], $0x2800, $0x38;
	[tilespmem:$0x16A00] =	vst v63  }
0xc1: {  	_ =	swait.ge [sflag:s26], $0x2800  }
0xc2: {  	[sflag:s26] =	ssyncset.done $0x0  }
0xc3: {  	[sflag:s26] =	ssyncadd.s32 $0xFFFFD800  }
0xc4: {  	[hbm4b:s19+s3] =	stream.linear.scatter [tilespmem:s25], [sflag:$0x2], $0x2800, $0x38;
	[tilespmem:$0x16A00] =	vst v63  }
0xc5: {  	_ =	swait.ge [sflag:s26], $0x2800  }
0xc6: {  	[sflag:s26] =	ssyncset.done $0x0  }
0xc7: {  	[sflag:s26] =	ssyncadd.s32 $0xFFFFD800  }
0xc8: {  	[tilespmem:s25], [sflag:$0x2] =	stream.linear.gather [spmem:s12], $0x2800, $0x38;
	[tilespmem:$0x16A00] =	vst v63  }
0xc9: {  	_ =	swait.ge [sflag:s26], $0x2800  }
0xca: {  	[sflag:s26] =	ssyncset.done $0x0  }
0xcb: {  	[sflag:s26] =	ssyncadd.s32 $0xFFFFD800  }
0xcc: {  	[hbm4b:s20+s3] =	stream.linear.scatter [tilespmem:s25], [sflag:$0x2], $0x2800, $0x38;
	[tilespmem:$0x16A00] =	vst v63  }
0xcd: {  	_ =	swait.ge [sflag:s26], $0x2800  }
0xce: {  	[sflag:s26] =	ssyncset.done $0x0  }
0xcf: {  	[sflag:s26] =	ssyncadd.s32 $0xFFFFD800  }
0xd0: {  	[tilespmem:s25], [sflag:$0x2] =	stream.linear.gather [spmem:s13], $0x2800, $0x38;
	[tilespmem:$0x16A00] =	vst v63  }
0xd1: {  	_ =	swait.ge [sflag:s26], $0x2800  }
0xd2: {  	[sflag:s26] =	ssyncset.done $0x0  }
0xd3: {  	[sflag:s26] =	ssyncadd.s32 $0xFFFFD800  }
0xd4: {  	[hbm4b:s21+s3] =	stream.linear.scatter [tilespmem:s25], [sflag:$0x2], $0x2800, $0x38;
	[tilespmem:$0x16A00] =	vst v63  }
0xd5: {  	_ =	swait.ge [sflag:s26], $0x2800  }
0xd6: {  	s0 =	sadd.s32 $0x1, s0;
	s15 =	rddreg [dreg:$0x3]  }
0xd7: {  	p0 =	sne.s32 s0, s15  }
.Ltmp2:
0xd8: {  	_ = 	snop;
	(pc) =	sbr.rel @p0 .LBB2_1-.Ltmp2, $3  }
0xd9: {  	_ =	sdelay $0x1  }
0xda: {  	[sflag:s26] =	ssyncset.done $0x0  }
0xdb: {  	[sflag:s26] =	ssyncadd.s32 $0xFFFFD800  }
0xdc: {  	_ =	sfence.sel $0x180000  }
0xdd: {  	[bflag:$0x0] =	sbarrier.arrive $0xFFFF  }
0xde: {  	_ =	strace $0x9000004D  }
0xdf: {  	s0 =	stileid.u32;
	[bflag:$0x2] =	sbarrier.arrive $0xFFFF  }
0xe0: {  	p0 =	sne.s32 s0, $0x0;
	s0 =	rddreg [dreg:$0x2]  }
0xe1: {  	s0 =	sadd.s32 @!p0 $0x100000, s0  }
0xe2: {  	[sflag:s0] =	ssyncadd.tile.s32 @!p0 $0x1;
	_ =	shalt  }
.Lfunc_end2:
_tile_overlayer_lowered:
.L_overlay_start_2:
0xe3: {  	(tag) =	ssettag $0x2  }
0xe4: {  	s0 =	rddreg [dreg:$0x0];
	s2 =	stileid.u32  }
0xe5: {  	s1 =	rddreg [dreg:$0x1];
	p0 =	sne.s32 s2, $0x0  }
0xe6: {  	s3 =	rddreg [dreg:$0x2];
	[bflag:$0x3] =	sbarrier.arrive $0xFFFF;
	s2 =	simm.s32 @!p0 $0x1C02  }
0xe7: {  	[timem:s3], [sflag:s2] =	dma.local @!p0 [hbm:s0], s1  }
0xe8: {  	s0 =	simm.s32 @!p0 $0x2  }
0xe9: {  	_ =	swait.ge @!p0 [sflag:s0], s1  }
0xea: {  	s1 =	ssub.s32 @!p0 $0x0, s1;
	[sflag:s0] =	ssyncset.done @!p0 $0x0  }
0xeb: {  	[sflag:s0] =	ssyncadd.s32 @!p0 s1  }
0xec: {  	[bflag:$0x3] =	sbarrier.arrive $0xFFFF  }
0xed: {  	_ =	shalt  }

</sc_bundles>
